<compile_context>
chip_gen: v7x
topology: tpu7x:2x2x1
jax: 0.10.2.dev20260603
libtpu: 0.0.44.dev20260713+nightly
codegen_flags: <defaults>
</compile_context>

<pallas_src>
import functools

import jax
import jax.numpy as jnp
from jax import lax
from jax.experimental import pallas as pl
from jax.experimental.pallas import tpu as pltpu
from jax.experimental.pallas import tpu_sc as plsc

B, S, D = 4, 2048, 1024
NC, NS = 2, 16
NW = NC * NS
ROWS_PER_W = S // NW
CH = 8
CHD = CH * D
NK = ROWS_PER_W // CH
NJOBS = B * NK
NBUF = 4
LA = 2

_mesh = plsc.VectorSubcoreMesh(
    core_axis_name="c", subcore_axis_name="s", num_cores=NC, num_subcores=NS
)


def _sc_body(in_hbm, pos_hbm, out_hbm, pos_v, *rest):
    bufs = rest[:NBUF]
    in_sems = rest[NBUF : 2 * NBUF]
    out_sems = rest[2 * NBUF : 3 * NBUF]
    wid = lax.axis_index("s") * NC + lax.axis_index("c")
    base = wid * ROWS_PER_W

    pltpu.sync_copy(pos_hbm.at[pl.ds(base * D, ROWS_PER_W * D)], pos_v)

    def job_off(j):
        b, k = divmod(j, NK)
        return (b * S + k * CH) * D + base * D

    def start_in(j, t):
        pltpu.async_copy(in_hbm.at[pl.ds(job_off(j), CHD)], bufs[t], in_sems[t])

    def wait_in(t):
        pltpu.make_async_copy(
            in_hbm.at[pl.ds(0, CHD)], bufs[t], in_sems[t]
        ).wait()

    def start_out(j, t):
        pltpu.async_copy(
            bufs[t], out_hbm.at[pl.ds(job_off(j), CHD)], out_sems[t]
        )

    def wait_out(t):
        pltpu.make_async_copy(
            in_hbm.at[pl.ds(0, CHD)], bufs[t], out_sems[t]
        ).wait()

    for j in range(LA):
        start_in(j, j % NBUF)
    for j in range(NJOBS):
        t = j % NBUF
        jn = j + LA
        if jn < NJOBS:
            tn = jn % NBUF
            if jn - NBUF >= 0:
                wait_out(tn)
            start_in(jn, tn)
        wait_in(t)
        p0 = (j % NK) * CHD
        buf = bufs[t]

        @plsc.parallel_loop(0, CHD, 16, unroll=4)
        def _(i):
            plsc.addupdate(buf.at[pl.ds(i, 16)], pos_v[pl.ds(p0 + i, 16)])

        start_out(j, t)
    for j in range(NJOBS - NBUF, NJOBS):
        wait_out(j % NBUF)


def _sc_add(inputs, pos_table):
    f = pl.kernel(
        _sc_body,
        out_type=jax.ShapeDtypeStruct((B * S * D,), jnp.float32),
        mesh=_mesh,
        scratch_types=[pltpu.VMEM((ROWS_PER_W * D,), jnp.float32)]
        + [pltpu.VMEM((CHD,), jnp.float32) for _ in range(NBUF)]
        + [pltpu.SemaphoreType.DMA for _ in range(2 * NBUF)],
    )
    out = f(inputs.reshape(-1), pos_table.reshape(-1))
    return out.reshape(B, S, D)


def _tc_add_kernel(x_ref, p_ref, o_ref):
    o_ref[...] = x_ref[...] + p_ref[...]


def _tc_add(inputs, pos_table):
    b, l, d = inputs.shape
    bl = 2048
    grid = (l // bl, b)
    return pl.pallas_call(
        _tc_add_kernel,
        grid=grid,
        in_specs=[
            pl.BlockSpec((1, bl, d), lambda i, bb: (bb, i, 0)),
            pl.BlockSpec((bl, d), lambda i, bb: (i, 0)),
        ],
        out_specs=pl.BlockSpec((1, bl, d), lambda i, bb: (bb, i, 0)),
        out_shape=jax.ShapeDtypeStruct(inputs.shape, inputs.dtype),
    )(inputs, pos_table)


def kernel(inputs, pos_table):
    return _sc_add(inputs, pos_table)

# --- scband reference (transcript-rebuilt; emitter-appended) ---
"""Pipeline reference for scband-positional-embedding-2276332666922 (READ-ONLY COPY).

The authoritative reference and input builder live on the scoring server;
editing this copy changes nothing except your own understanding.
"""

import jax, jax.numpy as jnp
import numpy as np

SEQ_LEN = 2048
EMBED_DIM = 1024
BATCH = 4

def setup_inputs(seed: int = 0) -> dict:
    key = jax.random.key(seed)
    k1, k2 = jax.random.split(key)
    inputs = jax.random.normal(k1, (BATCH, SEQ_LEN, EMBED_DIM), dtype=jnp.float32)
    # Keras Embedding default init: uniform(-0.05, 0.05)
    pos_table = jax.random.uniform(k2, (SEQ_LEN, EMBED_DIM), dtype=jnp.float32, minval=-0.05, maxval=0.05)
    return {"inputs": inputs, "pos_table": pos_table}

def reference(inputs, pos_table):
    # token_embeddings is Identity, so inputs pass through unchanged.
    length = inputs.shape[1]
    positions = jnp.arange(0, length, 1)
    embedded_positions = jnp.take(pos_table, positions, axis=0)  # gather -> [L, D]
    return inputs + embedded_positions[None, :, :]

if __name__ == "__main__":
    import jax
    _d = setup_inputs()
    print(jax.jit(kernel)(*tuple(_d.values())))

</pallas_src>

<mosaic_0001>
#map = affine_map<(d0, d1) -> (0)>
module attributes {stable_mosaic.version = 14 : i64} {
  func.func @_sc_body(%arg0: i32, %arg1: i32, %arg2: memref<8388608xf32, #tpu.memory_space<hbm>>, %arg3: memref<2097152xf32, #tpu.memory_space<hbm>>, %arg4: memref<8388608xf32, #tpu.memory_space<hbm>>, %arg5: memref<65536xf32, #tpu.memory_space<vmem>>, %arg6: memref<8192xf32, #tpu.memory_space<vmem>>, %arg7: memref<8192xf32, #tpu.memory_space<vmem>>, %arg8: memref<8192xf32, #tpu.memory_space<vmem>>, %arg9: memref<8192xf32, #tpu.memory_space<vmem>>, %arg10: memref<!tpu.dma_semaphore, #tpu.memory_space<semaphore_mem>>, %arg11: memref<!tpu.dma_semaphore, #tpu.memory_space<semaphore_mem>>, %arg12: memref<!tpu.dma_semaphore, #tpu.memory_space<semaphore_mem>>, %arg13: memref<!tpu.dma_semaphore, #tpu.memory_space<semaphore_mem>>, %arg14: memref<!tpu.dma_semaphore, #tpu.memory_space<semaphore_mem>>, %arg15: memref<!tpu.dma_semaphore, #tpu.memory_space<semaphore_mem>>, %arg16: memref<!tpu.dma_semaphore, #tpu.memory_space<semaphore_mem>>, %arg17: memref<!tpu.dma_semaphore, #tpu.memory_space<semaphore_mem>>) attributes {dimension_semantics = [#tpu.dimension_semantics<core_parallel>, #tpu.dimension_semantics<subcore_parallel>], iteration_bounds = array<i64: 2, 16>, scalar_prefetch = 0 : i64, scratch_operands = 13 : i64, tpu.core_type = #tpu.core_type<sc_vector_subcore>, window_params = [{transform_indices = #map}, {transform_indices = #map}, {transform_indices = #map}]} {
    %mul3A = arith.constant 2 : i32
    %mul3A_0 = arith.muli %arg1, %mul3A : i32
    %add3A = arith.addi %mul3A_0, %arg0 : i32
    %mul3A_1 = arith.constant 64 : i32
    %mul3A_2 = arith.muli %add3A, %mul3A_1 : i32
    %mul3A_3 = arith.constant 1024 : i32
    %mul3A_4 = arith.muli %mul3A_2, %mul3A_3 : i32
    "tpu.region"() ({
      %run_scoped3A = tpu.sem_alloc : memref<!tpu.dma_semaphore, #tpu.memory_space<semaphore_mem>>
      %dma_start3A_738 = tpu.memref_slice %arg3[%mul3A_4] : memref<2097152xf32, #tpu.memory_space<hbm>> -> memref<65536xf32, #tpu.memory_space<hbm>>
      %dma_start3A_739 = tpu.memref_slice %arg3[%mul3A_4] : memref<2097152xf32, #tpu.memory_space<hbm>> -> memref<65536xf32, #tpu.memory_space<hbm>>
      tpu.enqueue_dma source(%dma_start3A_739 : memref<65536xf32, #tpu.memory_space<hbm>>) target(%arg5 : memref<65536xf32, #tpu.memory_space<vmem>>) target_semaphore(%run_scoped3A : memref<!tpu.dma_semaphore, #tpu.memory_space<semaphore_mem>>)
      %dma_wait3A_740 = tpu.memref_slice %arg3[%mul3A_4] : memref<2097152xf32, #tpu.memory_space<hbm>> -> memref<65536xf32, #tpu.memory_space<hbm>>
      %dma_wait3A_741 = tpu.memref_slice %arg3[%mul3A_4] : memref<2097152xf32, #tpu.memory_space<hbm>> -> memref<65536xf32, #tpu.memory_space<hbm>>
      tpu.wait_dma2 semaphore(%run_scoped3A : memref<!tpu.dma_semaphore, #tpu.memory_space<semaphore_mem>>) src(%dma_wait3A_741 : memref<65536xf32, #tpu.memory_space<hbm>>) dst(%arg5 : memref<65536xf32, #tpu.memory_space<vmem>>)
      tpu.yield
    }) : () -> ()
    %mul3A_5 = arith.constant 1024 : i32
    %mul3A_6 = arith.muli %mul3A_2, %mul3A_5 : i32
    %add3A_7 = arith.constant 0 : i32
    %add3A_8 = arith.addi %add3A_7, %mul3A_6 : i32
    %dma_start3A = tpu.memref_slice %arg2[%add3A_8] : memref<8388608xf32, #tpu.memory_space<hbm>> -> memref<8192xf32, #tpu.memory_space<hbm>>
    %dma_start3A_9 = tpu.memref_slice %arg2[%add3A_8] : memref<8388608xf32, #tpu.memory_space<hbm>> -> memref<8192xf32, #tpu.memory_space<hbm>>
    tpu.enqueue_dma source(%dma_start3A_9 : memref<8192xf32, #tpu.memory_space<hbm>>) target(%arg6 : memref<8192xf32, #tpu.memory_space<vmem>>) target_semaphore(%arg10 : memref<!tpu.dma_semaphore, #tpu.memory_space<semaphore_mem>>)
    %mul3A_10 = arith.constant 1024 : i32
    %mul3A_11 = arith.muli %mul3A_2, %mul3A_10 : i32
    %add3A_12 = arith.constant 8192 : i32
    %add3A_13 = arith.addi %add3A_12, %mul3A_11 : i32
    %dma_start3A_14 = tpu.memref_slice %arg2[%add3A_13] : memref<8388608xf32, #tpu.memory_space<hbm>> -> memref<8192xf32, #tpu.memory_space<hbm>>
    %dma_start3A_15 = tpu.memref_slice %arg2[%add3A_13] : memref<8388608xf32, #tpu.memory_space<hbm>> -> memref<8192xf32, #tpu.memory_space<hbm>>
    tpu.enqueue_dma source(%dma_start3A_15 : memref<8192xf32, #tpu.memory_space<hbm>>) target(%arg7 : memref<8192xf32, #tpu.memory_space<vmem>>) target_semaphore(%arg11 : memref<!tpu.dma_semaphore, #tpu.memory_space<semaphore_mem>>)
    %mul3A_16 = arith.constant 1024 : i32
    %mul3A_17 = arith.muli %mul3A_2, %mul3A_16 : i32
    %add3A_18 = arith.constant 16384 : i32
    %add3A_19 = arith.addi %add3A_18, %mul3A_17 : i32
    %dma_start3A_20 = tpu.memref_slice %arg2[%add3A_19] : memref<8388608xf32, #tpu.memory_space<hbm>> -> memref<8192xf32, #tpu.memory_space<hbm>>
    %dma_start3A_21 = tpu.memref_slice %arg2[%add3A_19] : memref<8388608xf32, #tpu.memory_space<hbm>> -> memref<8192xf32, #tpu.memory_space<hbm>>
    tpu.enqueue_dma source(%dma_start3A_21 : memref<8192xf32, #tpu.memory_space<hbm>>) target(%arg8 : memref<8192xf32, #tpu.memory_space<vmem>>) target_semaphore(%arg12 : memref<!tpu.dma_semaphore, #tpu.memory_space<semaphore_mem>>)
    %dma_wait3A = arith.constant 0 : i32
    %dma_wait3A_22 = tpu.memref_slice %arg2[%dma_wait3A] : memref<8388608xf32, #tpu.memory_space<hbm>> -> memref<8192xf32, #tpu.memory_space<hbm>>
    %dma_wait3A_23 = arith.constant 0 : i32
    %dma_wait3A_24 = tpu.memref_slice %arg2[%dma_wait3A_23] : memref<8388608xf32, #tpu.memory_space<hbm>> -> memref<8192xf32, #tpu.memory_space<hbm>>
    tpu.wait_dma2 semaphore(%arg10 : memref<!tpu.dma_semaphore, #tpu.memory_space<semaphore_mem>>) src(%dma_wait3A_24 : memref<8192xf32, #tpu.memory_space<hbm>>) dst(%arg6 : memref<8192xf32, #tpu.memory_space<vmem>>)
    %parallel_loop3A = arith.constant 0 : i32
    %parallel_loop3A_25 = arith.constant 8192 : i32
    %parallel_loop3A_26 = arith.constant 16 : i32
    scf.for %parallel_loop3A_738 = %parallel_loop3A to %parallel_loop3A_25 step %parallel_loop3A_26  : i32 {
      %parallel_loop3A_739 = arith.constant 0 : i32
      %parallel_loop3A_740 = arith.addi %parallel_loop3A_739, %parallel_loop3A_738 : i32
      %parallel_loop3A_741 = arith.index_cast %parallel_loop3A_740 : i32 to index
      %parallel_loop3A_742 = tpu.vector_load %arg5[%parallel_loop3A_741] {strides = array<i32>} : memref<65536xf32, #tpu.memory_space<vmem>>, vector<16xf32>,
      %parallel_loop3A_743 = vector.shape_cast %parallel_loop3A_742 : vector<16xf32> to vector<16xf32>
      %parallel_loop3A_744 = arith.index_cast %parallel_loop3A_738 : i32 to index
      %parallel_loop3A_745 = tpu.vector_load %arg6[%parallel_loop3A_744] {strides = array<i32>} : memref<8192xf32, #tpu.memory_space<vmem>>, vector<16xf32>,
      %parallel_loop3A_746 = vector.shape_cast %parallel_loop3A_745 : vector<16xf32> to vector<16xf32>
      %parallel_loop3A_747 = vector.shape_cast %parallel_loop3A_743 : vector<16xf32> to vector<16xf32>
      tpu.vector_store %arg6[%parallel_loop3A_744], %parallel_loop3A_747 {add = true, strides = array<i32>} : memref<8192xf32, #tpu.memory_space<vmem>>, vector<16xf32>,
    } {sc.loop_unroll_factor = 4 : i64, sc.parallel_access}
    %mul3A_27 = arith.constant 1024 : i32
    %mul3A_28 = arith.muli %mul3A_2, %mul3A_27 : i32
    %add3A_29 = arith.constant 0 : i32
    %add3A_30 = arith.addi %add3A_29, %mul3A_28 : i32
    %dma_start3A_31 = tpu.memref_slice %arg4[%add3A_30] : memref<8388608xf32, #tpu.memory_space<hbm>> -> memref<8192xf32, #tpu.memory_space<hbm>>
    %dma_start3A_32 = tpu.memref_slice %arg4[%add3A_30] : memref<8388608xf32, #tpu.memory_space<hbm>> -> memref<8192xf32, #tpu.memory_space<hbm>>
    tpu.enqueue_dma source(%arg6 : memref<8192xf32, #tpu.memory_space<vmem>>) target(%dma_start3A_32 : memref<8192xf32, #tpu.memory_space<hbm>>) target_semaphore(%arg14 : memref<!tpu.dma_semaphore, #tpu.memory_space<semaphore_mem>>)
    %mul3A_33 = arith.constant 1024 : i32
    %mul3A_34 = arith.muli %mul3A_2, %mul3A_33 : i32
    %add3A_35 = arith.constant 24576 : i32
    %add3A_36 = arith.addi %add3A_35, %mul3A_34 : i32
    %dma_start3A_37 = tpu.memref_slice %arg2[%add3A_36] : memref<8388608xf32, #tpu.memory_space<hbm>> -> memref<8192xf32, #tpu.memory_space<hbm>>
    %dma_start3A_38 = tpu.memref_slice %arg2[%add3A_36] : memref<8388608xf32, #tpu.memory_space<hbm>> -> memref<8192xf32, #tpu.memory_space<hbm>>
    tpu.enqueue_dma source(%dma_start3A_38 : memref<8192xf32, #tpu.memory_space<hbm>>) target(%arg9 : memref<8192xf32, #tpu.memory_space<vmem>>) target_semaphore(%arg13 : memref<!tpu.dma_semaphore, #tpu.memory_space<semaphore_mem>>)
    %dma_wait3A_39 = arith.constant 0 : i32
    %dma_wait3A_40 = tpu.memref_slice %arg2[%dma_wait3A_39] : memref<8388608xf32, #tpu.memory_space<hbm>> -> memref<8192xf32, #tpu.memory_space<hbm>>
    %dma_wait3A_41 = arith.constant 0 : i32
    %dma_wait3A_42 = tpu.memref_slice %arg2[%dma_wait3A_41] : memref<8388608xf32, #tpu.memory_space<hbm>> -> memref<8192xf32, #tpu.memory_space<hbm>>
    tpu.wait_dma2 semaphore(%arg11 : memref<!tpu.dma_semaphore, #tpu.memory_space<semaphore_mem>>) src(%dma_wait3A_42 : memref<8192xf32, #tpu.memory_space<hbm>>) dst(%arg7 : memref<8192xf32, #tpu.memory_space<vmem>>)
    %parallel_loop3A_43 = arith.constant 0 : i32
    %parallel_loop3A_44 = arith.constant 8192 : i32
    %parallel_loop3A_45 = arith.constant 16 : i32
    scf.for %parallel_loop3A_738 = %parallel_loop3A_43 to %parallel_loop3A_44 step %parallel_loop3A_45  : i32 {
      %parallel_loop3A_739 = arith.constant 8192 : i32
      %parallel_loop3A_740 = arith.addi %parallel_loop3A_739, %parallel_loop3A_738 : i32
      %parallel_loop3A_741 = arith.index_cast %parallel_loop3A_740 : i32 to index
      %parallel_loop3A_742 = tpu.vector_load %arg5[%parallel_loop3A_741] {strides = array<i32>} : memref<65536xf32, #tpu.memory_space<vmem>>, vector<16xf32>,
      %parallel_loop3A_743 = vector.shape_cast %parallel_loop3A_742 : vector<16xf32> to vector<16xf32>
      %parallel_loop3A_744 = arith.index_cast %parallel_loop3A_738 : i32 to index
      %parallel_loop3A_745 = tpu.vector_load %arg7[%parallel_loop3A_744] {strides = array<i32>} : memref<8192xf32, #tpu.memory_space<vmem>>, vector<16xf32>,
      %parallel_loop3A_746 = vector.shape_cast %parallel_loop3A_745 : vector<16xf32> to vector<16xf32>
      %parallel_loop3A_747 = vector.shape_cast %parallel_loop3A_743 : vector<16xf32> to vector<16xf32>
      tpu.vector_store %arg7[%parallel_loop3A_744], %parallel_loop3A_747 {add = true, strides = array<i32>} : memref<8192xf32, #tpu.memory_space<vmem>>, vector<16xf32>,
    } {sc.loop_unroll_factor = 4 : i64, sc.parallel_access}
    %mul3A_46 = arith.constant 1024 : i32
    %mul3A_47 = arith.muli %mul3A_2, %mul3A_46 : i32
    %add3A_48 = arith.constant 8192 : i32
    %add3A_49 = arith.addi %add3A_48, %mul3A_47 : i32
    %dma_start3A_50 = tpu.memref_slice %arg4[%add3A_49] : memref<8388608xf32, #tpu.memory_space<hbm>> -> memref<8192xf32, #tpu.memory_space<hbm>>
    %dma_start3A_51 = tpu.memref_slice %arg4[%add3A_49] : memref<8388608xf32, #tpu.memory_space<hbm>> -> memref<8192xf32, #tpu.memory_space<hbm>>
    tpu.enqueue_dma source(%arg7 : memref<8192xf32, #tpu.memory_space<vmem>>) target(%dma_start3A_51 : memref<8192xf32, #tpu.memory_space<hbm>>) target_semaphore(%arg15 : memref<!tpu.dma_semaphore, #tpu.memory_space<semaphore_mem>>)
    %dma_wait3A_52 = arith.constant 0 : i32
    %dma_wait3A_53 = tpu.memref_slice %arg2[%dma_wait3A_52] : memref<8388608xf32, #tpu.memory_space<hbm>> -> memref<8192xf32, #tpu.memory_space<hbm>>
    %dma_wait3A_54 = arith.constant 0 : i32
    %dma_wait3A_55 = tpu.memref_slice %arg2[%dma_wait3A_54] : memref<8388608xf32, #tpu.memory_space<hbm>> -> memref<8192xf32, #tpu.memory_space<hbm>>
    tpu.wait_dma2 semaphore(%arg14 : memref<!tpu.dma_semaphore, #tpu.memory_space<semaphore_mem>>) src(%dma_wait3A_55 : memref<8192xf32, #tpu.memory_space<hbm>>) dst(%arg6 : memref<8192xf32, #tpu.memory_space<vmem>>)
    %mul3A_56 = arith.constant 1024 : i32
    %mul3A_57 = arith.muli %mul3A_2, %mul3A_56 : i32
    %add3A_58 = arith.constant 32768 : i32
    %add3A_59 = arith.addi %add3A_58, %mul3A_57 : i32
    %dma_start3A_60 = tpu.memref_slice %arg2[%add3A_59] : memref<8388608xf32, #tpu.memory_space<hbm>> -> memref<8192xf32, #tpu.memory_space<hbm>>
    %dma_start3A_61 = tpu.memref_slice %arg2[%add3A_59] : memref<8388608xf32, #tpu.memory_space<hbm>> -> memref<8192xf32, #tpu.memory_space<hbm>>
    tpu.enqueue_dma source(%dma_start3A_61 : memref<8192xf32, #tpu.memory_space<hbm>>) target(%arg6 : memref<8192xf32, #tpu.memory_space<vmem>>) target_semaphore(%arg10 : memref<!tpu.dma_semaphore, #tpu.memory_space<semaphore_mem>>)
    %dma_wait3A_62 = arith.constant 0 : i32
    %dma_wait3A_63 = tpu.memref_slice %arg2[%dma_wait3A_62] : memref<8388608xf32, #tpu.memory_space<hbm>> -> memref<8192xf32, #tpu.memory_space<hbm>>
    %dma_wait3A_64 = arith.constant 0 : i32
    %dma_wait3A_65 = tpu.memref_slice %arg2[%dma_wait3A_64] : memref<8388608xf32, #tpu.memory_space<hbm>> -> memref<8192xf32, #tpu.memory_space<hbm>>
    tpu.wait_dma2 semaphore(%arg12 : memref<!tpu.dma_semaphore, #tpu.memory_space<semaphore_mem>>) src(%dma_wait3A_65 : memref<8192xf32, #tpu.memory_space<hbm>>) dst(%arg8 : memref<8192xf32, #tpu.memory_space<vmem>>)
    %parallel_loop3A_66 = arith.constant 0 : i32
    %parallel_loop3A_67 = arith.constant 8192 : i32
    %parallel_loop3A_68 = arith.constant 16 : i32
    scf.for %parallel_loop3A_738 = %parallel_loop3A_66 to %parallel_loop3A_67 step %parallel_loop3A_68  : i32 {
      %parallel_loop3A_739 = arith.constant 16384 : i32
      %parallel_loop3A_740 = arith.addi %parallel_loop3A_739, %parallel_loop3A_738 : i32
      %parallel_loop3A_741 = arith.index_cast %parallel_loop3A_740 : i32 to index
      %parallel_loop3A_742 = tpu.vector_load %arg5[%parallel_loop3A_741] {strides = array<i32>} : memref<65536xf32, #tpu.memory_space<vmem>>, vector<16xf32>,
      %parallel_loop3A_743 = vector.shape_cast %parallel_loop3A_742 : vector<16xf32> to vector<16xf32>
      %parallel_loop3A_744 = arith.index_cast %parallel_loop3A_738 : i32 to index
      %parallel_loop3A_745 = tpu.vector_load %arg8[%parallel_loop3A_744] {strides = array<i32>} : memref<8192xf32, #tpu.memory_space<vmem>>, vector<16xf32>,
      %parallel_loop3A_746 = vector.shape_cast %parallel_loop3A_745 : vector<16xf32> to vector<16xf32>
      %parallel_loop3A_747 = vector.shape_cast %parallel_loop3A_743 : vector<16xf32> to vector<16xf32>
      tpu.vector_store %arg8[%parallel_loop3A_744], %parallel_loop3A_747 {add = true, strides = array<i32>} : memref<8192xf32, #tpu.memory_space<vmem>>, vector<16xf32>,
    } {sc.loop_unroll_factor = 4 : i64, sc.parallel_access}
    %mul3A_69 = arith.constant 1024 : i32
    %mul3A_70 = arith.muli %mul3A_2, %mul3A_69 : i32
    %add3A_71 = arith.constant 16384 : i32
    %add3A_72 = arith.addi %add3A_71, %mul3A_70 : i32
    %dma_start3A_73 = tpu.memref_slice %arg4[%add3A_72] : memref<8388608xf32, #tpu.memory_space<hbm>> -> memref<8192xf32, #tpu.memory_space<hbm>>
    %dma_start3A_74 = tpu.memref_slice %arg4[%add3A_72] : memref<8388608xf32, #tpu.memory_space<hbm>> -> memref<8192xf32, #tpu.memory_space<hbm>>
    tpu.enqueue_dma source(%arg8 : memref<8192xf32, #tpu.memory_space<vmem>>) target(%dma_start3A_74 : memref<8192xf32, #tpu.memory_space<hbm>>) target_semaphore(%arg16 : memref<!tpu.dma_semaphore, #tpu.memory_space<semaphore_mem>>)
    %dma_wait3A_75 = arith.constant 0 : i32
    %dma_wait3A_76 = tpu.memref_slice %arg2[%dma_wait3A_75] : memref<8388608xf32, #tpu.memory_space<hbm>> -> memref<8192xf32, #tpu.memory_space<hbm>>
    %dma_wait3A_77 = arith.constant 0 : i32
    %dma_wait3A_78 = tpu.memref_slice %arg2[%dma_wait3A_77] : memref<8388608xf32, #tpu.memory_space<hbm>> -> memref<8192xf32, #tpu.memory_space<hbm>>
    tpu.wait_dma2 semaphore(%arg15 : memref<!tpu.dma_semaphore, #tpu.memory_space<semaphore_mem>>) src(%dma_wait3A_78 : memref<8192xf32, #tpu.memory_space<hbm>>) dst(%arg7 : memref<8192xf32, #tpu.memory_space<vmem>>)
    %mul3A_79 = arith.constant 1024 : i32
    %mul3A_80 = arith.muli %mul3A_2, %mul3A_79 : i32
    %add3A_81 = arith.constant 40960 : i32
    %add3A_82 = arith.addi %add3A_81, %mul3A_80 : i32
    %dma_start3A_83 = tpu.memref_slice %arg2[%add3A_82] : memref<8388608xf32, #tpu.memory_space<hbm>> -> memref<8192xf32, #tpu.memory_space<hbm>>
    %dma_start3A_84 = tpu.memref_slice %arg2[%add3A_82] : memref<8388608xf32, #tpu.memory_space<hbm>> -> memref<8192xf32, #tpu.memory_space<hbm>>
    tpu.enqueue_dma source(%dma_start3A_84 : memref<8192xf32, #tpu.memory_space<hbm>>) target(%arg7 : memref<8192xf32, #tpu.memory_space<vmem>>) target_semaphore(%arg11 : memref<!tpu.dma_semaphore, #tpu.memory_space<semaphore_mem>>)
    %dma_wait3A_85 = arith.constant 0 : i32
    %dma_wait3A_86 = tpu.memref_slice %arg2[%dma_wait3A_85] : memref<8388608xf32, #tpu.memory_space<hbm>> -> memref<8192xf32, #tpu.memory_space<hbm>>
    %dma_wait3A_87 = arith.constant 0 : i32
    %dma_wait3A_88 = tpu.memref_slice %arg2[%dma_wait3A_87] : memref<8388608xf32, #tpu.memory_space<hbm>> -> memref<8192xf32, #tpu.memory_space<hbm>>
    tpu.wait_dma2 semaphore(%arg13 : memref<!tpu.dma_semaphore, #tpu.memory_space<semaphore_mem>>) src(%dma_wait3A_88 : memref<8192xf32, #tpu.memory_space<hbm>>) dst(%arg9 : memref<8192xf32, #tpu.memory_space<vmem>>)
    %parallel_loop3A_89 = arith.constant 0 : i32
    %parallel_loop3A_90 = arith.constant 8192 : i32
    %parallel_loop3A_91 = arith.constant 16 : i32
    scf.for %parallel_loop3A_738 = %parallel_loop3A_89 to %parallel_loop3A_90 step %parallel_loop3A_91  : i32 {
      %parallel_loop3A_739 = arith.constant 24576 : i32
      %parallel_loop3A_740 = arith.addi %parallel_loop3A_739, %parallel_loop3A_738 : i32
      %parallel_loop3A_741 = arith.index_cast %parallel_loop3A_740 : i32 to index
      %parallel_loop3A_742 = tpu.vector_load %arg5[%parallel_loop3A_741] {strides = array<i32>} : memref<65536xf32, #tpu.memory_space<vmem>>, vector<16xf32>,
      %parallel_loop3A_743 = vector.shape_cast %parallel_loop3A_742 : vector<16xf32> to vector<16xf32>
      %parallel_loop3A_744 = arith.index_cast %parallel_loop3A_738 : i32 to index
      %parallel_loop3A_745 = tpu.vector_load %arg9[%parallel_loop3A_744] {strides = array<i32>} : memref<8192xf32, #tpu.memory_space<vmem>>, vector<16xf32>,
      %parallel_loop3A_746 = vector.shape_cast %parallel_loop3A_745 : vector<16xf32> to vector<16xf32>
      %parallel_loop3A_747 = vector.shape_cast %parallel_loop3A_743 : vector<16xf32> to vector<16xf32>
      tpu.vector_store %arg9[%parallel_loop3A_744], %parallel_loop3A_747 {add = true, strides = array<i32>} : memref<8192xf32, #tpu.memory_space<vmem>>, vector<16xf32>,
    } {sc.loop_unroll_factor = 4 : i64, sc.parallel_access}
    %mul3A_92 = arith.constant 1024 : i32
    %mul3A_93 = arith.muli %mul3A_2, %mul3A_92 : i32
    %add3A_94 = arith.constant 24576 : i32
    %add3A_95 = arith.addi %add3A_94, %mul3A_93 : i32
    %dma_start3A_96 = tpu.memref_slice %arg4[%add3A_95] : memref<8388608xf32, #tpu.memory_space<hbm>> -> memref<8192xf32, #tpu.memory_space<hbm>>
    %dma_start3A_97 = tpu.memref_slice %arg4[%add3A_95] : memref<8388608xf32, #tpu.memory_space<hbm>> -> memref<8192xf32, #tpu.memory_space<hbm>>
    tpu.enqueue_dma source(%arg9 : memref<8192xf32, #tpu.memory_space<vmem>>) target(%dma_start3A_97 : memref<8192xf32, #tpu.memory_space<hbm>>) target_semaphore(%arg17 : memref<!tpu.dma_semaphore, #tpu.memory_space<semaphore_mem>>)
    %dma_wait3A_98 = arith.constant 0 : i32
    %dma_wait3A_99 = tpu.memref_slice %arg2[%dma_wait3A_98] : memref<8388608xf32, #tpu.memory_space<hbm>> -> memref<8192xf32, #tpu.memory_space<hbm>>
    %dma_wait3A_100 = arith.constant 0 : i32
    %dma_wait3A_101 = tpu.memref_slice %arg2[%dma_wait3A_100] : memref<8388608xf32, #tpu.memory_space<hbm>> -> memref<8192xf32, #tpu.memory_space<hbm>>
    tpu.wait_dma2 semaphore(%arg16 : memref<!tpu.dma_semaphore, #tpu.memory_space<semaphore_mem>>) src(%dma_wait3A_101 : memref<8192xf32, #tpu.memory_space<hbm>>) dst(%arg8 : memref<8192xf32, #tpu.memory_space<vmem>>)
    %mul3A_102 = arith.constant 1024 : i32
    %mul3A_103 = arith.muli %mul3A_2, %mul3A_102 : i32
    %add3A_104 = arith.constant 49152 : i32
    %add3A_105 = arith.addi %add3A_104, %mul3A_103 : i32
    %dma_start3A_106 = tpu.memref_slice %arg2[%add3A_105] : memref<8388608xf32, #tpu.memory_space<hbm>> -> memref<8192xf32, #tpu.memory_space<hbm>>
    %dma_start3A_107 = tpu.memref_slice %arg2[%add3A_105] : memref<8388608xf32, #tpu.memory_space<hbm>> -> memref<8192xf32, #tpu.memory_space<hbm>>
    tpu.enqueue_dma source(%dma_start3A_107 : memref<8192xf32, #tpu.memory_space<hbm>>) target(%arg8 : memref<8192xf32, #tpu.memory_space<vmem>>) target_semaphore(%arg12 : memref<!tpu.dma_semaphore, #tpu.memory_space<semaphore_mem>>)
    %dma_wait3A_108 = arith.constant 0 : i32
    %dma_wait3A_109 = tpu.memref_slice %arg2[%dma_wait3A_108] : memref<8388608xf32, #tpu.memory_space<hbm>> -> memref<8192xf32, #tpu.memory_space<hbm>>
    %dma_wait3A_110 = arith.constant 0 : i32
    %dma_wait3A_111 = tpu.memref_slice %arg2[%dma_wait3A_110] : memref<8388608xf32, #tpu.memory_space<hbm>> -> memref<8192xf32, #tpu.memory_space<hbm>>
    tpu.wait_dma2 semaphore(%arg10 : memref<!tpu.dma_semaphore, #tpu.memory_space<semaphore_mem>>) src(%dma_wait3A_111 : memref<8192xf32, #tpu.memory_space<hbm>>) dst(%arg6 : memref<8192xf32, #tpu.memory_space<vmem>>)
    %parallel_loop3A_112 = arith.constant 0 : i32
    %parallel_loop3A_113 = arith.constant 8192 : i32
    %parallel_loop3A_114 = arith.constant 16 : i32
    scf.for %parallel_loop3A_738 = %parallel_loop3A_112 to %parallel_loop3A_113 step %parallel_loop3A_114  : i32 {
      %parallel_loop3A_739 = arith.constant 32768 : i32
      %parallel_loop3A_740 = arith.addi %parallel_loop3A_739, %parallel_loop3A_738 : i32
      %parallel_loop3A_741 = arith.index_cast %parallel_loop3A_740 : i32 to index
      %parallel_loop3A_742 = tpu.vector_load %arg5[%parallel_loop3A_741] {strides = array<i32>} : memref<65536xf32, #tpu.memory_space<vmem>>, vector<16xf32>,
      %parallel_loop3A_743 = vector.shape_cast %parallel_loop3A_742 : vector<16xf32> to vector<16xf32>
      %parallel_loop3A_744 = arith.index_cast %parallel_loop3A_738 : i32 to index
      %parallel_loop3A_745 = tpu.vector_load %arg6[%parallel_loop3A_744] {strides = array<i32>} : memref<8192xf32, #tpu.memory_space<vmem>>, vector<16xf32>,
      %parallel_loop3A_746 = vector.shape_cast %parallel_loop3A_745 : vector<16xf32> to vector<16xf32>
      %parallel_loop3A_747 = vector.shape_cast %parallel_loop3A_743 : vector<16xf32> to vector<16xf32>
      tpu.vector_store %arg6[%parallel_loop3A_744], %parallel_loop3A_747 {add = true, strides = array<i32>} : memref<8192xf32, #tpu.memory_space<vmem>>, vector<16xf32>,
    } {sc.loop_unroll_factor = 4 : i64, sc.parallel_access}
    %mul3A_115 = arith.constant 1024 : i32
    %mul3A_116 = arith.muli %mul3A_2, %mul3A_115 : i32
    %add3A_117 = arith.constant 32768 : i32
    %add3A_118 = arith.addi %add3A_117, %mul3A_116 : i32
    %dma_start3A_119 = tpu.memref_slice %arg4[%add3A_118] : memref<8388608xf32, #tpu.memory_space<hbm>> -> memref<8192xf32, #tpu.memory_space<hbm>>
    %dma_start3A_120 = tpu.memref_slice %arg4[%add3A_118] : memref<8388608xf32, #tpu.memory_space<hbm>> -> memref<8192xf32, #tpu.memory_space<hbm>>
    tpu.enqueue_dma source(%arg6 : memref<8192xf32, #tpu.memory_space<vmem>>) target(%dma_start3A_120 : memref<8192xf32, #tpu.memory_space<hbm>>) target_semaphore(%arg14 : memref<!tpu.dma_semaphore, #tpu.memory_space<semaphore_mem>>)
    %dma_wait3A_121 = arith.constant 0 : i32
    %dma_wait3A_122 = tpu.memref_slice %arg2[%dma_wait3A_121] : memref<8388608xf32, #tpu.memory_space<hbm>> -> memref<8192xf32, #tpu.memory_space<hbm>>
    %dma_wait3A_123 = arith.constant 0 : i32
    %dma_wait3A_124 = tpu.memref_slice %arg2[%dma_wait3A_123] : memref<8388608xf32, #tpu.memory_space<hbm>> -> memref<8192xf32, #tpu.memory_space<hbm>>
    tpu.wait_dma2 semaphore(%arg17 : memref<!tpu.dma_semaphore, #tpu.memory_space<semaphore_mem>>) src(%dma_wait3A_124 : memref<8192xf32, #tpu.memory_space<hbm>>) dst(%arg9 : memref<8192xf32, #tpu.memory_space<vmem>>)
    %mul3A_125 = arith.constant 1024 : i32
    %mul3A_126 = arith.muli %mul3A_2, %mul3A_125 : i32
    %add3A_127 = arith.constant 57344 : i32
    %add3A_128 = arith.addi %add3A_127, %mul3A_126 : i32
    %dma_start3A_129 = tpu.memref_slice %arg2[%add3A_128] : memref<8388608xf32, #tpu.memory_space<hbm>> -> memref<8192xf32, #tpu.memory_space<hbm>>
    %dma_start3A_130 = tpu.memref_slice %arg2[%add3A_128] : memref<8388608xf32, #tpu.memory_space<hbm>> -> memref<8192xf32, #tpu.memory_space<hbm>>
    tpu.enqueue_dma source(%dma_start3A_130 : memref<8192xf32, #tpu.memory_space<hbm>>) target(%arg9 : memref<8192xf32, #tpu.memory_space<vmem>>) target_semaphore(%arg13 : memref<!tpu.dma_semaphore, #tpu.memory_space<semaphore_mem>>)
    %dma_wait3A_131 = arith.constant 0 : i32
    %dma_wait3A_132 = tpu.memref_slice %arg2[%dma_wait3A_131] : memref<8388608xf32, #tpu.memory_space<hbm>> -> memref<8192xf32, #tpu.memory_space<hbm>>
    %dma_wait3A_133 = arith.constant 0 : i32
    %dma_wait3A_134 = tpu.memref_slice %arg2[%dma_wait3A_133] : memref<8388608xf32, #tpu.memory_space<hbm>> -> memref<8192xf32, #tpu.memory_space<hbm>>
    tpu.wait_dma2 semaphore(%arg11 : memref<!tpu.dma_semaphore, #tpu.memory_space<semaphore_mem>>) src(%dma_wait3A_134 : memref<8192xf32, #tpu.memory_space<hbm>>) dst(%arg7 : memref<8192xf32, #tpu.memory_space<vmem>>)
    %parallel_loop3A_135 = arith.constant 0 : i32
    %parallel_loop3A_136 = arith.constant 8192 : i32
    %parallel_loop3A_137 = arith.constant 16 : i32
    scf.for %parallel_loop3A_738 = %parallel_loop3A_135 to %parallel_loop3A_136 step %parallel_loop3A_137  : i32 {
      %parallel_loop3A_739 = arith.constant 40960 : i32
      %parallel_loop3A_740 = arith.addi %parallel_loop3A_739, %parallel_loop3A_738 : i32
      %parallel_loop3A_741 = arith.index_cast %parallel_loop3A_740 : i32 to index
      %parallel_loop3A_742 = tpu.vector_load %arg5[%parallel_loop3A_741] {strides = array<i32>} : memref<65536xf32, #tpu.memory_space<vmem>>, vector<16xf32>,
      %parallel_loop3A_743 = vector.shape_cast %parallel_loop3A_742 : vector<16xf32> to vector<16xf32>
      %parallel_loop3A_744 = arith.index_cast %parallel_loop3A_738 : i32 to index
      %parallel_loop3A_745 = tpu.vector_load %arg7[%parallel_loop3A_744] {strides = array<i32>} : memref<8192xf32, #tpu.memory_space<vmem>>, vector<16xf32>,
      %parallel_loop3A_746 = vector.shape_cast %parallel_loop3A_745 : vector<16xf32> to vector<16xf32>
      %parallel_loop3A_747 = vector.shape_cast %parallel_loop3A_743 : vector<16xf32> to vector<16xf32>
      tpu.vector_store %arg7[%parallel_loop3A_744], %parallel_loop3A_747 {add = true, strides = array<i32>} : memref<8192xf32, #tpu.memory_space<vmem>>, vector<16xf32>,
    } {sc.loop_unroll_factor = 4 : i64, sc.parallel_access}
    %mul3A_138 = arith.constant 1024 : i32
    %mul3A_139 = arith.muli %mul3A_2, %mul3A_138 : i32
    %add3A_140 = arith.constant 40960 : i32
    %add3A_141 = arith.addi %add3A_140, %mul3A_139 : i32
    %dma_start3A_142 = tpu.memref_slice %arg4[%add3A_141] : memref<8388608xf32, #tpu.memory_space<hbm>> -> memref<8192xf32, #tpu.memory_space<hbm>>
    %dma_start3A_143 = tpu.memref_slice %arg4[%add3A_141] : memref<8388608xf32, #tpu.memory_space<hbm>> -> memref<8192xf32, #tpu.memory_space<hbm>>
    tpu.enqueue_dma source(%arg7 : memref<8192xf32, #tpu.memory_space<vmem>>) target(%dma_start3A_143 : memref<8192xf32, #tpu.memory_space<hbm>>) target_semaphore(%arg15 : memref<!tpu.dma_semaphore, #tpu.memory_space<semaphore_mem>>)
    %dma_wait3A_144 = arith.constant 0 : i32
    %dma_wait3A_145 = tpu.memref_slice %arg2[%dma_wait3A_144] : memref<8388608xf32, #tpu.memory_space<hbm>> -> memref<8192xf32, #tpu.memory_space<hbm>>
    %dma_wait3A_146 = arith.constant 0 : i32
    %dma_wait3A_147 = tpu.memref_slice %arg2[%dma_wait3A_146] : memref<8388608xf32, #tpu.memory_space<hbm>> -> memref<8192xf32, #tpu.memory_space<hbm>>
    tpu.wait_dma2 semaphore(%arg14 : memref<!tpu.dma_semaphore, #tpu.memory_space<semaphore_mem>>) src(%dma_wait3A_147 : memref<8192xf32, #tpu.memory_space<hbm>>) dst(%arg6 : memref<8192xf32, #tpu.memory_space<vmem>>)
    %mul3A_148 = arith.constant 1024 : i32
    %mul3A_149 = arith.muli %mul3A_2, %mul3A_148 : i32
    %add3A_150 = arith.constant 2097152 : i32
    %add3A_151 = arith.addi %add3A_150, %mul3A_149 : i32
    %dma_start3A_152 = tpu.memref_slice %arg2[%add3A_151] : memref<8388608xf32, #tpu.memory_space<hbm>> -> memref<8192xf32, #tpu.memory_space<hbm>>
    %dma_start3A_153 = tpu.memref_slice %arg2[%add3A_151] : memref<8388608xf32, #tpu.memory_space<hbm>> -> memref<8192xf32, #tpu.memory_space<hbm>>
    tpu.enqueue_dma source(%dma_start3A_153 : memref<8192xf32, #tpu.memory_space<hbm>>) target(%arg6 : memref<8192xf32, #tpu.memory_space<vmem>>) target_semaphore(%arg10 : memref<!tpu.dma_semaphore, #tpu.memory_space<semaphore_mem>>)
    %dma_wait3A_154 = arith.constant 0 : i32
    %dma_wait3A_155 = tpu.memref_slice %arg2[%dma_wait3A_154] : memref<8388608xf32, #tpu.memory_space<hbm>> -> memref<8192xf32, #tpu.memory_space<hbm>>
    %dma_wait3A_156 = arith.constant 0 : i32
    %dma_wait3A_157 = tpu.memref_slice %arg2[%dma_wait3A_156] : memref<8388608xf32, #tpu.memory_space<hbm>> -> memref<8192xf32, #tpu.memory_space<hbm>>
    tpu.wait_dma2 semaphore(%arg12 : memref<!tpu.dma_semaphore, #tpu.memory_space<semaphore_mem>>) src(%dma_wait3A_157 : memref<8192xf32, #tpu.memory_space<hbm>>) dst(%arg8 : memref<8192xf32, #tpu.memory_space<vmem>>)
    %parallel_loop3A_158 = arith.constant 0 : i32
    %parallel_loop3A_159 = arith.constant 8192 : i32
    %parallel_loop3A_160 = arith.constant 16 : i32
    scf.for %parallel_loop3A_738 = %parallel_loop3A_158 to %parallel_loop3A_159 step %parallel_loop3A_160  : i32 {
      %parallel_loop3A_739 = arith.constant 49152 : i32
      %parallel_loop3A_740 = arith.addi %parallel_loop3A_739, %parallel_loop3A_738 : i32
      %parallel_loop3A_741 = arith.index_cast %parallel_loop3A_740 : i32 to index
      %parallel_loop3A_742 = tpu.vector_load %arg5[%parallel_loop3A_741] {strides = array<i32>} : memref<65536xf32, #tpu.memory_space<vmem>>, vector<16xf32>,
      %parallel_loop3A_743 = vector.shape_cast %parallel_loop3A_742 : vector<16xf32> to vector<16xf32>
      %parallel_loop3A_744 = arith.index_cast %parallel_loop3A_738 : i32 to index
      %parallel_loop3A_745 = tpu.vector_load %arg8[%parallel_loop3A_744] {strides = array<i32>} : memref<8192xf32, #tpu.memory_space<vmem>>, vector<16xf32>,
      %parallel_loop3A_746 = vector.shape_cast %parallel_loop3A_745 : vector<16xf32> to vector<16xf32>
      %parallel_loop3A_747 = vector.shape_cast %parallel_loop3A_743 : vector<16xf32> to vector<16xf32>
      tpu.vector_store %arg8[%parallel_loop3A_744], %parallel_loop3A_747 {add = true, strides = array<i32>} : memref<8192xf32, #tpu.memory_space<vmem>>, vector<16xf32>,
    } {sc.loop_unroll_factor = 4 : i64, sc.parallel_access}
    %mul3A_161 = arith.constant 1024 : i32
    %mul3A_162 = arith.muli %mul3A_2, %mul3A_161 : i32
    %add3A_163 = arith.constant 49152 : i32
    %add3A_164 = arith.addi %add3A_163, %mul3A_162 : i32
    %dma_start3A_165 = tpu.memref_slice %arg4[%add3A_164] : memref<8388608xf32, #tpu.memory_space<hbm>> -> memref<8192xf32, #tpu.memory_space<hbm>>
    %dma_start3A_166 = tpu.memref_slice %arg4[%add3A_164] : memref<8388608xf32, #tpu.memory_space<hbm>> -> memref<8192xf32, #tpu.memory_space<hbm>>
    tpu.enqueue_dma source(%arg8 : memref<8192xf32, #tpu.memory_space<vmem>>) target(%dma_start3A_166 : memref<8192xf32, #tpu.memory_space<hbm>>) target_semaphore(%arg16 : memref<!tpu.dma_semaphore, #tpu.memory_space<semaphore_mem>>)
    %dma_wait3A_167 = arith.constant 0 : i32
    %dma_wait3A_168 = tpu.memref_slice %arg2[%dma_wait3A_167] : memref<8388608xf32, #tpu.memory_space<hbm>> -> memref<8192xf32, #tpu.memory_space<hbm>>
    %dma_wait3A_169 = arith.constant 0 : i32
    %dma_wait3A_170 = tpu.memref_slice %arg2[%dma_wait3A_169] : memref<8388608xf32, #tpu.memory_space<hbm>> -> memref<8192xf32, #tpu.memory_space<hbm>>
    tpu.wait_dma2 semaphore(%arg15 : memref<!tpu.dma_semaphore, #tpu.memory_space<semaphore_mem>>) src(%dma_wait3A_170 : memref<8192xf32, #tpu.memory_space<hbm>>) dst(%arg7 : memref<8192xf32, #tpu.memory_space<vmem>>)
    %mul3A_171 = arith.constant 1024 : i32
    %mul3A_172 = arith.muli %mul3A_2, %mul3A_171 : i32
    %add3A_173 = arith.constant 2105344 : i32
    %add3A_174 = arith.addi %add3A_173, %mul3A_172 : i32
    %dma_start3A_175 = tpu.memref_slice %arg2[%add3A_174] : memref<8388608xf32, #tpu.memory_space<hbm>> -> memref<8192xf32, #tpu.memory_space<hbm>>
    %dma_start3A_176 = tpu.memref_slice %arg2[%add3A_174] : memref<8388608xf32, #tpu.memory_space<hbm>> -> memref<8192xf32, #tpu.memory_space<hbm>>
    tpu.enqueue_dma source(%dma_start3A_176 : memref<8192xf32, #tpu.memory_space<hbm>>) target(%arg7 : memref<8192xf32, #tpu.memory_space<vmem>>) target_semaphore(%arg11 : memref<!tpu.dma_semaphore, #tpu.memory_space<semaphore_mem>>)
    %dma_wait3A_177 = arith.constant 0 : i32
    %dma_wait3A_178 = tpu.memref_slice %arg2[%dma_wait3A_177] : memref<8388608xf32, #tpu.memory_space<hbm>> -> memref<8192xf32, #tpu.memory_space<hbm>>
    %dma_wait3A_179 = arith.constant 0 : i32
    %dma_wait3A_180 = tpu.memref_slice %arg2[%dma_wait3A_179] : memref<8388608xf32, #tpu.memory_space<hbm>> -> memref<8192xf32, #tpu.memory_space<hbm>>
    tpu.wait_dma2 semaphore(%arg13 : memref<!tpu.dma_semaphore, #tpu.memory_space<semaphore_mem>>) src(%dma_wait3A_180 : memref<8192xf32, #tpu.memory_space<hbm>>) dst(%arg9 : memref<8192xf32, #tpu.memory_space<vmem>>)
    %parallel_loop3A_181 = arith.constant 0 : i32
    %parallel_loop3A_182 = arith.constant 8192 : i32
    %parallel_loop3A_183 = arith.constant 16 : i32
    scf.for %parallel_loop3A_738 = %parallel_loop3A_181 to %parallel_loop3A_182 step %parallel_loop3A_183  : i32 {
      %parallel_loop3A_739 = arith.constant 57344 : i32
      %parallel_loop3A_740 = arith.addi %parallel_loop3A_739, %parallel_loop3A_738 : i32
      %parallel_loop3A_741 = arith.index_cast %parallel_loop3A_740 : i32 to index
      %parallel_loop3A_742 = tpu.vector_load %arg5[%parallel_loop3A_741] {strides = array<i32>} : memref<65536xf32, #tpu.memory_space<vmem>>, vector<16xf32>,
      %parallel_loop3A_743 = vector.shape_cast %parallel_loop3A_742 : vector<16xf32> to vector<16xf32>
      %parallel_loop3A_744 = arith.index_cast %parallel_loop3A_738 : i32 to index
      %parallel_loop3A_745 = tpu.vector_load %arg9[%parallel_loop3A_744] {strides = array<i32>} : memref<8192xf32, #tpu.memory_space<vmem>>, vector<16xf32>,
      %parallel_loop3A_746 = vector.shape_cast %parallel_loop3A_745 : vector<16xf32> to vector<16xf32>
      %parallel_loop3A_747 = vector.shape_cast %parallel_loop3A_743 : vector<16xf32> to vector<16xf32>
      tpu.vector_store %arg9[%parallel_loop3A_744], %parallel_loop3A_747 {add = true, strides = array<i32>} : memref<8192xf32, #tpu.memory_space<vmem>>, vector<16xf32>,
    } {sc.loop_unroll_factor = 4 : i64, sc.parallel_access}
    %mul3A_184 = arith.constant 1024 : i32
    %mul3A_185 = arith.muli %mul3A_2, %mul3A_184 : i32
    %add3A_186 = arith.constant 57344 : i32
    %add3A_187 = arith.addi %add3A_186, %mul3A_185 : i32
    %dma_start3A_188 = tpu.memref_slice %arg4[%add3A_187] : memref<8388608xf32, #tpu.memory_space<hbm>> -> memref<8192xf32, #tpu.memory_space<hbm>>
    %dma_start3A_189 = tpu.memref_slice %arg4[%add3A_187] : memref<8388608xf32, #tpu.memory_space<hbm>> -> memref<8192xf32, #tpu.memory_space<hbm>>
    tpu.enqueue_dma source(%arg9 : memref<8192xf32, #tpu.memory_space<vmem>>) target(%dma_start3A_189 : memref<8192xf32, #tpu.memory_space<hbm>>) target_semaphore(%arg17 : memref<!tpu.dma_semaphore, #tpu.memory_space<semaphore_mem>>)
    %dma_wait3A_190 = arith.constant 0 : i32
    %dma_wait3A_191 = tpu.memref_slice %arg2[%dma_wait3A_190] : memref<8388608xf32, #tpu.memory_space<hbm>> -> memref<8192xf32, #tpu.memory_space<hbm>>
    %dma_wait3A_192 = arith.constant 0 : i32
    %dma_wait3A_193 = tpu.memref_slice %arg2[%dma_wait3A_192] : memref<8388608xf32, #tpu.memory_space<hbm>> -> memref<8192xf32, #tpu.memory_space<hbm>>
    tpu.wait_dma2 semaphore(%arg16 : memref<!tpu.dma_semaphore, #tpu.memory_space<semaphore_mem>>) src(%dma_wait3A_193 : memref<8192xf32, #tpu.memory_space<hbm>>) dst(%arg8 : memref<8192xf32, #tpu.memory_space<vmem>>)
    %mul3A_194 = arith.constant 1024 : i32
    %mul3A_195 = arith.muli %mul3A_2, %mul3A_194 : i32
    %add3A_196 = arith.constant 2113536 : i32
    %add3A_197 = arith.addi %add3A_196, %mul3A_195 : i32
    %dma_start3A_198 = tpu.memref_slice %arg2[%add3A_197] : memref<8388608xf32, #tpu.memory_space<hbm>> -> memref<8192xf32, #tpu.memory_space<hbm>>
    %dma_start3A_199 = tpu.memref_slice %arg2[%add3A_197] : memref<8388608xf32, #tpu.memory_space<hbm>> -> memref<8192xf32, #tpu.memory_space<hbm>>
    tpu.enqueue_dma source(%dma_start3A_199 : memref<8192xf32, #tpu.memory_space<hbm>>) target(%arg8 : memref<8192xf32, #tpu.memory_space<vmem>>) target_semaphore(%arg12 : memref<!tpu.dma_semaphore, #tpu.memory_space<semaphore_mem>>)
    %dma_wait3A_200 = arith.constant 0 : i32
    %dma_wait3A_201 = tpu.memref_slice %arg2[%dma_wait3A_200] : memref<8388608xf32, #tpu.memory_space<hbm>> -> memref<8192xf32, #tpu.memory_space<hbm>>
    %dma_wait3A_202 = arith.constant 0 : i32
    %dma_wait3A_203 = tpu.memref_slice %arg2[%dma_wait3A_202] : memref<8388608xf32, #tpu.memory_space<hbm>> -> memref<8192xf32, #tpu.memory_space<hbm>>
    tpu.wait_dma2 semaphore(%arg10 : memref<!tpu.dma_semaphore, #tpu.memory_space<semaphore_mem>>) src(%dma_wait3A_203 : memref<8192xf32, #tpu.memory_space<hbm>>) dst(%arg6 : memref<8192xf32, #tpu.memory_space<vmem>>)
    %parallel_loop3A_204 = arith.constant 0 : i32
    %parallel_loop3A_205 = arith.constant 8192 : i32
    %parallel_loop3A_206 = arith.constant 16 : i32
    scf.for %parallel_loop3A_738 = %parallel_loop3A_204 to %parallel_loop3A_205 step %parallel_loop3A_206  : i32 {
      %parallel_loop3A_739 = arith.constant 0 : i32
      %parallel_loop3A_740 = arith.addi %parallel_loop3A_739, %parallel_loop3A_738 : i32
      %parallel_loop3A_741 = arith.index_cast %parallel_loop3A_740 : i32 to index
      %parallel_loop3A_742 = tpu.vector_load %arg5[%parallel_loop3A_741] {strides = array<i32>} : memref<65536xf32, #tpu.memory_space<vmem>>, vector<16xf32>,
      %parallel_loop3A_743 = vector.shape_cast %parallel_loop3A_742 : vector<16xf32> to vector<16xf32>
      %parallel_loop3A_744 = arith.index_cast %parallel_loop3A_738 : i32 to index
      %parallel_loop3A_745 = tpu.vector_load %arg6[%parallel_loop3A_744] {strides = array<i32>} : memref<8192xf32, #tpu.memory_space<vmem>>, vector<16xf32>,
      %parallel_loop3A_746 = vector.shape_cast %parallel_loop3A_745 : vector<16xf32> to vector<16xf32>
      %parallel_loop3A_747 = vector.shape_cast %parallel_loop3A_743 : vector<16xf32> to vector<16xf32>
      tpu.vector_store %arg6[%parallel_loop3A_744], %parallel_loop3A_747 {add = true, strides = array<i32>} : memref<8192xf32, #tpu.memory_space<vmem>>, vector<16xf32>,
    } {sc.loop_unroll_factor = 4 : i64, sc.parallel_access}
    %mul3A_207 = arith.constant 1024 : i32
    %mul3A_208 = arith.muli %mul3A_2, %mul3A_207 : i32
    %add3A_209 = arith.constant 2097152 : i32
    %add3A_210 = arith.addi %add3A_209, %mul3A_208 : i32
    %dma_start3A_211 = tpu.memref_slice %arg4[%add3A_210] : memref<8388608xf32, #tpu.memory_space<hbm>> -> memref<8192xf32, #tpu.memory_space<hbm>>
    %dma_start3A_212 = tpu.memref_slice %arg4[%add3A_210] : memref<8388608xf32, #tpu.memory_space<hbm>> -> memref<8192xf32, #tpu.memory_space<hbm>>
    tpu.enqueue_dma source(%arg6 : memref<8192xf32, #tpu.memory_space<vmem>>) target(%dma_start3A_212 : memref<8192xf32, #tpu.memory_space<hbm>>) target_semaphore(%arg14 : memref<!tpu.dma_semaphore, #tpu.memory_space<semaphore_mem>>)
    %dma_wait3A_213 = arith.constant 0 : i32
    %dma_wait3A_214 = tpu.memref_slice %arg2[%dma_wait3A_213] : memref<8388608xf32, #tpu.memory_space<hbm>> -> memref<8192xf32, #tpu.memory_space<hbm>>
    %dma_wait3A_215 = arith.constant 0 : i32
    %dma_wait3A_216 = tpu.memref_slice %arg2[%dma_wait3A_215] : memref<8388608xf32, #tpu.memory_space<hbm>> -> memref<8192xf32, #tpu.memory_space<hbm>>
    tpu.wait_dma2 semaphore(%arg17 : memref<!tpu.dma_semaphore, #tpu.memory_space<semaphore_mem>>) src(%dma_wait3A_216 : memref<8192xf32, #tpu.memory_space<hbm>>) dst(%arg9 : memref<8192xf32, #tpu.memory_space<vmem>>)
    %mul3A_217 = arith.constant 1024 : i32
    %mul3A_218 = arith.muli %mul3A_2, %mul3A_217 : i32
    %add3A_219 = arith.constant 2121728 : i32
    %add3A_220 = arith.addi %add3A_219, %mul3A_218 : i32
    %dma_start3A_221 = tpu.memref_slice %arg2[%add3A_220] : memref<8388608xf32, #tpu.memory_space<hbm>> -> memref<8192xf32, #tpu.memory_space<hbm>>
    %dma_start3A_222 = tpu.memref_slice %arg2[%add3A_220] : memref<8388608xf32, #tpu.memory_space<hbm>> -> memref<8192xf32, #tpu.memory_space<hbm>>
    tpu.enqueue_dma source(%dma_start3A_222 : memref<8192xf32, #tpu.memory_space<hbm>>) target(%arg9 : memref<8192xf32, #tpu.memory_space<vmem>>) target_semaphore(%arg13 : memref<!tpu.dma_semaphore, #tpu.memory_space<semaphore_mem>>)
    %dma_wait3A_223 = arith.constant 0 : i32
    %dma_wait3A_224 = tpu.memref_slice %arg2[%dma_wait3A_223] : memref<8388608xf32, #tpu.memory_space<hbm>> -> memref<8192xf32, #tpu.memory_space<hbm>>
    %dma_wait3A_225 = arith.constant 0 : i32
    %dma_wait3A_226 = tpu.memref_slice %arg2[%dma_wait3A_225] : memref<8388608xf32, #tpu.memory_space<hbm>> -> memref<8192xf32, #tpu.memory_space<hbm>>
    tpu.wait_dma2 semaphore(%arg11 : memref<!tpu.dma_semaphore, #tpu.memory_space<semaphore_mem>>) src(%dma_wait3A_226 : memref<8192xf32, #tpu.memory_space<hbm>>) dst(%arg7 : memref<8192xf32, #tpu.memory_space<vmem>>)
    %parallel_loop3A_227 = arith.constant 0 : i32
    %parallel_loop3A_228 = arith.constant 8192 : i32
    %parallel_loop3A_229 = arith.constant 16 : i32
    scf.for %parallel_loop3A_738 = %parallel_loop3A_227 to %parallel_loop3A_228 step %parallel_loop3A_229  : i32 {
      %parallel_loop3A_739 = arith.constant 8192 : i32
      %parallel_loop3A_740 = arith.addi %parallel_loop3A_739, %parallel_loop3A_738 : i32
      %parallel_loop3A_741 = arith.index_cast %parallel_loop3A_740 : i32 to index
      %parallel_loop3A_742 = tpu.vector_load %arg5[%parallel_loop3A_741] {strides = array<i32>} : memref<65536xf32, #tpu.memory_space<vmem>>, vector<16xf32>,
      %parallel_loop3A_743 = vector.shape_cast %parallel_loop3A_742 : vector<16xf32> to vector<16xf32>
      %parallel_loop3A_744 = arith.index_cast %parallel_loop3A_738 : i32 to index
      %parallel_loop3A_745 = tpu.vector_load %arg7[%parallel_loop3A_744] {strides = array<i32>} : memref<8192xf32, #tpu.memory_space<vmem>>, vector<16xf32>,
      %parallel_loop3A_746 = vector.shape_cast %parallel_loop3A_745 : vector<16xf32> to vector<16xf32>
      %parallel_loop3A_747 = vector.shape_cast %parallel_loop3A_743 : vector<16xf32> to vector<16xf32>
      tpu.vector_store %arg7[%parallel_loop3A_744], %parallel_loop3A_747 {add = true, strides = array<i32>} : memref<8192xf32, #tpu.memory_space<vmem>>, vector<16xf32>,
    } {sc.loop_unroll_factor = 4 : i64, sc.parallel_access}
    %mul3A_230 = arith.constant 1024 : i32
    %mul3A_231 = arith.muli %mul3A_2, %mul3A_230 : i32
    %add3A_232 = arith.constant 2105344 : i32
    %add3A_233 = arith.addi %add3A_232, %mul3A_231 : i32
    %dma_start3A_234 = tpu.memref_slice %arg4[%add3A_233] : memref<8388608xf32, #tpu.memory_space<hbm>> -> memref<8192xf32, #tpu.memory_space<hbm>>
    %dma_start3A_235 = tpu.memref_slice %arg4[%add3A_233] : memref<8388608xf32, #tpu.memory_space<hbm>> -> memref<8192xf32, #tpu.memory_space<hbm>>
    tpu.enqueue_dma source(%arg7 : memref<8192xf32, #tpu.memory_space<vmem>>) target(%dma_start3A_235 : memref<8192xf32, #tpu.memory_space<hbm>>) target_semaphore(%arg15 : memref<!tpu.dma_semaphore, #tpu.memory_space<semaphore_mem>>)
    %dma_wait3A_236 = arith.constant 0 : i32
    %dma_wait3A_237 = tpu.memref_slice %arg2[%dma_wait3A_236] : memref<8388608xf32, #tpu.memory_space<hbm>> -> memref<8192xf32, #tpu.memory_space<hbm>>
    %dma_wait3A_238 = arith.constant 0 : i32
    %dma_wait3A_239 = tpu.memref_slice %arg2[%dma_wait3A_238] : memref<8388608xf32, #tpu.memory_space<hbm>> -> memref<8192xf32, #tpu.memory_space<hbm>>
    tpu.wait_dma2 semaphore(%arg14 : memref<!tpu.dma_semaphore, #tpu.memory_space<semaphore_mem>>) src(%dma_wait3A_239 : memref<8192xf32, #tpu.memory_space<hbm>>) dst(%arg6 : memref<8192xf32, #tpu.memory_space<vmem>>)
    %mul3A_240 = arith.constant 1024 : i32
    %mul3A_241 = arith.muli %mul3A_2, %mul3A_240 : i32
    %add3A_242 = arith.constant 2129920 : i32
    %add3A_243 = arith.addi %add3A_242, %mul3A_241 : i32
    %dma_start3A_244 = tpu.memref_slice %arg2[%add3A_243] : memref<8388608xf32, #tpu.memory_space<hbm>> -> memref<8192xf32, #tpu.memory_space<hbm>>
    %dma_start3A_245 = tpu.memref_slice %arg2[%add3A_243] : memref<8388608xf32, #tpu.memory_space<hbm>> -> memref<8192xf32, #tpu.memory_space<hbm>>
    tpu.enqueue_dma source(%dma_start3A_245 : memref<8192xf32, #tpu.memory_space<hbm>>) target(%arg6 : memref<8192xf32, #tpu.memory_space<vmem>>) target_semaphore(%arg10 : memref<!tpu.dma_semaphore, #tpu.memory_space<semaphore_mem>>)
    %dma_wait3A_246 = arith.constant 0 : i32
    %dma_wait3A_247 = tpu.memref_slice %arg2[%dma_wait3A_246] : memref<8388608xf32, #tpu.memory_space<hbm>> -> memref<8192xf32, #tpu.memory_space<hbm>>
    %dma_wait3A_248 = arith.constant 0 : i32
    %dma_wait3A_249 = tpu.memref_slice %arg2[%dma_wait3A_248] : memref<8388608xf32, #tpu.memory_space<hbm>> -> memref<8192xf32, #tpu.memory_space<hbm>>
    tpu.wait_dma2 semaphore(%arg12 : memref<!tpu.dma_semaphore, #tpu.memory_space<semaphore_mem>>) src(%dma_wait3A_249 : memref<8192xf32, #tpu.memory_space<hbm>>) dst(%arg8 : memref<8192xf32, #tpu.memory_space<vmem>>)
    %parallel_loop3A_250 = arith.constant 0 : i32
    %parallel_loop3A_251 = arith.constant 8192 : i32
    %parallel_loop3A_252 = arith.constant 16 : i32
    scf.for %parallel_loop3A_738 = %parallel_loop3A_250 to %parallel_loop3A_251 step %parallel_loop3A_252  : i32 {
      %parallel_loop3A_739 = arith.constant 16384 : i32
      %parallel_loop3A_740 = arith.addi %parallel_loop3A_739, %parallel_loop3A_738 : i32
      %parallel_loop3A_741 = arith.index_cast %parallel_loop3A_740 : i32 to index
      %parallel_loop3A_742 = tpu.vector_load %arg5[%parallel_loop3A_741] {strides = array<i32>} : memref<65536xf32, #tpu.memory_space<vmem>>, vector<16xf32>,
      %parallel_loop3A_743 = vector.shape_cast %parallel_loop3A_742 : vector<16xf32> to vector<16xf32>
      %parallel_loop3A_744 = arith.index_cast %parallel_loop3A_738 : i32 to index
      %parallel_loop3A_745 = tpu.vector_load %arg8[%parallel_loop3A_744] {strides = array<i32>} : memref<8192xf32, #tpu.memory_space<vmem>>, vector<16xf32>,
      %parallel_loop3A_746 = vector.shape_cast %parallel_loop3A_745 : vector<16xf32> to vector<16xf32>
      %parallel_loop3A_747 = vector.shape_cast %parallel_loop3A_743 : vector<16xf32> to vector<16xf32>
      tpu.vector_store %arg8[%parallel_loop3A_744], %parallel_loop3A_747 {add = true, strides = array<i32>} : memref<8192xf32, #tpu.memory_space<vmem>>, vector<16xf32>,
    } {sc.loop_unroll_factor = 4 : i64, sc.parallel_access}
    %mul3A_253 = arith.constant 1024 : i32
    %mul3A_254 = arith.muli %mul3A_2, %mul3A_253 : i32
    %add3A_255 = arith.constant 2113536 : i32
    %add3A_256 = arith.addi %add3A_255, %mul3A_254 : i32
    %dma_start3A_257 = tpu.memref_slice %arg4[%add3A_256] : memref<8388608xf32, #tpu.memory_space<hbm>> -> memref<8192xf32, #tpu.memory_space<hbm>>
    %dma_start3A_258 = tpu.memref_slice %arg4[%add3A_256] : memref<8388608xf32, #tpu.memory_space<hbm>> -> memref<8192xf32, #tpu.memory_space<hbm>>
    tpu.enqueue_dma source(%arg8 : memref<8192xf32, #tpu.memory_space<vmem>>) target(%dma_start3A_258 : memref<8192xf32, #tpu.memory_space<hbm>>) target_semaphore(%arg16 : memref<!tpu.dma_semaphore, #tpu.memory_space<semaphore_mem>>)
    %dma_wait3A_259 = arith.constant 0 : i32
    %dma_wait3A_260 = tpu.memref_slice %arg2[%dma_wait3A_259] : memref<8388608xf32, #tpu.memory_space<hbm>> -> memref<8192xf32, #tpu.memory_space<hbm>>
    %dma_wait3A_261 = arith.constant 0 : i32
    %dma_wait3A_262 = tpu.memref_slice %arg2[%dma_wait3A_261] : memref<8388608xf32, #tpu.memory_space<hbm>> -> memref<8192xf32, #tpu.memory_space<hbm>>
    tpu.wait_dma2 semaphore(%arg15 : memref<!tpu.dma_semaphore, #tpu.memory_space<semaphore_mem>>) src(%dma_wait3A_262 : memref<8192xf32, #tpu.memory_space<hbm>>) dst(%arg7 : memref<8192xf32, #tpu.memory_space<vmem>>)
    %mul3A_263 = arith.constant 1024 : i32
    %mul3A_264 = arith.muli %mul3A_2, %mul3A_263 : i32
    %add3A_265 = arith.constant 2138112 : i32
    %add3A_266 = arith.addi %add3A_265, %mul3A_264 : i32
    %dma_start3A_267 = tpu.memref_slice %arg2[%add3A_266] : memref<8388608xf32, #tpu.memory_space<hbm>> -> memref<8192xf32, #tpu.memory_space<hbm>>
    %dma_start3A_268 = tpu.memref_slice %arg2[%add3A_266] : memref<8388608xf32, #tpu.memory_space<hbm>> -> memref<8192xf32, #tpu.memory_space<hbm>>
    tpu.enqueue_dma source(%dma_start3A_268 : memref<8192xf32, #tpu.memory_space<hbm>>) target(%arg7 : memref<8192xf32, #tpu.memory_space<vmem>>) target_semaphore(%arg11 : memref<!tpu.dma_semaphore, #tpu.memory_space<semaphore_mem>>)
    %dma_wait3A_269 = arith.constant 0 : i32
    %dma_wait3A_270 = tpu.memref_slice %arg2[%dma_wait3A_269] : memref<8388608xf32, #tpu.memory_space<hbm>> -> memref<8192xf32, #tpu.memory_space<hbm>>
    %dma_wait3A_271 = arith.constant 0 : i32
    %dma_wait3A_272 = tpu.memref_slice %arg2[%dma_wait3A_271] : memref<8388608xf32, #tpu.memory_space<hbm>> -> memref<8192xf32, #tpu.memory_space<hbm>>
    tpu.wait_dma2 semaphore(%arg13 : memref<!tpu.dma_semaphore, #tpu.memory_space<semaphore_mem>>) src(%dma_wait3A_272 : memref<8192xf32, #tpu.memory_space<hbm>>) dst(%arg9 : memref<8192xf32, #tpu.memory_space<vmem>>)
    %parallel_loop3A_273 = arith.constant 0 : i32
    %parallel_loop3A_274 = arith.constant 8192 : i32
    %parallel_loop3A_275 = arith.constant 16 : i32
    scf.for %parallel_loop3A_738 = %parallel_loop3A_273 to %parallel_loop3A_274 step %parallel_loop3A_275  : i32 {
      %parallel_loop3A_739 = arith.constant 24576 : i32
      %parallel_loop3A_740 = arith.addi %parallel_loop3A_739, %parallel_loop3A_738 : i32
      %parallel_loop3A_741 = arith.index_cast %parallel_loop3A_740 : i32 to index
      %parallel_loop3A_742 = tpu.vector_load %arg5[%parallel_loop3A_741] {strides = array<i32>} : memref<65536xf32, #tpu.memory_space<vmem>>, vector<16xf32>,
      %parallel_loop3A_743 = vector.shape_cast %parallel_loop3A_742 : vector<16xf32> to vector<16xf32>
      %parallel_loop3A_744 = arith.index_cast %parallel_loop3A_738 : i32 to index
      %parallel_loop3A_745 = tpu.vector_load %arg9[%parallel_loop3A_744] {strides = array<i32>} : memref<8192xf32, #tpu.memory_space<vmem>>, vector<16xf32>,
      %parallel_loop3A_746 = vector.shape_cast %parallel_loop3A_745 : vector<16xf32> to vector<16xf32>
      %parallel_loop3A_747 = vector.shape_cast %parallel_loop3A_743 : vector<16xf32> to vector<16xf32>
      tpu.vector_store %arg9[%parallel_loop3A_744], %parallel_loop3A_747 {add = true, strides = array<i32>} : memref<8192xf32, #tpu.memory_space<vmem>>, vector<16xf32>,
    } {sc.loop_unroll_factor = 4 : i64, sc.parallel_access}
    %mul3A_276 = arith.constant 1024 : i32
    %mul3A_277 = arith.muli %mul3A_2, %mul3A_276 : i32
    %add3A_278 = arith.constant 2121728 : i32
    %add3A_279 = arith.addi %add3A_278, %mul3A_277 : i32
    %dma_start3A_280 = tpu.memref_slice %arg4[%add3A_279] : memref<8388608xf32, #tpu.memory_space<hbm>> -> memref<8192xf32, #tpu.memory_space<hbm>>
    %dma_start3A_281 = tpu.memref_slice %arg4[%add3A_279] : memref<8388608xf32, #tpu.memory_space<hbm>> -> memref<8192xf32, #tpu.memory_space<hbm>>
    tpu.enqueue_dma source(%arg9 : memref<8192xf32, #tpu.memory_space<vmem>>) target(%dma_start3A_281 : memref<8192xf32, #tpu.memory_space<hbm>>) target_semaphore(%arg17 : memref<!tpu.dma_semaphore, #tpu.memory_space<semaphore_mem>>)
    %dma_wait3A_282 = arith.constant 0 : i32
    %dma_wait3A_283 = tpu.memref_slice %arg2[%dma_wait3A_282] : memref<8388608xf32, #tpu.memory_space<hbm>> -> memref<8192xf32, #tpu.memory_space<hbm>>
    %dma_wait3A_284 = arith.constant 0 : i32
    %dma_wait3A_285 = tpu.memref_slice %arg2[%dma_wait3A_284] : memref<8388608xf32, #tpu.memory_space<hbm>> -> memref<8192xf32, #tpu.memory_space<hbm>>
    tpu.wait_dma2 semaphore(%arg16 : memref<!tpu.dma_semaphore, #tpu.memory_space<semaphore_mem>>) src(%dma_wait3A_285 : memref<8192xf32, #tpu.memory_space<hbm>>) dst(%arg8 : memref<8192xf32, #tpu.memory_space<vmem>>)
    %mul3A_286 = arith.constant 1024 : i32
    %mul3A_287 = arith.muli %mul3A_2, %mul3A_286 : i32
    %add3A_288 = arith.constant 2146304 : i32
    %add3A_289 = arith.addi %add3A_288, %mul3A_287 : i32
    %dma_start3A_290 = tpu.memref_slice %arg2[%add3A_289] : memref<8388608xf32, #tpu.memory_space<hbm>> -> memref<8192xf32, #tpu.memory_space<hbm>>
    %dma_start3A_291 = tpu.memref_slice %arg2[%add3A_289] : memref<8388608xf32, #tpu.memory_space<hbm>> -> memref<8192xf32, #tpu.memory_space<hbm>>
    tpu.enqueue_dma source(%dma_start3A_291 : memref<8192xf32, #tpu.memory_space<hbm>>) target(%arg8 : memref<8192xf32, #tpu.memory_space<vmem>>) target_semaphore(%arg12 : memref<!tpu.dma_semaphore, #tpu.memory_space<semaphore_mem>>)
    %dma_wait3A_292 = arith.constant 0 : i32
    %dma_wait3A_293 = tpu.memref_slice %arg2[%dma_wait3A_292] : memref<8388608xf32, #tpu.memory_space<hbm>> -> memref<8192xf32, #tpu.memory_space<hbm>>
    %dma_wait3A_294 = arith.constant 0 : i32
    %dma_wait3A_295 = tpu.memref_slice %arg2[%dma_wait3A_294] : memref<8388608xf32, #tpu.memory_space<hbm>> -> memref<8192xf32, #tpu.memory_space<hbm>>
    tpu.wait_dma2 semaphore(%arg10 : memref<!tpu.dma_semaphore, #tpu.memory_space<semaphore_mem>>) src(%dma_wait3A_295 : memref<8192xf32, #tpu.memory_space<hbm>>) dst(%arg6 : memref<8192xf32, #tpu.memory_space<vmem>>)
    %parallel_loop3A_296 = arith.constant 0 : i32
    %parallel_loop3A_297 = arith.constant 8192 : i32
    %parallel_loop3A_298 = arith.constant 16 : i32
    scf.for %parallel_loop3A_738 = %parallel_loop3A_296 to %parallel_loop3A_297 step %parallel_loop3A_298  : i32 {
      %parallel_loop3A_739 = arith.constant 32768 : i32
      %parallel_loop3A_740 = arith.addi %parallel_loop3A_739, %parallel_loop3A_738 : i32
      %parallel_loop3A_741 = arith.index_cast %parallel_loop3A_740 : i32 to index
      %parallel_loop3A_742 = tpu.vector_load %arg5[%parallel_loop3A_741] {strides = array<i32>} : memref<65536xf32, #tpu.memory_space<vmem>>, vector<16xf32>,
      %parallel_loop3A_743 = vector.shape_cast %parallel_loop3A_742 : vector<16xf32> to vector<16xf32>
      %parallel_loop3A_744 = arith.index_cast %parallel_loop3A_738 : i32 to index
      %parallel_loop3A_745 = tpu.vector_load %arg6[%parallel_loop3A_744] {strides = array<i32>} : memref<8192xf32, #tpu.memory_space<vmem>>, vector<16xf32>,
      %parallel_loop3A_746 = vector.shape_cast %parallel_loop3A_745 : vector<16xf32> to vector<16xf32>
      %parallel_loop3A_747 = vector.shape_cast %parallel_loop3A_743 : vector<16xf32> to vector<16xf32>
      tpu.vector_store %arg6[%parallel_loop3A_744], %parallel_loop3A_747 {add = true, strides = array<i32>} : memref<8192xf32, #tpu.memory_space<vmem>>, vector<16xf32>,
    } {sc.loop_unroll_factor = 4 : i64, sc.parallel_access}
    %mul3A_299 = arith.constant 1024 : i32
    %mul3A_300 = arith.muli %mul3A_2, %mul3A_299 : i32
    %add3A_301 = arith.constant 2129920 : i32
    %add3A_302 = arith.addi %add3A_301, %mul3A_300 : i32
    %dma_start3A_303 = tpu.memref_slice %arg4[%add3A_302] : memref<8388608xf32, #tpu.memory_space<hbm>> -> memref<8192xf32, #tpu.memory_space<hbm>>
    %dma_start3A_304 = tpu.memref_slice %arg4[%add3A_302] : memref<8388608xf32, #tpu.memory_space<hbm>> -> memref<8192xf32, #tpu.memory_space<hbm>>
    tpu.enqueue_dma source(%arg6 : memref<8192xf32, #tpu.memory_space<vmem>>) target(%dma_start3A_304 : memref<8192xf32, #tpu.memory_space<hbm>>) target_semaphore(%arg14 : memref<!tpu.dma_semaphore, #tpu.memory_space<semaphore_mem>>)
    %dma_wait3A_305 = arith.constant 0 : i32
    %dma_wait3A_306 = tpu.memref_slice %arg2[%dma_wait3A_305] : memref<8388608xf32, #tpu.memory_space<hbm>> -> memref<8192xf32, #tpu.memory_space<hbm>>
    %dma_wait3A_307 = arith.constant 0 : i32
    %dma_wait3A_308 = tpu.memref_slice %arg2[%dma_wait3A_307] : memref<8388608xf32, #tpu.memory_space<hbm>> -> memref<8192xf32, #tpu.memory_space<hbm>>
    tpu.wait_dma2 semaphore(%arg17 : memref<!tpu.dma_semaphore, #tpu.memory_space<semaphore_mem>>) src(%dma_wait3A_308 : memref<8192xf32, #tpu.memory_space<hbm>>) dst(%arg9 : memref<8192xf32, #tpu.memory_space<vmem>>)
    %mul3A_309 = arith.constant 1024 : i32
    %mul3A_310 = arith.muli %mul3A_2, %mul3A_309 : i32
    %add3A_311 = arith.constant 2154496 : i32
    %add3A_312 = arith.addi %add3A_311, %mul3A_310 : i32
    %dma_start3A_313 = tpu.memref_slice %arg2[%add3A_312] : memref<8388608xf32, #tpu.memory_space<hbm>> -> memref<8192xf32, #tpu.memory_space<hbm>>
    %dma_start3A_314 = tpu.memref_slice %arg2[%add3A_312] : memref<8388608xf32, #tpu.memory_space<hbm>> -> memref<8192xf32, #tpu.memory_space<hbm>>
    tpu.enqueue_dma source(%dma_start3A_314 : memref<8192xf32, #tpu.memory_space<hbm>>) target(%arg9 : memref<8192xf32, #tpu.memory_space<vmem>>) target_semaphore(%arg13 : memref<!tpu.dma_semaphore, #tpu.memory_space<semaphore_mem>>)
    %dma_wait3A_315 = arith.constant 0 : i32
    %dma_wait3A_316 = tpu.memref_slice %arg2[%dma_wait3A_315] : memref<8388608xf32, #tpu.memory_space<hbm>> -> memref<8192xf32, #tpu.memory_space<hbm>>
    %dma_wait3A_317 = arith.constant 0 : i32
    %dma_wait3A_318 = tpu.memref_slice %arg2[%dma_wait3A_317] : memref<8388608xf32, #tpu.memory_space<hbm>> -> memref<8192xf32, #tpu.memory_space<hbm>>
    tpu.wait_dma2 semaphore(%arg11 : memref<!tpu.dma_semaphore, #tpu.memory_space<semaphore_mem>>) src(%dma_wait3A_318 : memref<8192xf32, #tpu.memory_space<hbm>>) dst(%arg7 : memref<8192xf32, #tpu.memory_space<vmem>>)
    %parallel_loop3A_319 = arith.constant 0 : i32
    %parallel_loop3A_320 = arith.constant 8192 : i32
    %parallel_loop3A_321 = arith.constant 16 : i32
    scf.for %parallel_loop3A_738 = %parallel_loop3A_319 to %parallel_loop3A_320 step %parallel_loop3A_321  : i32 {
      %parallel_loop3A_739 = arith.constant 40960 : i32
      %parallel_loop3A_740 = arith.addi %parallel_loop3A_739, %parallel_loop3A_738 : i32
      %parallel_loop3A_741 = arith.index_cast %parallel_loop3A_740 : i32 to index
      %parallel_loop3A_742 = tpu.vector_load %arg5[%parallel_loop3A_741] {strides = array<i32>} : memref<65536xf32, #tpu.memory_space<vmem>>, vector<16xf32>,
      %parallel_loop3A_743 = vector.shape_cast %parallel_loop3A_742 : vector<16xf32> to vector<16xf32>
      %parallel_loop3A_744 = arith.index_cast %parallel_loop3A_738 : i32 to index
      %parallel_loop3A_745 = tpu.vector_load %arg7[%parallel_loop3A_744] {strides = array<i32>} : memref<8192xf32, #tpu.memory_space<vmem>>, vector<16xf32>,
      %parallel_loop3A_746 = vector.shape_cast %parallel_loop3A_745 : vector<16xf32> to vector<16xf32>
      %parallel_loop3A_747 = vector.shape_cast %parallel_loop3A_743 : vector<16xf32> to vector<16xf32>
      tpu.vector_store %arg7[%parallel_loop3A_744], %parallel_loop3A_747 {add = true, strides = array<i32>} : memref<8192xf32, #tpu.memory_space<vmem>>, vector<16xf32>,
    } {sc.loop_unroll_factor = 4 : i64, sc.parallel_access}
    %mul3A_322 = arith.constant 1024 : i32
    %mul3A_323 = arith.muli %mul3A_2, %mul3A_322 : i32
    %add3A_324 = arith.constant 2138112 : i32
    %add3A_325 = arith.addi %add3A_324, %mul3A_323 : i32
    %dma_start3A_326 = tpu.memref_slice %arg4[%add3A_325] : memref<8388608xf32, #tpu.memory_space<hbm>> -> memref<8192xf32, #tpu.memory_space<hbm>>
    %dma_start3A_327 = tpu.memref_slice %arg4[%add3A_325] : memref<8388608xf32, #tpu.memory_space<hbm>> -> memref<8192xf32, #tpu.memory_space<hbm>>
    tpu.enqueue_dma source(%arg7 : memref<8192xf32, #tpu.memory_space<vmem>>) target(%dma_start3A_327 : memref<8192xf32, #tpu.memory_space<hbm>>) target_semaphore(%arg15 : memref<!tpu.dma_semaphore, #tpu.memory_space<semaphore_mem>>)
    %dma_wait3A_328 = arith.constant 0 : i32
    %dma_wait3A_329 = tpu.memref_slice %arg2[%dma_wait3A_328] : memref<8388608xf32, #tpu.memory_space<hbm>> -> memref<8192xf32, #tpu.memory_space<hbm>>
    %dma_wait3A_330 = arith.constant 0 : i32
    %dma_wait3A_331 = tpu.memref_slice %arg2[%dma_wait3A_330] : memref<8388608xf32, #tpu.memory_space<hbm>> -> memref<8192xf32, #tpu.memory_space<hbm>>
    tpu.wait_dma2 semaphore(%arg14 : memref<!tpu.dma_semaphore, #tpu.memory_space<semaphore_mem>>) src(%dma_wait3A_331 : memref<8192xf32, #tpu.memory_space<hbm>>) dst(%arg6 : memref<8192xf32, #tpu.memory_space<vmem>>)
    %mul3A_332 = arith.constant 1024 : i32
    %mul3A_333 = arith.muli %mul3A_2, %mul3A_332 : i32
    %add3A_334 = arith.constant 4194304 : i32
    %add3A_335 = arith.addi %add3A_334, %mul3A_333 : i32
    %dma_start3A_336 = tpu.memref_slice %arg2[%add3A_335] : memref<8388608xf32, #tpu.memory_space<hbm>> -> memref<8192xf32, #tpu.memory_space<hbm>>
    %dma_start3A_337 = tpu.memref_slice %arg2[%add3A_335] : memref<8388608xf32, #tpu.memory_space<hbm>> -> memref<8192xf32, #tpu.memory_space<hbm>>
    tpu.enqueue_dma source(%dma_start3A_337 : memref<8192xf32, #tpu.memory_space<hbm>>) target(%arg6 : memref<8192xf32, #tpu.memory_space<vmem>>) target_semaphore(%arg10 : memref<!tpu.dma_semaphore, #tpu.memory_space<semaphore_mem>>)
    %dma_wait3A_338 = arith.constant 0 : i32
    %dma_wait3A_339 = tpu.memref_slice %arg2[%dma_wait3A_338] : memref<8388608xf32, #tpu.memory_space<hbm>> -> memref<8192xf32, #tpu.memory_space<hbm>>
    %dma_wait3A_340 = arith.constant 0 : i32
    %dma_wait3A_341 = tpu.memref_slice %arg2[%dma_wait3A_340] : memref<8388608xf32, #tpu.memory_space<hbm>> -> memref<8192xf32, #tpu.memory_space<hbm>>
    tpu.wait_dma2 semaphore(%arg12 : memref<!tpu.dma_semaphore, #tpu.memory_space<semaphore_mem>>) src(%dma_wait3A_341 : memref<8192xf32, #tpu.memory_space<hbm>>) dst(%arg8 : memref<8192xf32, #tpu.memory_space<vmem>>)
    %parallel_loop3A_342 = arith.constant 0 : i32
    %parallel_loop3A_343 = arith.constant 8192 : i32
    %parallel_loop3A_344 = arith.constant 16 : i32
    scf.for %parallel_loop3A_738 = %parallel_loop3A_342 to %parallel_loop3A_343 step %parallel_loop3A_344  : i32 {
      %parallel_loop3A_739 = arith.constant 49152 : i32
      %parallel_loop3A_740 = arith.addi %parallel_loop3A_739, %parallel_loop3A_738 : i32
      %parallel_loop3A_741 = arith.index_cast %parallel_loop3A_740 : i32 to index
      %parallel_loop3A_742 = tpu.vector_load %arg5[%parallel_loop3A_741] {strides = array<i32>} : memref<65536xf32, #tpu.memory_space<vmem>>, vector<16xf32>,
      %parallel_loop3A_743 = vector.shape_cast %parallel_loop3A_742 : vector<16xf32> to vector<16xf32>
      %parallel_loop3A_744 = arith.index_cast %parallel_loop3A_738 : i32 to index
      %parallel_loop3A_745 = tpu.vector_load %arg8[%parallel_loop3A_744] {strides = array<i32>} : memref<8192xf32, #tpu.memory_space<vmem>>, vector<16xf32>,
      %parallel_loop3A_746 = vector.shape_cast %parallel_loop3A_745 : vector<16xf32> to vector<16xf32>
      %parallel_loop3A_747 = vector.shape_cast %parallel_loop3A_743 : vector<16xf32> to vector<16xf32>
      tpu.vector_store %arg8[%parallel_loop3A_744], %parallel_loop3A_747 {add = true, strides = array<i32>} : memref<8192xf32, #tpu.memory_space<vmem>>, vector<16xf32>,
    } {sc.loop_unroll_factor = 4 : i64, sc.parallel_access}
    %mul3A_345 = arith.constant 1024 : i32
    %mul3A_346 = arith.muli %mul3A_2, %mul3A_345 : i32
    %add3A_347 = arith.constant 2146304 : i32
    %add3A_348 = arith.addi %add3A_347, %mul3A_346 : i32
    %dma_start3A_349 = tpu.memref_slice %arg4[%add3A_348] : memref<8388608xf32, #tpu.memory_space<hbm>> -> memref<8192xf32, #tpu.memory_space<hbm>>
    %dma_start3A_350 = tpu.memref_slice %arg4[%add3A_348] : memref<8388608xf32, #tpu.memory_space<hbm>> -> memref<8192xf32, #tpu.memory_space<hbm>>
    tpu.enqueue_dma source(%arg8 : memref<8192xf32, #tpu.memory_space<vmem>>) target(%dma_start3A_350 : memref<8192xf32, #tpu.memory_space<hbm>>) target_semaphore(%arg16 : memref<!tpu.dma_semaphore, #tpu.memory_space<semaphore_mem>>)
    %dma_wait3A_351 = arith.constant 0 : i32
    %dma_wait3A_352 = tpu.memref_slice %arg2[%dma_wait3A_351] : memref<8388608xf32, #tpu.memory_space<hbm>> -> memref<8192xf32, #tpu.memory_space<hbm>>
    %dma_wait3A_353 = arith.constant 0 : i32
    %dma_wait3A_354 = tpu.memref_slice %arg2[%dma_wait3A_353] : memref<8388608xf32, #tpu.memory_space<hbm>> -> memref<8192xf32, #tpu.memory_space<hbm>>
    tpu.wait_dma2 semaphore(%arg15 : memref<!tpu.dma_semaphore, #tpu.memory_space<semaphore_mem>>) src(%dma_wait3A_354 : memref<8192xf32, #tpu.memory_space<hbm>>) dst(%arg7 : memref<8192xf32, #tpu.memory_space<vmem>>)
    %mul3A_355 = arith.constant 1024 : i32
    %mul3A_356 = arith.muli %mul3A_2, %mul3A_355 : i32
    %add3A_357 = arith.constant 4202496 : i32
    %add3A_358 = arith.addi %add3A_357, %mul3A_356 : i32
    %dma_start3A_359 = tpu.memref_slice %arg2[%add3A_358] : memref<8388608xf32, #tpu.memory_space<hbm>> -> memref<8192xf32, #tpu.memory_space<hbm>>
    %dma_start3A_360 = tpu.memref_slice %arg2[%add3A_358] : memref<8388608xf32, #tpu.memory_space<hbm>> -> memref<8192xf32, #tpu.memory_space<hbm>>
    tpu.enqueue_dma source(%dma_start3A_360 : memref<8192xf32, #tpu.memory_space<hbm>>) target(%arg7 : memref<8192xf32, #tpu.memory_space<vmem>>) target_semaphore(%arg11 : memref<!tpu.dma_semaphore, #tpu.memory_space<semaphore_mem>>)
    %dma_wait3A_361 = arith.constant 0 : i32
    %dma_wait3A_362 = tpu.memref_slice %arg2[%dma_wait3A_361] : memref<8388608xf32, #tpu.memory_space<hbm>> -> memref<8192xf32, #tpu.memory_space<hbm>>
    %dma_wait3A_363 = arith.constant 0 : i32
    %dma_wait3A_364 = tpu.memref_slice %arg2[%dma_wait3A_363] : memref<8388608xf32, #tpu.memory_space<hbm>> -> memref<8192xf32, #tpu.memory_space<hbm>>
    tpu.wait_dma2 semaphore(%arg13 : memref<!tpu.dma_semaphore, #tpu.memory_space<semaphore_mem>>) src(%dma_wait3A_364 : memref<8192xf32, #tpu.memory_space<hbm>>) dst(%arg9 : memref<8192xf32, #tpu.memory_space<vmem>>)
    %parallel_loop3A_365 = arith.constant 0 : i32
    %parallel_loop3A_366 = arith.constant 8192 : i32
    %parallel_loop3A_367 = arith.constant 16 : i32
    scf.for %parallel_loop3A_738 = %parallel_loop3A_365 to %parallel_loop3A_366 step %parallel_loop3A_367  : i32 {
      %parallel_loop3A_739 = arith.constant 57344 : i32
      %parallel_loop3A_740 = arith.addi %parallel_loop3A_739, %parallel_loop3A_738 : i32
      %parallel_loop3A_741 = arith.index_cast %parallel_loop3A_740 : i32 to index
      %parallel_loop3A_742 = tpu.vector_load %arg5[%parallel_loop3A_741] {strides = array<i32>} : memref<65536xf32, #tpu.memory_space<vmem>>, vector<16xf32>,
      %parallel_loop3A_743 = vector.shape_cast %parallel_loop3A_742 : vector<16xf32> to vector<16xf32>
      %parallel_loop3A_744 = arith.index_cast %parallel_loop3A_738 : i32 to index
      %parallel_loop3A_745 = tpu.vector_load %arg9[%parallel_loop3A_744] {strides = array<i32>} : memref<8192xf32, #tpu.memory_space<vmem>>, vector<16xf32>,
      %parallel_loop3A_746 = vector.shape_cast %parallel_loop3A_745 : vector<16xf32> to vector<16xf32>
      %parallel_loop3A_747 = vector.shape_cast %parallel_loop3A_743 : vector<16xf32> to vector<16xf32>
      tpu.vector_store %arg9[%parallel_loop3A_744], %parallel_loop3A_747 {add = true, strides = array<i32>} : memref<8192xf32, #tpu.memory_space<vmem>>, vector<16xf32>,
    } {sc.loop_unroll_factor = 4 : i64, sc.parallel_access}
    %mul3A_368 = arith.constant 1024 : i32
    %mul3A_369 = arith.muli %mul3A_2, %mul3A_368 : i32
    %add3A_370 = arith.constant 2154496 : i32
    %add3A_371 = arith.addi %add3A_370, %mul3A_369 : i32
    %dma_start3A_372 = tpu.memref_slice %arg4[%add3A_371] : memref<8388608xf32, #tpu.memory_space<hbm>> -> memref<8192xf32, #tpu.memory_space<hbm>>
    %dma_start3A_373 = tpu.memref_slice %arg4[%add3A_371] : memref<8388608xf32, #tpu.memory_space<hbm>> -> memref<8192xf32, #tpu.memory_space<hbm>>
    tpu.enqueue_dma source(%arg9 : memref<8192xf32, #tpu.memory_space<vmem>>) target(%dma_start3A_373 : memref<8192xf32, #tpu.memory_space<hbm>>) target_semaphore(%arg17 : memref<!tpu.dma_semaphore, #tpu.memory_space<semaphore_mem>>)
    %dma_wait3A_374 = arith.constant 0 : i32
    %dma_wait3A_375 = tpu.memref_slice %arg2[%dma_wait3A_374] : memref<8388608xf32, #tpu.memory_space<hbm>> -> memref<8192xf32, #tpu.memory_space<hbm>>
    %dma_wait3A_376 = arith.constant 0 : i32
    %dma_wait3A_377 = tpu.memref_slice %arg2[%dma_wait3A_376] : memref<8388608xf32, #tpu.memory_space<hbm>> -> memref<8192xf32, #tpu.memory_space<hbm>>
    tpu.wait_dma2 semaphore(%arg16 : memref<!tpu.dma_semaphore, #tpu.memory_space<semaphore_mem>>) src(%dma_wait3A_377 : memref<8192xf32, #tpu.memory_space<hbm>>) dst(%arg8 : memref<8192xf32, #tpu.memory_space<vmem>>)
    %mul3A_378 = arith.constant 1024 : i32
    %mul3A_379 = arith.muli %mul3A_2, %mul3A_378 : i32
    %add3A_380 = arith.constant 4210688 : i32
    %add3A_381 = arith.addi %add3A_380, %mul3A_379 : i32
    %dma_start3A_382 = tpu.memref_slice %arg2[%add3A_381] : memref<8388608xf32, #tpu.memory_space<hbm>> -> memref<8192xf32, #tpu.memory_space<hbm>>
    %dma_start3A_383 = tpu.memref_slice %arg2[%add3A_381] : memref<8388608xf32, #tpu.memory_space<hbm>> -> memref<8192xf32, #tpu.memory_space<hbm>>
    tpu.enqueue_dma source(%dma_start3A_383 : memref<8192xf32, #tpu.memory_space<hbm>>) target(%arg8 : memref<8192xf32, #tpu.memory_space<vmem>>) target_semaphore(%arg12 : memref<!tpu.dma_semaphore, #tpu.memory_space<semaphore_mem>>)
    %dma_wait3A_384 = arith.constant 0 : i32
    %dma_wait3A_385 = tpu.memref_slice %arg2[%dma_wait3A_384] : memref<8388608xf32, #tpu.memory_space<hbm>> -> memref<8192xf32, #tpu.memory_space<hbm>>
    %dma_wait3A_386 = arith.constant 0 : i32
    %dma_wait3A_387 = tpu.memref_slice %arg2[%dma_wait3A_386] : memref<8388608xf32, #tpu.memory_space<hbm>> -> memref<8192xf32, #tpu.memory_space<hbm>>
    tpu.wait_dma2 semaphore(%arg10 : memref<!tpu.dma_semaphore, #tpu.memory_space<semaphore_mem>>) src(%dma_wait3A_387 : memref<8192xf32, #tpu.memory_space<hbm>>) dst(%arg6 : memref<8192xf32, #tpu.memory_space<vmem>>)
    %parallel_loop3A_388 = arith.constant 0 : i32
    %parallel_loop3A_389 = arith.constant 8192 : i32
    %parallel_loop3A_390 = arith.constant 16 : i32
    scf.for %parallel_loop3A_738 = %parallel_loop3A_388 to %parallel_loop3A_389 step %parallel_loop3A_390  : i32 {
      %parallel_loop3A_739 = arith.constant 0 : i32
      %parallel_loop3A_740 = arith.addi %parallel_loop3A_739, %parallel_loop3A_738 : i32
      %parallel_loop3A_741 = arith.index_cast %parallel_loop3A_740 : i32 to index
      %parallel_loop3A_742 = tpu.vector_load %arg5[%parallel_loop3A_741] {strides = array<i32>} : memref<65536xf32, #tpu.memory_space<vmem>>, vector<16xf32>,
      %parallel_loop3A_743 = vector.shape_cast %parallel_loop3A_742 : vector<16xf32> to vector<16xf32>
      %parallel_loop3A_744 = arith.index_cast %parallel_loop3A_738 : i32 to index
      %parallel_loop3A_745 = tpu.vector_load %arg6[%parallel_loop3A_744] {strides = array<i32>} : memref<8192xf32, #tpu.memory_space<vmem>>, vector<16xf32>,
      %parallel_loop3A_746 = vector.shape_cast %parallel_loop3A_745 : vector<16xf32> to vector<16xf32>
      %parallel_loop3A_747 = vector.shape_cast %parallel_loop3A_743 : vector<16xf32> to vector<16xf32>
      tpu.vector_store %arg6[%parallel_loop3A_744], %parallel_loop3A_747 {add = true, strides = array<i32>} : memref<8192xf32, #tpu.memory_space<vmem>>, vector<16xf32>,
    } {sc.loop_unroll_factor = 4 : i64, sc.parallel_access}
    %mul3A_391 = arith.constant 1024 : i32
    %mul3A_392 = arith.muli %mul3A_2, %mul3A_391 : i32
    %add3A_393 = arith.constant 4194304 : i32
    %add3A_394 = arith.addi %add3A_393, %mul3A_392 : i32
    %dma_start3A_395 = tpu.memref_slice %arg4[%add3A_394] : memref<8388608xf32, #tpu.memory_space<hbm>> -> memref<8192xf32, #tpu.memory_space<hbm>>
    %dma_start3A_396 = tpu.memref_slice %arg4[%add3A_394] : memref<8388608xf32, #tpu.memory_space<hbm>> -> memref<8192xf32, #tpu.memory_space<hbm>>
    tpu.enqueue_dma source(%arg6 : memref<8192xf32, #tpu.memory_space<vmem>>) target(%dma_start3A_396 : memref<8192xf32, #tpu.memory_space<hbm>>) target_semaphore(%arg14 : memref<!tpu.dma_semaphore, #tpu.memory_space<semaphore_mem>>)
    %dma_wait3A_397 = arith.constant 0 : i32
    %dma_wait3A_398 = tpu.memref_slice %arg2[%dma_wait3A_397] : memref<8388608xf32, #tpu.memory_space<hbm>> -> memref<8192xf32, #tpu.memory_space<hbm>>
    %dma_wait3A_399 = arith.constant 0 : i32
    %dma_wait3A_400 = tpu.memref_slice %arg2[%dma_wait3A_399] : memref<8388608xf32, #tpu.memory_space<hbm>> -> memref<8192xf32, #tpu.memory_space<hbm>>
    tpu.wait_dma2 semaphore(%arg17 : memref<!tpu.dma_semaphore, #tpu.memory_space<semaphore_mem>>) src(%dma_wait3A_400 : memref<8192xf32, #tpu.memory_space<hbm>>) dst(%arg9 : memref<8192xf32, #tpu.memory_space<vmem>>)
    %mul3A_401 = arith.constant 1024 : i32
    %mul3A_402 = arith.muli %mul3A_2, %mul3A_401 : i32
    %add3A_403 = arith.constant 4218880 : i32
    %add3A_404 = arith.addi %add3A_403, %mul3A_402 : i32
    %dma_start3A_405 = tpu.memref_slice %arg2[%add3A_404] : memref<8388608xf32, #tpu.memory_space<hbm>> -> memref<8192xf32, #tpu.memory_space<hbm>>
    %dma_start3A_406 = tpu.memref_slice %arg2[%add3A_404] : memref<8388608xf32, #tpu.memory_space<hbm>> -> memref<8192xf32, #tpu.memory_space<hbm>>
    tpu.enqueue_dma source(%dma_start3A_406 : memref<8192xf32, #tpu.memory_space<hbm>>) target(%arg9 : memref<8192xf32, #tpu.memory_space<vmem>>) target_semaphore(%arg13 : memref<!tpu.dma_semaphore, #tpu.memory_space<semaphore_mem>>)
    %dma_wait3A_407 = arith.constant 0 : i32
    %dma_wait3A_408 = tpu.memref_slice %arg2[%dma_wait3A_407] : memref<8388608xf32, #tpu.memory_space<hbm>> -> memref<8192xf32, #tpu.memory_space<hbm>>
    %dma_wait3A_409 = arith.constant 0 : i32
    %dma_wait3A_410 = tpu.memref_slice %arg2[%dma_wait3A_409] : memref<8388608xf32, #tpu.memory_space<hbm>> -> memref<8192xf32, #tpu.memory_space<hbm>>
    tpu.wait_dma2 semaphore(%arg11 : memref<!tpu.dma_semaphore, #tpu.memory_space<semaphore_mem>>) src(%dma_wait3A_410 : memref<8192xf32, #tpu.memory_space<hbm>>) dst(%arg7 : memref<8192xf32, #tpu.memory_space<vmem>>)
    %parallel_loop3A_411 = arith.constant 0 : i32
    %parallel_loop3A_412 = arith.constant 8192 : i32
    %parallel_loop3A_413 = arith.constant 16 : i32
    scf.for %parallel_loop3A_738 = %parallel_loop3A_411 to %parallel_loop3A_412 step %parallel_loop3A_413  : i32 {
      %parallel_loop3A_739 = arith.constant 8192 : i32
      %parallel_loop3A_740 = arith.addi %parallel_loop3A_739, %parallel_loop3A_738 : i32
      %parallel_loop3A_741 = arith.index_cast %parallel_loop3A_740 : i32 to index
      %parallel_loop3A_742 = tpu.vector_load %arg5[%parallel_loop3A_741] {strides = array<i32>} : memref<65536xf32, #tpu.memory_space<vmem>>, vector<16xf32>,
      %parallel_loop3A_743 = vector.shape_cast %parallel_loop3A_742 : vector<16xf32> to vector<16xf32>
      %parallel_loop3A_744 = arith.index_cast %parallel_loop3A_738 : i32 to index
      %parallel_loop3A_745 = tpu.vector_load %arg7[%parallel_loop3A_744] {strides = array<i32>} : memref<8192xf32, #tpu.memory_space<vmem>>, vector<16xf32>,
      %parallel_loop3A_746 = vector.shape_cast %parallel_loop3A_745 : vector<16xf32> to vector<16xf32>
      %parallel_loop3A_747 = vector.shape_cast %parallel_loop3A_743 : vector<16xf32> to vector<16xf32>
      tpu.vector_store %arg7[%parallel_loop3A_744], %parallel_loop3A_747 {add = true, strides = array<i32>} : memref<8192xf32, #tpu.memory_space<vmem>>, vector<16xf32>,
    } {sc.loop_unroll_factor = 4 : i64, sc.parallel_access}
    %mul3A_414 = arith.constant 1024 : i32
    %mul3A_415 = arith.muli %mul3A_2, %mul3A_414 : i32
    %add3A_416 = arith.constant 4202496 : i32
    %add3A_417 = arith.addi %add3A_416, %mul3A_415 : i32
    %dma_start3A_418 = tpu.memref_slice %arg4[%add3A_417] : memref<8388608xf32, #tpu.memory_space<hbm>> -> memref<8192xf32, #tpu.memory_space<hbm>>
    %dma_start3A_419 = tpu.memref_slice %arg4[%add3A_417] : memref<8388608xf32, #tpu.memory_space<hbm>> -> memref<8192xf32, #tpu.memory_space<hbm>>
    tpu.enqueue_dma source(%arg7 : memref<8192xf32, #tpu.memory_space<vmem>>) target(%dma_start3A_419 : memref<8192xf32, #tpu.memory_space<hbm>>) target_semaphore(%arg15 : memref<!tpu.dma_semaphore, #tpu.memory_space<semaphore_mem>>)
    %dma_wait3A_420 = arith.constant 0 : i32
    %dma_wait3A_421 = tpu.memref_slice %arg2[%dma_wait3A_420] : memref<8388608xf32, #tpu.memory_space<hbm>> -> memref<8192xf32, #tpu.memory_space<hbm>>
    %dma_wait3A_422 = arith.constant 0 : i32
    %dma_wait3A_423 = tpu.memref_slice %arg2[%dma_wait3A_422] : memref<8388608xf32, #tpu.memory_space<hbm>> -> memref<8192xf32, #tpu.memory_space<hbm>>
    tpu.wait_dma2 semaphore(%arg14 : memref<!tpu.dma_semaphore, #tpu.memory_space<semaphore_mem>>) src(%dma_wait3A_423 : memref<8192xf32, #tpu.memory_space<hbm>>) dst(%arg6 : memref<8192xf32, #tpu.memory_space<vmem>>)
    %mul3A_424 = arith.constant 1024 : i32
    %mul3A_425 = arith.muli %mul3A_2, %mul3A_424 : i32
    %add3A_426 = arith.constant 4227072 : i32
    %add3A_427 = arith.addi %add3A_426, %mul3A_425 : i32
    %dma_start3A_428 = tpu.memref_slice %arg2[%add3A_427] : memref<8388608xf32, #tpu.memory_space<hbm>> -> memref<8192xf32, #tpu.memory_space<hbm>>
    %dma_start3A_429 = tpu.memref_slice %arg2[%add3A_427] : memref<8388608xf32, #tpu.memory_space<hbm>> -> memref<8192xf32, #tpu.memory_space<hbm>>
    tpu.enqueue_dma source(%dma_start3A_429 : memref<8192xf32, #tpu.memory_space<hbm>>) target(%arg6 : memref<8192xf32, #tpu.memory_space<vmem>>) target_semaphore(%arg10 : memref<!tpu.dma_semaphore, #tpu.memory_space<semaphore_mem>>)
    %dma_wait3A_430 = arith.constant 0 : i32
    %dma_wait3A_431 = tpu.memref_slice %arg2[%dma_wait3A_430] : memref<8388608xf32, #tpu.memory_space<hbm>> -> memref<8192xf32, #tpu.memory_space<hbm>>
    %dma_wait3A_432 = arith.constant 0 : i32
    %dma_wait3A_433 = tpu.memref_slice %arg2[%dma_wait3A_432] : memref<8388608xf32, #tpu.memory_space<hbm>> -> memref<8192xf32, #tpu.memory_space<hbm>>
    tpu.wait_dma2 semaphore(%arg12 : memref<!tpu.dma_semaphore, #tpu.memory_space<semaphore_mem>>) src(%dma_wait3A_433 : memref<8192xf32, #tpu.memory_space<hbm>>) dst(%arg8 : memref<8192xf32, #tpu.memory_space<vmem>>)
    %parallel_loop3A_434 = arith.constant 0 : i32
    %parallel_loop3A_435 = arith.constant 8192 : i32
    %parallel_loop3A_436 = arith.constant 16 : i32
    scf.for %parallel_loop3A_738 = %parallel_loop3A_434 to %parallel_loop3A_435 step %parallel_loop3A_436  : i32 {
      %parallel_loop3A_739 = arith.constant 16384 : i32
      %parallel_loop3A_740 = arith.addi %parallel_loop3A_739, %parallel_loop3A_738 : i32
      %parallel_loop3A_741 = arith.index_cast %parallel_loop3A_740 : i32 to index
      %parallel_loop3A_742 = tpu.vector_load %arg5[%parallel_loop3A_741] {strides = array<i32>} : memref<65536xf32, #tpu.memory_space<vmem>>, vector<16xf32>,
      %parallel_loop3A_743 = vector.shape_cast %parallel_loop3A_742 : vector<16xf32> to vector<16xf32>
      %parallel_loop3A_744 = arith.index_cast %parallel_loop3A_738 : i32 to index
      %parallel_loop3A_745 = tpu.vector_load %arg8[%parallel_loop3A_744] {strides = array<i32>} : memref<8192xf32, #tpu.memory_space<vmem>>, vector<16xf32>,
      %parallel_loop3A_746 = vector.shape_cast %parallel_loop3A_745 : vector<16xf32> to vector<16xf32>
      %parallel_loop3A_747 = vector.shape_cast %parallel_loop3A_743 : vector<16xf32> to vector<16xf32>
      tpu.vector_store %arg8[%parallel_loop3A_744], %parallel_loop3A_747 {add = true, strides = array<i32>} : memref<8192xf32, #tpu.memory_space<vmem>>, vector<16xf32>,
    } {sc.loop_unroll_factor = 4 : i64, sc.parallel_access}
    %mul3A_437 = arith.constant 1024 : i32
    %mul3A_438 = arith.muli %mul3A_2, %mul3A_437 : i32
    %add3A_439 = arith.constant 4210688 : i32
    %add3A_440 = arith.addi %add3A_439, %mul3A_438 : i32
    %dma_start3A_441 = tpu.memref_slice %arg4[%add3A_440] : memref<8388608xf32, #tpu.memory_space<hbm>> -> memref<8192xf32, #tpu.memory_space<hbm>>
    %dma_start3A_442 = tpu.memref_slice %arg4[%add3A_440] : memref<8388608xf32, #tpu.memory_space<hbm>> -> memref<8192xf32, #tpu.memory_space<hbm>>
    tpu.enqueue_dma source(%arg8 : memref<8192xf32, #tpu.memory_space<vmem>>) target(%dma_start3A_442 : memref<8192xf32, #tpu.memory_space<hbm>>) target_semaphore(%arg16 : memref<!tpu.dma_semaphore, #tpu.memory_space<semaphore_mem>>)
    %dma_wait3A_443 = arith.constant 0 : i32
    %dma_wait3A_444 = tpu.memref_slice %arg2[%dma_wait3A_443] : memref<8388608xf32, #tpu.memory_space<hbm>> -> memref<8192xf32, #tpu.memory_space<hbm>>
    %dma_wait3A_445 = arith.constant 0 : i32
    %dma_wait3A_446 = tpu.memref_slice %arg2[%dma_wait3A_445] : memref<8388608xf32, #tpu.memory_space<hbm>> -> memref<8192xf32, #tpu.memory_space<hbm>>
    tpu.wait_dma2 semaphore(%arg15 : memref<!tpu.dma_semaphore, #tpu.memory_space<semaphore_mem>>) src(%dma_wait3A_446 : memref<8192xf32, #tpu.memory_space<hbm>>) dst(%arg7 : memref<8192xf32, #tpu.memory_space<vmem>>)
    %mul3A_447 = arith.constant 1024 : i32
    %mul3A_448 = arith.muli %mul3A_2, %mul3A_447 : i32
    %add3A_449 = arith.constant 4235264 : i32
    %add3A_450 = arith.addi %add3A_449, %mul3A_448 : i32
    %dma_start3A_451 = tpu.memref_slice %arg2[%add3A_450] : memref<8388608xf32, #tpu.memory_space<hbm>> -> memref<8192xf32, #tpu.memory_space<hbm>>
    %dma_start3A_452 = tpu.memref_slice %arg2[%add3A_450] : memref<8388608xf32, #tpu.memory_space<hbm>> -> memref<8192xf32, #tpu.memory_space<hbm>>
    tpu.enqueue_dma source(%dma_start3A_452 : memref<8192xf32, #tpu.memory_space<hbm>>) target(%arg7 : memref<8192xf32, #tpu.memory_space<vmem>>) target_semaphore(%arg11 : memref<!tpu.dma_semaphore, #tpu.memory_space<semaphore_mem>>)
    %dma_wait3A_453 = arith.constant 0 : i32
    %dma_wait3A_454 = tpu.memref_slice %arg2[%dma_wait3A_453] : memref<8388608xf32, #tpu.memory_space<hbm>> -> memref<8192xf32, #tpu.memory_space<hbm>>
    %dma_wait3A_455 = arith.constant 0 : i32
    %dma_wait3A_456 = tpu.memref_slice %arg2[%dma_wait3A_455] : memref<8388608xf32, #tpu.memory_space<hbm>> -> memref<8192xf32, #tpu.memory_space<hbm>>
    tpu.wait_dma2 semaphore(%arg13 : memref<!tpu.dma_semaphore, #tpu.memory_space<semaphore_mem>>) src(%dma_wait3A_456 : memref<8192xf32, #tpu.memory_space<hbm>>) dst(%arg9 : memref<8192xf32, #tpu.memory_space<vmem>>)
    %parallel_loop3A_457 = arith.constant 0 : i32
    %parallel_loop3A_458 = arith.constant 8192 : i32
    %parallel_loop3A_459 = arith.constant 16 : i32
    scf.for %parallel_loop3A_738 = %parallel_loop3A_457 to %parallel_loop3A_458 step %parallel_loop3A_459  : i32 {
      %parallel_loop3A_739 = arith.constant 24576 : i32
      %parallel_loop3A_740 = arith.addi %parallel_loop3A_739, %parallel_loop3A_738 : i32
      %parallel_loop3A_741 = arith.index_cast %parallel_loop3A_740 : i32 to index
      %parallel_loop3A_742 = tpu.vector_load %arg5[%parallel_loop3A_741] {strides = array<i32>} : memref<65536xf32, #tpu.memory_space<vmem>>, vector<16xf32>,
      %parallel_loop3A_743 = vector.shape_cast %parallel_loop3A_742 : vector<16xf32> to vector<16xf32>
      %parallel_loop3A_744 = arith.index_cast %parallel_loop3A_738 : i32 to index
      %parallel_loop3A_745 = tpu.vector_load %arg9[%parallel_loop3A_744] {strides = array<i32>} : memref<8192xf32, #tpu.memory_space<vmem>>, vector<16xf32>,
      %parallel_loop3A_746 = vector.shape_cast %parallel_loop3A_745 : vector<16xf32> to vector<16xf32>
      %parallel_loop3A_747 = vector.shape_cast %parallel_loop3A_743 : vector<16xf32> to vector<16xf32>
      tpu.vector_store %arg9[%parallel_loop3A_744], %parallel_loop3A_747 {add = true, strides = array<i32>} : memref<8192xf32, #tpu.memory_space<vmem>>, vector<16xf32>,
    } {sc.loop_unroll_factor = 4 : i64, sc.parallel_access}
    %mul3A_460 = arith.constant 1024 : i32
    %mul3A_461 = arith.muli %mul3A_2, %mul3A_460 : i32
    %add3A_462 = arith.constant 4218880 : i32
    %add3A_463 = arith.addi %add3A_462, %mul3A_461 : i32
    %dma_start3A_464 = tpu.memref_slice %arg4[%add3A_463] : memref<8388608xf32, #tpu.memory_space<hbm>> -> memref<8192xf32, #tpu.memory_space<hbm>>
    %dma_start3A_465 = tpu.memref_slice %arg4[%add3A_463] : memref<8388608xf32, #tpu.memory_space<hbm>> -> memref<8192xf32, #tpu.memory_space<hbm>>
    tpu.enqueue_dma source(%arg9 : memref<8192xf32, #tpu.memory_space<vmem>>) target(%dma_start3A_465 : memref<8192xf32, #tpu.memory_space<hbm>>) target_semaphore(%arg17 : memref<!tpu.dma_semaphore, #tpu.memory_space<semaphore_mem>>)
    %dma_wait3A_466 = arith.constant 0 : i32
    %dma_wait3A_467 = tpu.memref_slice %arg2[%dma_wait3A_466] : memref<8388608xf32, #tpu.memory_space<hbm>> -> memref<8192xf32, #tpu.memory_space<hbm>>
    %dma_wait3A_468 = arith.constant 0 : i32
    %dma_wait3A_469 = tpu.memref_slice %arg2[%dma_wait3A_468] : memref<8388608xf32, #tpu.memory_space<hbm>> -> memref<8192xf32, #tpu.memory_space<hbm>>
    tpu.wait_dma2 semaphore(%arg16 : memref<!tpu.dma_semaphore, #tpu.memory_space<semaphore_mem>>) src(%dma_wait3A_469 : memref<8192xf32, #tpu.memory_space<hbm>>) dst(%arg8 : memref<8192xf32, #tpu.memory_space<vmem>>)
    %mul3A_470 = arith.constant 1024 : i32
    %mul3A_471 = arith.muli %mul3A_2, %mul3A_470 : i32
    %add3A_472 = arith.constant 4243456 : i32
    %add3A_473 = arith.addi %add3A_472, %mul3A_471 : i32
    %dma_start3A_474 = tpu.memref_slice %arg2[%add3A_473] : memref<8388608xf32, #tpu.memory_space<hbm>> -> memref<8192xf32, #tpu.memory_space<hbm>>
    %dma_start3A_475 = tpu.memref_slice %arg2[%add3A_473] : memref<8388608xf32, #tpu.memory_space<hbm>> -> memref<8192xf32, #tpu.memory_space<hbm>>
    tpu.enqueue_dma source(%dma_start3A_475 : memref<8192xf32, #tpu.memory_space<hbm>>) target(%arg8 : memref<8192xf32, #tpu.memory_space<vmem>>) target_semaphore(%arg12 : memref<!tpu.dma_semaphore, #tpu.memory_space<semaphore_mem>>)
    %dma_wait3A_476 = arith.constant 0 : i32
    %dma_wait3A_477 = tpu.memref_slice %arg2[%dma_wait3A_476] : memref<8388608xf32, #tpu.memory_space<hbm>> -> memref<8192xf32, #tpu.memory_space<hbm>>
    %dma_wait3A_478 = arith.constant 0 : i32
    %dma_wait3A_479 = tpu.memref_slice %arg2[%dma_wait3A_478] : memref<8388608xf32, #tpu.memory_space<hbm>> -> memref<8192xf32, #tpu.memory_space<hbm>>
    tpu.wait_dma2 semaphore(%arg10 : memref<!tpu.dma_semaphore, #tpu.memory_space<semaphore_mem>>) src(%dma_wait3A_479 : memref<8192xf32, #tpu.memory_space<hbm>>) dst(%arg6 : memref<8192xf32, #tpu.memory_space<vmem>>)
    %parallel_loop3A_480 = arith.constant 0 : i32
    %parallel_loop3A_481 = arith.constant 8192 : i32
    %parallel_loop3A_482 = arith.constant 16 : i32
    scf.for %parallel_loop3A_738 = %parallel_loop3A_480 to %parallel_loop3A_481 step %parallel_loop3A_482  : i32 {
      %parallel_loop3A_739 = arith.constant 32768 : i32
      %parallel_loop3A_740 = arith.addi %parallel_loop3A_739, %parallel_loop3A_738 : i32
      %parallel_loop3A_741 = arith.index_cast %parallel_loop3A_740 : i32 to index
      %parallel_loop3A_742 = tpu.vector_load %arg5[%parallel_loop3A_741] {strides = array<i32>} : memref<65536xf32, #tpu.memory_space<vmem>>, vector<16xf32>,
      %parallel_loop3A_743 = vector.shape_cast %parallel_loop3A_742 : vector<16xf32> to vector<16xf32>
      %parallel_loop3A_744 = arith.index_cast %parallel_loop3A_738 : i32 to index
      %parallel_loop3A_745 = tpu.vector_load %arg6[%parallel_loop3A_744] {strides = array<i32>} : memref<8192xf32, #tpu.memory_space<vmem>>, vector<16xf32>,
      %parallel_loop3A_746 = vector.shape_cast %parallel_loop3A_745 : vector<16xf32> to vector<16xf32>
      %parallel_loop3A_747 = vector.shape_cast %parallel_loop3A_743 : vector<16xf32> to vector<16xf32>
      tpu.vector_store %arg6[%parallel_loop3A_744], %parallel_loop3A_747 {add = true, strides = array<i32>} : memref<8192xf32, #tpu.memory_space<vmem>>, vector<16xf32>,
    } {sc.loop_unroll_factor = 4 : i64, sc.parallel_access}
    %mul3A_483 = arith.constant 1024 : i32
    %mul3A_484 = arith.muli %mul3A_2, %mul3A_483 : i32
    %add3A_485 = arith.constant 4227072 : i32
    %add3A_486 = arith.addi %add3A_485, %mul3A_484 : i32
    %dma_start3A_487 = tpu.memref_slice %arg4[%add3A_486] : memref<8388608xf32, #tpu.memory_space<hbm>> -> memref<8192xf32, #tpu.memory_space<hbm>>
    %dma_start3A_488 = tpu.memref_slice %arg4[%add3A_486] : memref<8388608xf32, #tpu.memory_space<hbm>> -> memref<8192xf32, #tpu.memory_space<hbm>>
    tpu.enqueue_dma source(%arg6 : memref<8192xf32, #tpu.memory_space<vmem>>) target(%dma_start3A_488 : memref<8192xf32, #tpu.memory_space<hbm>>) target_semaphore(%arg14 : memref<!tpu.dma_semaphore, #tpu.memory_space<semaphore_mem>>)
    %dma_wait3A_489 = arith.constant 0 : i32
    %dma_wait3A_490 = tpu.memref_slice %arg2[%dma_wait3A_489] : memref<8388608xf32, #tpu.memory_space<hbm>> -> memref<8192xf32, #tpu.memory_space<hbm>>
    %dma_wait3A_491 = arith.constant 0 : i32
    %dma_wait3A_492 = tpu.memref_slice %arg2[%dma_wait3A_491] : memref<8388608xf32, #tpu.memory_space<hbm>> -> memref<8192xf32, #tpu.memory_space<hbm>>
    tpu.wait_dma2 semaphore(%arg17 : memref<!tpu.dma_semaphore, #tpu.memory_space<semaphore_mem>>) src(%dma_wait3A_492 : memref<8192xf32, #tpu.memory_space<hbm>>) dst(%arg9 : memref<8192xf32, #tpu.memory_space<vmem>>)
    %mul3A_493 = arith.constant 1024 : i32
    %mul3A_494 = arith.muli %mul3A_2, %mul3A_493 : i32
    %add3A_495 = arith.constant 4251648 : i32
    %add3A_496 = arith.addi %add3A_495, %mul3A_494 : i32
    %dma_start3A_497 = tpu.memref_slice %arg2[%add3A_496] : memref<8388608xf32, #tpu.memory_space<hbm>> -> memref<8192xf32, #tpu.memory_space<hbm>>
    %dma_start3A_498 = tpu.memref_slice %arg2[%add3A_496] : memref<8388608xf32, #tpu.memory_space<hbm>> -> memref<8192xf32, #tpu.memory_space<hbm>>
    tpu.enqueue_dma source(%dma_start3A_498 : memref<8192xf32, #tpu.memory_space<hbm>>) target(%arg9 : memref<8192xf32, #tpu.memory_space<vmem>>) target_semaphore(%arg13 : memref<!tpu.dma_semaphore, #tpu.memory_space<semaphore_mem>>)
    %dma_wait3A_499 = arith.constant 0 : i32
    %dma_wait3A_500 = tpu.memref_slice %arg2[%dma_wait3A_499] : memref<8388608xf32, #tpu.memory_space<hbm>> -> memref<8192xf32, #tpu.memory_space<hbm>>
    %dma_wait3A_501 = arith.constant 0 : i32
    %dma_wait3A_502 = tpu.memref_slice %arg2[%dma_wait3A_501] : memref<8388608xf32, #tpu.memory_space<hbm>> -> memref<8192xf32, #tpu.memory_space<hbm>>
    tpu.wait_dma2 semaphore(%arg11 : memref<!tpu.dma_semaphore, #tpu.memory_space<semaphore_mem>>) src(%dma_wait3A_502 : memref<8192xf32, #tpu.memory_space<hbm>>) dst(%arg7 : memref<8192xf32, #tpu.memory_space<vmem>>)
    %parallel_loop3A_503 = arith.constant 0 : i32
    %parallel_loop3A_504 = arith.constant 8192 : i32
    %parallel_loop3A_505 = arith.constant 16 : i32
    scf.for %parallel_loop3A_738 = %parallel_loop3A_503 to %parallel_loop3A_504 step %parallel_loop3A_505  : i32 {
      %parallel_loop3A_739 = arith.constant 40960 : i32
      %parallel_loop3A_740 = arith.addi %parallel_loop3A_739, %parallel_loop3A_738 : i32
      %parallel_loop3A_741 = arith.index_cast %parallel_loop3A_740 : i32 to index
      %parallel_loop3A_742 = tpu.vector_load %arg5[%parallel_loop3A_741] {strides = array<i32>} : memref<65536xf32, #tpu.memory_space<vmem>>, vector<16xf32>,
      %parallel_loop3A_743 = vector.shape_cast %parallel_loop3A_742 : vector<16xf32> to vector<16xf32>
      %parallel_loop3A_744 = arith.index_cast %parallel_loop3A_738 : i32 to index
      %parallel_loop3A_745 = tpu.vector_load %arg7[%parallel_loop3A_744] {strides = array<i32>} : memref<8192xf32, #tpu.memory_space<vmem>>, vector<16xf32>,
      %parallel_loop3A_746 = vector.shape_cast %parallel_loop3A_745 : vector<16xf32> to vector<16xf32>
      %parallel_loop3A_747 = vector.shape_cast %parallel_loop3A_743 : vector<16xf32> to vector<16xf32>
      tpu.vector_store %arg7[%parallel_loop3A_744], %parallel_loop3A_747 {add = true, strides = array<i32>} : memref<8192xf32, #tpu.memory_space<vmem>>, vector<16xf32>,
    } {sc.loop_unroll_factor = 4 : i64, sc.parallel_access}
    %mul3A_506 = arith.constant 1024 : i32
    %mul3A_507 = arith.muli %mul3A_2, %mul3A_506 : i32
    %add3A_508 = arith.constant 4235264 : i32
    %add3A_509 = arith.addi %add3A_508, %mul3A_507 : i32
    %dma_start3A_510 = tpu.memref_slice %arg4[%add3A_509] : memref<8388608xf32, #tpu.memory_space<hbm>> -> memref<8192xf32, #tpu.memory_space<hbm>>
    %dma_start3A_511 = tpu.memref_slice %arg4[%add3A_509] : memref<8388608xf32, #tpu.memory_space<hbm>> -> memref<8192xf32, #tpu.memory_space<hbm>>
    tpu.enqueue_dma source(%arg7 : memref<8192xf32, #tpu.memory_space<vmem>>) target(%dma_start3A_511 : memref<8192xf32, #tpu.memory_space<hbm>>) target_semaphore(%arg15 : memref<!tpu.dma_semaphore, #tpu.memory_space<semaphore_mem>>)
    %dma_wait3A_512 = arith.constant 0 : i32
    %dma_wait3A_513 = tpu.memref_slice %arg2[%dma_wait3A_512] : memref<8388608xf32, #tpu.memory_space<hbm>> -> memref<8192xf32, #tpu.memory_space<hbm>>
    %dma_wait3A_514 = arith.constant 0 : i32
    %dma_wait3A_515 = tpu.memref_slice %arg2[%dma_wait3A_514] : memref<8388608xf32, #tpu.memory_space<hbm>> -> memref<8192xf32, #tpu.memory_space<hbm>>
    tpu.wait_dma2 semaphore(%arg14 : memref<!tpu.dma_semaphore, #tpu.memory_space<semaphore_mem>>) src(%dma_wait3A_515 : memref<8192xf32, #tpu.memory_space<hbm>>) dst(%arg6 : memref<8192xf32, #tpu.memory_space<vmem>>)
    %mul3A_516 = arith.constant 1024 : i32
    %mul3A_517 = arith.muli %mul3A_2, %mul3A_516 : i32
    %add3A_518 = arith.constant 6291456 : i32
    %add3A_519 = arith.addi %add3A_518, %mul3A_517 : i32
    %dma_start3A_520 = tpu.memref_slice %arg2[%add3A_519] : memref<8388608xf32, #tpu.memory_space<hbm>> -> memref<8192xf32, #tpu.memory_space<hbm>>
    %dma_start3A_521 = tpu.memref_slice %arg2[%add3A_519] : memref<8388608xf32, #tpu.memory_space<hbm>> -> memref<8192xf32, #tpu.memory_space<hbm>>
    tpu.enqueue_dma source(%dma_start3A_521 : memref<8192xf32, #tpu.memory_space<hbm>>) target(%arg6 : memref<8192xf32, #tpu.memory_space<vmem>>) target_semaphore(%arg10 : memref<!tpu.dma_semaphore, #tpu.memory_space<semaphore_mem>>)
    %dma_wait3A_522 = arith.constant 0 : i32
    %dma_wait3A_523 = tpu.memref_slice %arg2[%dma_wait3A_522] : memref<8388608xf32, #tpu.memory_space<hbm>> -> memref<8192xf32, #tpu.memory_space<hbm>>
    %dma_wait3A_524 = arith.constant 0 : i32
    %dma_wait3A_525 = tpu.memref_slice %arg2[%dma_wait3A_524] : memref<8388608xf32, #tpu.memory_space<hbm>> -> memref<8192xf32, #tpu.memory_space<hbm>>
    tpu.wait_dma2 semaphore(%arg12 : memref<!tpu.dma_semaphore, #tpu.memory_space<semaphore_mem>>) src(%dma_wait3A_525 : memref<8192xf32, #tpu.memory_space<hbm>>) dst(%arg8 : memref<8192xf32, #tpu.memory_space<vmem>>)
    %parallel_loop3A_526 = arith.constant 0 : i32
    %parallel_loop3A_527 = arith.constant 8192 : i32
    %parallel_loop3A_528 = arith.constant 16 : i32
    scf.for %parallel_loop3A_738 = %parallel_loop3A_526 to %parallel_loop3A_527 step %parallel_loop3A_528  : i32 {
      %parallel_loop3A_739 = arith.constant 49152 : i32
      %parallel_loop3A_740 = arith.addi %parallel_loop3A_739, %parallel_loop3A_738 : i32
      %parallel_loop3A_741 = arith.index_cast %parallel_loop3A_740 : i32 to index
      %parallel_loop3A_742 = tpu.vector_load %arg5[%parallel_loop3A_741] {strides = array<i32>} : memref<65536xf32, #tpu.memory_space<vmem>>, vector<16xf32>,
      %parallel_loop3A_743 = vector.shape_cast %parallel_loop3A_742 : vector<16xf32> to vector<16xf32>
      %parallel_loop3A_744 = arith.index_cast %parallel_loop3A_738 : i32 to index
      %parallel_loop3A_745 = tpu.vector_load %arg8[%parallel_loop3A_744] {strides = array<i32>} : memref<8192xf32, #tpu.memory_space<vmem>>, vector<16xf32>,
      %parallel_loop3A_746 = vector.shape_cast %parallel_loop3A_745 : vector<16xf32> to vector<16xf32>
      %parallel_loop3A_747 = vector.shape_cast %parallel_loop3A_743 : vector<16xf32> to vector<16xf32>
      tpu.vector_store %arg8[%parallel_loop3A_744], %parallel_loop3A_747 {add = true, strides = array<i32>} : memref<8192xf32, #tpu.memory_space<vmem>>, vector<16xf32>,
    } {sc.loop_unroll_factor = 4 : i64, sc.parallel_access}
    %mul3A_529 = arith.constant 1024 : i32
    %mul3A_530 = arith.muli %mul3A_2, %mul3A_529 : i32
    %add3A_531 = arith.constant 4243456 : i32
    %add3A_532 = arith.addi %add3A_531, %mul3A_530 : i32
    %dma_start3A_533 = tpu.memref_slice %arg4[%add3A_532] : memref<8388608xf32, #tpu.memory_space<hbm>> -> memref<8192xf32, #tpu.memory_space<hbm>>
    %dma_start3A_534 = tpu.memref_slice %arg4[%add3A_532] : memref<8388608xf32, #tpu.memory_space<hbm>> -> memref<8192xf32, #tpu.memory_space<hbm>>
    tpu.enqueue_dma source(%arg8 : memref<8192xf32, #tpu.memory_space<vmem>>) target(%dma_start3A_534 : memref<8192xf32, #tpu.memory_space<hbm>>) target_semaphore(%arg16 : memref<!tpu.dma_semaphore, #tpu.memory_space<semaphore_mem>>)
    %dma_wait3A_535 = arith.constant 0 : i32
    %dma_wait3A_536 = tpu.memref_slice %arg2[%dma_wait3A_535] : memref<8388608xf32, #tpu.memory_space<hbm>> -> memref<8192xf32, #tpu.memory_space<hbm>>
    %dma_wait3A_537 = arith.constant 0 : i32
    %dma_wait3A_538 = tpu.memref_slice %arg2[%dma_wait3A_537] : memref<8388608xf32, #tpu.memory_space<hbm>> -> memref<8192xf32, #tpu.memory_space<hbm>>
    tpu.wait_dma2 semaphore(%arg15 : memref<!tpu.dma_semaphore, #tpu.memory_space<semaphore_mem>>) src(%dma_wait3A_538 : memref<8192xf32, #tpu.memory_space<hbm>>) dst(%arg7 : memref<8192xf32, #tpu.memory_space<vmem>>)
    %mul3A_539 = arith.constant 1024 : i32
    %mul3A_540 = arith.muli %mul3A_2, %mul3A_539 : i32
    %add3A_541 = arith.constant 6299648 : i32
    %add3A_542 = arith.addi %add3A_541, %mul3A_540 : i32
    %dma_start3A_543 = tpu.memref_slice %arg2[%add3A_542] : memref<8388608xf32, #tpu.memory_space<hbm>> -> memref<8192xf32, #tpu.memory_space<hbm>>
    %dma_start3A_544 = tpu.memref_slice %arg2[%add3A_542] : memref<8388608xf32, #tpu.memory_space<hbm>> -> memref<8192xf32, #tpu.memory_space<hbm>>
    tpu.enqueue_dma source(%dma_start3A_544 : memref<8192xf32, #tpu.memory_space<hbm>>) target(%arg7 : memref<8192xf32, #tpu.memory_space<vmem>>) target_semaphore(%arg11 : memref<!tpu.dma_semaphore, #tpu.memory_space<semaphore_mem>>)
    %dma_wait3A_545 = arith.constant 0 : i32
    %dma_wait3A_546 = tpu.memref_slice %arg2[%dma_wait3A_545] : memref<8388608xf32, #tpu.memory_space<hbm>> -> memref<8192xf32, #tpu.memory_space<hbm>>
    %dma_wait3A_547 = arith.constant 0 : i32
    %dma_wait3A_548 = tpu.memref_slice %arg2[%dma_wait3A_547] : memref<8388608xf32, #tpu.memory_space<hbm>> -> memref<8192xf32, #tpu.memory_space<hbm>>
    tpu.wait_dma2 semaphore(%arg13 : memref<!tpu.dma_semaphore, #tpu.memory_space<semaphore_mem>>) src(%dma_wait3A_548 : memref<8192xf32, #tpu.memory_space<hbm>>) dst(%arg9 : memref<8192xf32, #tpu.memory_space<vmem>>)
    %parallel_loop3A_549 = arith.constant 0 : i32
    %parallel_loop3A_550 = arith.constant 8192 : i32
    %parallel_loop3A_551 = arith.constant 16 : i32
    scf.for %parallel_loop3A_738 = %parallel_loop3A_549 to %parallel_loop3A_550 step %parallel_loop3A_551  : i32 {
      %parallel_loop3A_739 = arith.constant 57344 : i32
      %parallel_loop3A_740 = arith.addi %parallel_loop3A_739, %parallel_loop3A_738 : i32
      %parallel_loop3A_741 = arith.index_cast %parallel_loop3A_740 : i32 to index
      %parallel_loop3A_742 = tpu.vector_load %arg5[%parallel_loop3A_741] {strides = array<i32>} : memref<65536xf32, #tpu.memory_space<vmem>>, vector<16xf32>,
      %parallel_loop3A_743 = vector.shape_cast %parallel_loop3A_742 : vector<16xf32> to vector<16xf32>
      %parallel_loop3A_744 = arith.index_cast %parallel_loop3A_738 : i32 to index
      %parallel_loop3A_745 = tpu.vector_load %arg9[%parallel_loop3A_744] {strides = array<i32>} : memref<8192xf32, #tpu.memory_space<vmem>>, vector<16xf32>,
      %parallel_loop3A_746 = vector.shape_cast %parallel_loop3A_745 : vector<16xf32> to vector<16xf32>
      %parallel_loop3A_747 = vector.shape_cast %parallel_loop3A_743 : vector<16xf32> to vector<16xf32>
      tpu.vector_store %arg9[%parallel_loop3A_744], %parallel_loop3A_747 {add = true, strides = array<i32>} : memref<8192xf32, #tpu.memory_space<vmem>>, vector<16xf32>,
    } {sc.loop_unroll_factor = 4 : i64, sc.parallel_access}
    %mul3A_552 = arith.constant 1024 : i32
    %mul3A_553 = arith.muli %mul3A_2, %mul3A_552 : i32
    %add3A_554 = arith.constant 4251648 : i32
    %add3A_555 = arith.addi %add3A_554, %mul3A_553 : i32
    %dma_start3A_556 = tpu.memref_slice %arg4[%add3A_555] : memref<8388608xf32, #tpu.memory_space<hbm>> -> memref<8192xf32, #tpu.memory_space<hbm>>
    %dma_start3A_557 = tpu.memref_slice %arg4[%add3A_555] : memref<8388608xf32, #tpu.memory_space<hbm>> -> memref<8192xf32, #tpu.memory_space<hbm>>
    tpu.enqueue_dma source(%arg9 : memref<8192xf32, #tpu.memory_space<vmem>>) target(%dma_start3A_557 : memref<8192xf32, #tpu.memory_space<hbm>>) target_semaphore(%arg17 : memref<!tpu.dma_semaphore, #tpu.memory_space<semaphore_mem>>)
    %dma_wait3A_558 = arith.constant 0 : i32
    %dma_wait3A_559 = tpu.memref_slice %arg2[%dma_wait3A_558] : memref<8388608xf32, #tpu.memory_space<hbm>> -> memref<8192xf32, #tpu.memory_space<hbm>>
    %dma_wait3A_560 = arith.constant 0 : i32
    %dma_wait3A_561 = tpu.memref_slice %arg2[%dma_wait3A_560] : memref<8388608xf32, #tpu.memory_space<hbm>> -> memref<8192xf32, #tpu.memory_space<hbm>>
    tpu.wait_dma2 semaphore(%arg16 : memref<!tpu.dma_semaphore, #tpu.memory_space<semaphore_mem>>) src(%dma_wait3A_561 : memref<8192xf32, #tpu.memory_space<hbm>>) dst(%arg8 : memref<8192xf32, #tpu.memory_space<vmem>>)
    %mul3A_562 = arith.constant 1024 : i32
    %mul3A_563 = arith.muli %mul3A_2, %mul3A_562 : i32
    %add3A_564 = arith.constant 6307840 : i32
    %add3A_565 = arith.addi %add3A_564, %mul3A_563 : i32
    %dma_start3A_566 = tpu.memref_slice %arg2[%add3A_565] : memref<8388608xf32, #tpu.memory_space<hbm>> -> memref<8192xf32, #tpu.memory_space<hbm>>
    %dma_start3A_567 = tpu.memref_slice %arg2[%add3A_565] : memref<8388608xf32, #tpu.memory_space<hbm>> -> memref<8192xf32, #tpu.memory_space<hbm>>
    tpu.enqueue_dma source(%dma_start3A_567 : memref<8192xf32, #tpu.memory_space<hbm>>) target(%arg8 : memref<8192xf32, #tpu.memory_space<vmem>>) target_semaphore(%arg12 : memref<!tpu.dma_semaphore, #tpu.memory_space<semaphore_mem>>)
    %dma_wait3A_568 = arith.constant 0 : i32
    %dma_wait3A_569 = tpu.memref_slice %arg2[%dma_wait3A_568] : memref<8388608xf32, #tpu.memory_space<hbm>> -> memref<8192xf32, #tpu.memory_space<hbm>>
    %dma_wait3A_570 = arith.constant 0 : i32
    %dma_wait3A_571 = tpu.memref_slice %arg2[%dma_wait3A_570] : memref<8388608xf32, #tpu.memory_space<hbm>> -> memref<8192xf32, #tpu.memory_space<hbm>>
    tpu.wait_dma2 semaphore(%arg10 : memref<!tpu.dma_semaphore, #tpu.memory_space<semaphore_mem>>) src(%dma_wait3A_571 : memref<8192xf32, #tpu.memory_space<hbm>>) dst(%arg6 : memref<8192xf32, #tpu.memory_space<vmem>>)
    %parallel_loop3A_572 = arith.constant 0 : i32
    %parallel_loop3A_573 = arith.constant 8192 : i32
    %parallel_loop3A_574 = arith.constant 16 : i32
    scf.for %parallel_loop3A_738 = %parallel_loop3A_572 to %parallel_loop3A_573 step %parallel_loop3A_574  : i32 {
      %parallel_loop3A_739 = arith.constant 0 : i32
      %parallel_loop3A_740 = arith.addi %parallel_loop3A_739, %parallel_loop3A_738 : i32
      %parallel_loop3A_741 = arith.index_cast %parallel_loop3A_740 : i32 to index
      %parallel_loop3A_742 = tpu.vector_load %arg5[%parallel_loop3A_741] {strides = array<i32>} : memref<65536xf32, #tpu.memory_space<vmem>>, vector<16xf32>,
      %parallel_loop3A_743 = vector.shape_cast %parallel_loop3A_742 : vector<16xf32> to vector<16xf32>
      %parallel_loop3A_744 = arith.index_cast %parallel_loop3A_738 : i32 to index
      %parallel_loop3A_745 = tpu.vector_load %arg6[%parallel_loop3A_744] {strides = array<i32>} : memref<8192xf32, #tpu.memory_space<vmem>>, vector<16xf32>,
      %parallel_loop3A_746 = vector.shape_cast %parallel_loop3A_745 : vector<16xf32> to vector<16xf32>
      %parallel_loop3A_747 = vector.shape_cast %parallel_loop3A_743 : vector<16xf32> to vector<16xf32>
      tpu.vector_store %arg6[%parallel_loop3A_744], %parallel_loop3A_747 {add = true, strides = array<i32>} : memref<8192xf32, #tpu.memory_space<vmem>>, vector<16xf32>,
    } {sc.loop_unroll_factor = 4 : i64, sc.parallel_access}
    %mul3A_575 = arith.constant 1024 : i32
    %mul3A_576 = arith.muli %mul3A_2, %mul3A_575 : i32
    %add3A_577 = arith.constant 6291456 : i32
    %add3A_578 = arith.addi %add3A_577, %mul3A_576 : i32
    %dma_start3A_579 = tpu.memref_slice %arg4[%add3A_578] : memref<8388608xf32, #tpu.memory_space<hbm>> -> memref<8192xf32, #tpu.memory_space<hbm>>
    %dma_start3A_580 = tpu.memref_slice %arg4[%add3A_578] : memref<8388608xf32, #tpu.memory_space<hbm>> -> memref<8192xf32, #tpu.memory_space<hbm>>
    tpu.enqueue_dma source(%arg6 : memref<8192xf32, #tpu.memory_space<vmem>>) target(%dma_start3A_580 : memref<8192xf32, #tpu.memory_space<hbm>>) target_semaphore(%arg14 : memref<!tpu.dma_semaphore, #tpu.memory_space<semaphore_mem>>)
    %dma_wait3A_581 = arith.constant 0 : i32
    %dma_wait3A_582 = tpu.memref_slice %arg2[%dma_wait3A_581] : memref<8388608xf32, #tpu.memory_space<hbm>> -> memref<8192xf32, #tpu.memory_space<hbm>>
    %dma_wait3A_583 = arith.constant 0 : i32
    %dma_wait3A_584 = tpu.memref_slice %arg2[%dma_wait3A_583] : memref<8388608xf32, #tpu.memory_space<hbm>> -> memref<8192xf32, #tpu.memory_space<hbm>>
    tpu.wait_dma2 semaphore(%arg17 : memref<!tpu.dma_semaphore, #tpu.memory_space<semaphore_mem>>) src(%dma_wait3A_584 : memref<8192xf32, #tpu.memory_space<hbm>>) dst(%arg9 : memref<8192xf32, #tpu.memory_space<vmem>>)
    %mul3A_585 = arith.constant 1024 : i32
    %mul3A_586 = arith.muli %mul3A_2, %mul3A_585 : i32
    %add3A_587 = arith.constant 6316032 : i32
    %add3A_588 = arith.addi %add3A_587, %mul3A_586 : i32
    %dma_start3A_589 = tpu.memref_slice %arg2[%add3A_588] : memref<8388608xf32, #tpu.memory_space<hbm>> -> memref<8192xf32, #tpu.memory_space<hbm>>
    %dma_start3A_590 = tpu.memref_slice %arg2[%add3A_588] : memref<8388608xf32, #tpu.memory_space<hbm>> -> memref<8192xf32, #tpu.memory_space<hbm>>
    tpu.enqueue_dma source(%dma_start3A_590 : memref<8192xf32, #tpu.memory_space<hbm>>) target(%arg9 : memref<8192xf32, #tpu.memory_space<vmem>>) target_semaphore(%arg13 : memref<!tpu.dma_semaphore, #tpu.memory_space<semaphore_mem>>)
    %dma_wait3A_591 = arith.constant 0 : i32
    %dma_wait3A_592 = tpu.memref_slice %arg2[%dma_wait3A_591] : memref<8388608xf32, #tpu.memory_space<hbm>> -> memref<8192xf32, #tpu.memory_space<hbm>>
    %dma_wait3A_593 = arith.constant 0 : i32
    %dma_wait3A_594 = tpu.memref_slice %arg2[%dma_wait3A_593] : memref<8388608xf32, #tpu.memory_space<hbm>> -> memref<8192xf32, #tpu.memory_space<hbm>>
    tpu.wait_dma2 semaphore(%arg11 : memref<!tpu.dma_semaphore, #tpu.memory_space<semaphore_mem>>) src(%dma_wait3A_594 : memref<8192xf32, #tpu.memory_space<hbm>>) dst(%arg7 : memref<8192xf32, #tpu.memory_space<vmem>>)
    %parallel_loop3A_595 = arith.constant 0 : i32
    %parallel_loop3A_596 = arith.constant 8192 : i32
    %parallel_loop3A_597 = arith.constant 16 : i32
    scf.for %parallel_loop3A_738 = %parallel_loop3A_595 to %parallel_loop3A_596 step %parallel_loop3A_597  : i32 {
      %parallel_loop3A_739 = arith.constant 8192 : i32
      %parallel_loop3A_740 = arith.addi %parallel_loop3A_739, %parallel_loop3A_738 : i32
      %parallel_loop3A_741 = arith.index_cast %parallel_loop3A_740 : i32 to index
      %parallel_loop3A_742 = tpu.vector_load %arg5[%parallel_loop3A_741] {strides = array<i32>} : memref<65536xf32, #tpu.memory_space<vmem>>, vector<16xf32>,
      %parallel_loop3A_743 = vector.shape_cast %parallel_loop3A_742 : vector<16xf32> to vector<16xf32>
      %parallel_loop3A_744 = arith.index_cast %parallel_loop3A_738 : i32 to index
      %parallel_loop3A_745 = tpu.vector_load %arg7[%parallel_loop3A_744] {strides = array<i32>} : memref<8192xf32, #tpu.memory_space<vmem>>, vector<16xf32>,
      %parallel_loop3A_746 = vector.shape_cast %parallel_loop3A_745 : vector<16xf32> to vector<16xf32>
      %parallel_loop3A_747 = vector.shape_cast %parallel_loop3A_743 : vector<16xf32> to vector<16xf32>
      tpu.vector_store %arg7[%parallel_loop3A_744], %parallel_loop3A_747 {add = true, strides = array<i32>} : memref<8192xf32, #tpu.memory_space<vmem>>, vector<16xf32>,
    } {sc.loop_unroll_factor = 4 : i64, sc.parallel_access}
    %mul3A_598 = arith.constant 1024 : i32
    %mul3A_599 = arith.muli %mul3A_2, %mul3A_598 : i32
    %add3A_600 = arith.constant 6299648 : i32
    %add3A_601 = arith.addi %add3A_600, %mul3A_599 : i32
    %dma_start3A_602 = tpu.memref_slice %arg4[%add3A_601] : memref<8388608xf32, #tpu.memory_space<hbm>> -> memref<8192xf32, #tpu.memory_space<hbm>>
    %dma_start3A_603 = tpu.memref_slice %arg4[%add3A_601] : memref<8388608xf32, #tpu.memory_space<hbm>> -> memref<8192xf32, #tpu.memory_space<hbm>>
    tpu.enqueue_dma source(%arg7 : memref<8192xf32, #tpu.memory_space<vmem>>) target(%dma_start3A_603 : memref<8192xf32, #tpu.memory_space<hbm>>) target_semaphore(%arg15 : memref<!tpu.dma_semaphore, #tpu.memory_space<semaphore_mem>>)
    %dma_wait3A_604 = arith.constant 0 : i32
    %dma_wait3A_605 = tpu.memref_slice %arg2[%dma_wait3A_604] : memref<8388608xf32, #tpu.memory_space<hbm>> -> memref<8192xf32, #tpu.memory_space<hbm>>
    %dma_wait3A_606 = arith.constant 0 : i32
    %dma_wait3A_607 = tpu.memref_slice %arg2[%dma_wait3A_606] : memref<8388608xf32, #tpu.memory_space<hbm>> -> memref<8192xf32, #tpu.memory_space<hbm>>
    tpu.wait_dma2 semaphore(%arg14 : memref<!tpu.dma_semaphore, #tpu.memory_space<semaphore_mem>>) src(%dma_wait3A_607 : memref<8192xf32, #tpu.memory_space<hbm>>) dst(%arg6 : memref<8192xf32, #tpu.memory_space<vmem>>)
    %mul3A_608 = arith.constant 1024 : i32
    %mul3A_609 = arith.muli %mul3A_2, %mul3A_608 : i32
    %add3A_610 = arith.constant 6324224 : i32
    %add3A_611 = arith.addi %add3A_610, %mul3A_609 : i32
    %dma_start3A_612 = tpu.memref_slice %arg2[%add3A_611] : memref<8388608xf32, #tpu.memory_space<hbm>> -> memref<8192xf32, #tpu.memory_space<hbm>>
    %dma_start3A_613 = tpu.memref_slice %arg2[%add3A_611] : memref<8388608xf32, #tpu.memory_space<hbm>> -> memref<8192xf32, #tpu.memory_space<hbm>>
    tpu.enqueue_dma source(%dma_start3A_613 : memref<8192xf32, #tpu.memory_space<hbm>>) target(%arg6 : memref<8192xf32, #tpu.memory_space<vmem>>) target_semaphore(%arg10 : memref<!tpu.dma_semaphore, #tpu.memory_space<semaphore_mem>>)
    %dma_wait3A_614 = arith.constant 0 : i32
    %dma_wait3A_615 = tpu.memref_slice %arg2[%dma_wait3A_614] : memref<8388608xf32, #tpu.memory_space<hbm>> -> memref<8192xf32, #tpu.memory_space<hbm>>
    %dma_wait3A_616 = arith.constant 0 : i32
    %dma_wait3A_617 = tpu.memref_slice %arg2[%dma_wait3A_616] : memref<8388608xf32, #tpu.memory_space<hbm>> -> memref<8192xf32, #tpu.memory_space<hbm>>
    tpu.wait_dma2 semaphore(%arg12 : memref<!tpu.dma_semaphore, #tpu.memory_space<semaphore_mem>>) src(%dma_wait3A_617 : memref<8192xf32, #tpu.memory_space<hbm>>) dst(%arg8 : memref<8192xf32, #tpu.memory_space<vmem>>)
    %parallel_loop3A_618 = arith.constant 0 : i32
    %parallel_loop3A_619 = arith.constant 8192 : i32
    %parallel_loop3A_620 = arith.constant 16 : i32
    scf.for %parallel_loop3A_738 = %parallel_loop3A_618 to %parallel_loop3A_619 step %parallel_loop3A_620  : i32 {
      %parallel_loop3A_739 = arith.constant 16384 : i32
      %parallel_loop3A_740 = arith.addi %parallel_loop3A_739, %parallel_loop3A_738 : i32
      %parallel_loop3A_741 = arith.index_cast %parallel_loop3A_740 : i32 to index
      %parallel_loop3A_742 = tpu.vector_load %arg5[%parallel_loop3A_741] {strides = array<i32>} : memref<65536xf32, #tpu.memory_space<vmem>>, vector<16xf32>,
      %parallel_loop3A_743 = vector.shape_cast %parallel_loop3A_742 : vector<16xf32> to vector<16xf32>
      %parallel_loop3A_744 = arith.index_cast %parallel_loop3A_738 : i32 to index
      %parallel_loop3A_745 = tpu.vector_load %arg8[%parallel_loop3A_744] {strides = array<i32>} : memref<8192xf32, #tpu.memory_space<vmem>>, vector<16xf32>,
      %parallel_loop3A_746 = vector.shape_cast %parallel_loop3A_745 : vector<16xf32> to vector<16xf32>
      %parallel_loop3A_747 = vector.shape_cast %parallel_loop3A_743 : vector<16xf32> to vector<16xf32>
      tpu.vector_store %arg8[%parallel_loop3A_744], %parallel_loop3A_747 {add = true, strides = array<i32>} : memref<8192xf32, #tpu.memory_space<vmem>>, vector<16xf32>,
    } {sc.loop_unroll_factor = 4 : i64, sc.parallel_access}
    %mul3A_621 = arith.constant 1024 : i32
    %mul3A_622 = arith.muli %mul3A_2, %mul3A_621 : i32
    %add3A_623 = arith.constant 6307840 : i32
    %add3A_624 = arith.addi %add3A_623, %mul3A_622 : i32
    %dma_start3A_625 = tpu.memref_slice %arg4[%add3A_624] : memref<8388608xf32, #tpu.memory_space<hbm>> -> memref<8192xf32, #tpu.memory_space<hbm>>
    %dma_start3A_626 = tpu.memref_slice %arg4[%add3A_624] : memref<8388608xf32, #tpu.memory_space<hbm>> -> memref<8192xf32, #tpu.memory_space<hbm>>
    tpu.enqueue_dma source(%arg8 : memref<8192xf32, #tpu.memory_space<vmem>>) target(%dma_start3A_626 : memref<8192xf32, #tpu.memory_space<hbm>>) target_semaphore(%arg16 : memref<!tpu.dma_semaphore, #tpu.memory_space<semaphore_mem>>)
    %dma_wait3A_627 = arith.constant 0 : i32
    %dma_wait3A_628 = tpu.memref_slice %arg2[%dma_wait3A_627] : memref<8388608xf32, #tpu.memory_space<hbm>> -> memref<8192xf32, #tpu.memory_space<hbm>>
    %dma_wait3A_629 = arith.constant 0 : i32
    %dma_wait3A_630 = tpu.memref_slice %arg2[%dma_wait3A_629] : memref<8388608xf32, #tpu.memory_space<hbm>> -> memref<8192xf32, #tpu.memory_space<hbm>>
    tpu.wait_dma2 semaphore(%arg15 : memref<!tpu.dma_semaphore, #tpu.memory_space<semaphore_mem>>) src(%dma_wait3A_630 : memref<8192xf32, #tpu.memory_space<hbm>>) dst(%arg7 : memref<8192xf32, #tpu.memory_space<vmem>>)
    %mul3A_631 = arith.constant 1024 : i32
    %mul3A_632 = arith.muli %mul3A_2, %mul3A_631 : i32
    %add3A_633 = arith.constant 6332416 : i32
    %add3A_634 = arith.addi %add3A_633, %mul3A_632 : i32
    %dma_start3A_635 = tpu.memref_slice %arg2[%add3A_634] : memref<8388608xf32, #tpu.memory_space<hbm>> -> memref<8192xf32, #tpu.memory_space<hbm>>
    %dma_start3A_636 = tpu.memref_slice %arg2[%add3A_634] : memref<8388608xf32, #tpu.memory_space<hbm>> -> memref<8192xf32, #tpu.memory_space<hbm>>
    tpu.enqueue_dma source(%dma_start3A_636 : memref<8192xf32, #tpu.memory_space<hbm>>) target(%arg7 : memref<8192xf32, #tpu.memory_space<vmem>>) target_semaphore(%arg11 : memref<!tpu.dma_semaphore, #tpu.memory_space<semaphore_mem>>)
    %dma_wait3A_637 = arith.constant 0 : i32
    %dma_wait3A_638 = tpu.memref_slice %arg2[%dma_wait3A_637] : memref<8388608xf32, #tpu.memory_space<hbm>> -> memref<8192xf32, #tpu.memory_space<hbm>>
    %dma_wait3A_639 = arith.constant 0 : i32
    %dma_wait3A_640 = tpu.memref_slice %arg2[%dma_wait3A_639] : memref<8388608xf32, #tpu.memory_space<hbm>> -> memref<8192xf32, #tpu.memory_space<hbm>>
    tpu.wait_dma2 semaphore(%arg13 : memref<!tpu.dma_semaphore, #tpu.memory_space<semaphore_mem>>) src(%dma_wait3A_640 : memref<8192xf32, #tpu.memory_space<hbm>>) dst(%arg9 : memref<8192xf32, #tpu.memory_space<vmem>>)
    %parallel_loop3A_641 = arith.constant 0 : i32
    %parallel_loop3A_642 = arith.constant 8192 : i32
    %parallel_loop3A_643 = arith.constant 16 : i32
    scf.for %parallel_loop3A_738 = %parallel_loop3A_641 to %parallel_loop3A_642 step %parallel_loop3A_643  : i32 {
      %parallel_loop3A_739 = arith.constant 24576 : i32
      %parallel_loop3A_740 = arith.addi %parallel_loop3A_739, %parallel_loop3A_738 : i32
      %parallel_loop3A_741 = arith.index_cast %parallel_loop3A_740 : i32 to index
      %parallel_loop3A_742 = tpu.vector_load %arg5[%parallel_loop3A_741] {strides = array<i32>} : memref<65536xf32, #tpu.memory_space<vmem>>, vector<16xf32>,
      %parallel_loop3A_743 = vector.shape_cast %parallel_loop3A_742 : vector<16xf32> to vector<16xf32>
      %parallel_loop3A_744 = arith.index_cast %parallel_loop3A_738 : i32 to index
      %parallel_loop3A_745 = tpu.vector_load %arg9[%parallel_loop3A_744] {strides = array<i32>} : memref<8192xf32, #tpu.memory_space<vmem>>, vector<16xf32>,
      %parallel_loop3A_746 = vector.shape_cast %parallel_loop3A_745 : vector<16xf32> to vector<16xf32>
      %parallel_loop3A_747 = vector.shape_cast %parallel_loop3A_743 : vector<16xf32> to vector<16xf32>
      tpu.vector_store %arg9[%parallel_loop3A_744], %parallel_loop3A_747 {add = true, strides = array<i32>} : memref<8192xf32, #tpu.memory_space<vmem>>, vector<16xf32>,
    } {sc.loop_unroll_factor = 4 : i64, sc.parallel_access}
    %mul3A_644 = arith.constant 1024 : i32
    %mul3A_645 = arith.muli %mul3A_2, %mul3A_644 : i32
    %add3A_646 = arith.constant 6316032 : i32
    %add3A_647 = arith.addi %add3A_646, %mul3A_645 : i32
    %dma_start3A_648 = tpu.memref_slice %arg4[%add3A_647] : memref<8388608xf32, #tpu.memory_space<hbm>> -> memref<8192xf32, #tpu.memory_space<hbm>>
    %dma_start3A_649 = tpu.memref_slice %arg4[%add3A_647] : memref<8388608xf32, #tpu.memory_space<hbm>> -> memref<8192xf32, #tpu.memory_space<hbm>>
    tpu.enqueue_dma source(%arg9 : memref<8192xf32, #tpu.memory_space<vmem>>) target(%dma_start3A_649 : memref<8192xf32, #tpu.memory_space<hbm>>) target_semaphore(%arg17 : memref<!tpu.dma_semaphore, #tpu.memory_space<semaphore_mem>>)
    %dma_wait3A_650 = arith.constant 0 : i32
    %dma_wait3A_651 = tpu.memref_slice %arg2[%dma_wait3A_650] : memref<8388608xf32, #tpu.memory_space<hbm>> -> memref<8192xf32, #tpu.memory_space<hbm>>
    %dma_wait3A_652 = arith.constant 0 : i32
    %dma_wait3A_653 = tpu.memref_slice %arg2[%dma_wait3A_652] : memref<8388608xf32, #tpu.memory_space<hbm>> -> memref<8192xf32, #tpu.memory_space<hbm>>
    tpu.wait_dma2 semaphore(%arg16 : memref<!tpu.dma_semaphore, #tpu.memory_space<semaphore_mem>>) src(%dma_wait3A_653 : memref<8192xf32, #tpu.memory_space<hbm>>) dst(%arg8 : memref<8192xf32, #tpu.memory_space<vmem>>)
    %mul3A_654 = arith.constant 1024 : i32
    %mul3A_655 = arith.muli %mul3A_2, %mul3A_654 : i32
    %add3A_656 = arith.constant 6340608 : i32
    %add3A_657 = arith.addi %add3A_656, %mul3A_655 : i32
    %dma_start3A_658 = tpu.memref_slice %arg2[%add3A_657] : memref<8388608xf32, #tpu.memory_space<hbm>> -> memref<8192xf32, #tpu.memory_space<hbm>>
    %dma_start3A_659 = tpu.memref_slice %arg2[%add3A_657] : memref<8388608xf32, #tpu.memory_space<hbm>> -> memref<8192xf32, #tpu.memory_space<hbm>>
    tpu.enqueue_dma source(%dma_start3A_659 : memref<8192xf32, #tpu.memory_space<hbm>>) target(%arg8 : memref<8192xf32, #tpu.memory_space<vmem>>) target_semaphore(%arg12 : memref<!tpu.dma_semaphore, #tpu.memory_space<semaphore_mem>>)
    %dma_wait3A_660 = arith.constant 0 : i32
    %dma_wait3A_661 = tpu.memref_slice %arg2[%dma_wait3A_660] : memref<8388608xf32, #tpu.memory_space<hbm>> -> memref<8192xf32, #tpu.memory_space<hbm>>
    %dma_wait3A_662 = arith.constant 0 : i32
    %dma_wait3A_663 = tpu.memref_slice %arg2[%dma_wait3A_662] : memref<8388608xf32, #tpu.memory_space<hbm>> -> memref<8192xf32, #tpu.memory_space<hbm>>
    tpu.wait_dma2 semaphore(%arg10 : memref<!tpu.dma_semaphore, #tpu.memory_space<semaphore_mem>>) src(%dma_wait3A_663 : memref<8192xf32, #tpu.memory_space<hbm>>) dst(%arg6 : memref<8192xf32, #tpu.memory_space<vmem>>)
    %parallel_loop3A_664 = arith.constant 0 : i32
    %parallel_loop3A_665 = arith.constant 8192 : i32
    %parallel_loop3A_666 = arith.constant 16 : i32
    scf.for %parallel_loop3A_738 = %parallel_loop3A_664 to %parallel_loop3A_665 step %parallel_loop3A_666  : i32 {
      %parallel_loop3A_739 = arith.constant 32768 : i32
      %parallel_loop3A_740 = arith.addi %parallel_loop3A_739, %parallel_loop3A_738 : i32
      %parallel_loop3A_741 = arith.index_cast %parallel_loop3A_740 : i32 to index
      %parallel_loop3A_742 = tpu.vector_load %arg5[%parallel_loop3A_741] {strides = array<i32>} : memref<65536xf32, #tpu.memory_space<vmem>>, vector<16xf32>,
      %parallel_loop3A_743 = vector.shape_cast %parallel_loop3A_742 : vector<16xf32> to vector<16xf32>
      %parallel_loop3A_744 = arith.index_cast %parallel_loop3A_738 : i32 to index
      %parallel_loop3A_745 = tpu.vector_load %arg6[%parallel_loop3A_744] {strides = array<i32>} : memref<8192xf32, #tpu.memory_space<vmem>>, vector<16xf32>,
      %parallel_loop3A_746 = vector.shape_cast %parallel_loop3A_745 : vector<16xf32> to vector<16xf32>
      %parallel_loop3A_747 = vector.shape_cast %parallel_loop3A_743 : vector<16xf32> to vector<16xf32>
      tpu.vector_store %arg6[%parallel_loop3A_744], %parallel_loop3A_747 {add = true, strides = array<i32>} : memref<8192xf32, #tpu.memory_space<vmem>>, vector<16xf32>,
    } {sc.loop_unroll_factor = 4 : i64, sc.parallel_access}
    %mul3A_667 = arith.constant 1024 : i32
    %mul3A_668 = arith.muli %mul3A_2, %mul3A_667 : i32
    %add3A_669 = arith.constant 6324224 : i32
    %add3A_670 = arith.addi %add3A_669, %mul3A_668 : i32
    %dma_start3A_671 = tpu.memref_slice %arg4[%add3A_670] : memref<8388608xf32, #tpu.memory_space<hbm>> -> memref<8192xf32, #tpu.memory_space<hbm>>
    %dma_start3A_672 = tpu.memref_slice %arg4[%add3A_670] : memref<8388608xf32, #tpu.memory_space<hbm>> -> memref<8192xf32, #tpu.memory_space<hbm>>
    tpu.enqueue_dma source(%arg6 : memref<8192xf32, #tpu.memory_space<vmem>>) target(%dma_start3A_672 : memref<8192xf32, #tpu.memory_space<hbm>>) target_semaphore(%arg14 : memref<!tpu.dma_semaphore, #tpu.memory_space<semaphore_mem>>)
    %dma_wait3A_673 = arith.constant 0 : i32
    %dma_wait3A_674 = tpu.memref_slice %arg2[%dma_wait3A_673] : memref<8388608xf32, #tpu.memory_space<hbm>> -> memref<8192xf32, #tpu.memory_space<hbm>>
    %dma_wait3A_675 = arith.constant 0 : i32
    %dma_wait3A_676 = tpu.memref_slice %arg2[%dma_wait3A_675] : memref<8388608xf32, #tpu.memory_space<hbm>> -> memref<8192xf32, #tpu.memory_space<hbm>>
    tpu.wait_dma2 semaphore(%arg17 : memref<!tpu.dma_semaphore, #tpu.memory_space<semaphore_mem>>) src(%dma_wait3A_676 : memref<8192xf32, #tpu.memory_space<hbm>>) dst(%arg9 : memref<8192xf32, #tpu.memory_space<vmem>>)
    %mul3A_677 = arith.constant 1024 : i32
    %mul3A_678 = arith.muli %mul3A_2, %mul3A_677 : i32
    %add3A_679 = arith.constant 6348800 : i32
    %add3A_680 = arith.addi %add3A_679, %mul3A_678 : i32
    %dma_start3A_681 = tpu.memref_slice %arg2[%add3A_680] : memref<8388608xf32, #tpu.memory_space<hbm>> -> memref<8192xf32, #tpu.memory_space<hbm>>
    %dma_start3A_682 = tpu.memref_slice %arg2[%add3A_680] : memref<8388608xf32, #tpu.memory_space<hbm>> -> memref<8192xf32, #tpu.memory_space<hbm>>
    tpu.enqueue_dma source(%dma_start3A_682 : memref<8192xf32, #tpu.memory_space<hbm>>) target(%arg9 : memref<8192xf32, #tpu.memory_space<vmem>>) target_semaphore(%arg13 : memref<!tpu.dma_semaphore, #tpu.memory_space<semaphore_mem>>)
    %dma_wait3A_683 = arith.constant 0 : i32
    %dma_wait3A_684 = tpu.memref_slice %arg2[%dma_wait3A_683] : memref<8388608xf32, #tpu.memory_space<hbm>> -> memref<8192xf32, #tpu.memory_space<hbm>>
    %dma_wait3A_685 = arith.constant 0 : i32
    %dma_wait3A_686 = tpu.memref_slice %arg2[%dma_wait3A_685] : memref<8388608xf32, #tpu.memory_space<hbm>> -> memref<8192xf32, #tpu.memory_space<hbm>>
    tpu.wait_dma2 semaphore(%arg11 : memref<!tpu.dma_semaphore, #tpu.memory_space<semaphore_mem>>) src(%dma_wait3A_686 : memref<8192xf32, #tpu.memory_space<hbm>>) dst(%arg7 : memref<8192xf32, #tpu.memory_space<vmem>>)
    %parallel_loop3A_687 = arith.constant 0 : i32
    %parallel_loop3A_688 = arith.constant 8192 : i32
    %parallel_loop3A_689 = arith.constant 16 : i32
    scf.for %parallel_loop3A_738 = %parallel_loop3A_687 to %parallel_loop3A_688 step %parallel_loop3A_689  : i32 {
      %parallel_loop3A_739 = arith.constant 40960 : i32
      %parallel_loop3A_740 = arith.addi %parallel_loop3A_739, %parallel_loop3A_738 : i32
      %parallel_loop3A_741 = arith.index_cast %parallel_loop3A_740 : i32 to index
      %parallel_loop3A_742 = tpu.vector_load %arg5[%parallel_loop3A_741] {strides = array<i32>} : memref<65536xf32, #tpu.memory_space<vmem>>, vector<16xf32>,
      %parallel_loop3A_743 = vector.shape_cast %parallel_loop3A_742 : vector<16xf32> to vector<16xf32>
      %parallel_loop3A_744 = arith.index_cast %parallel_loop3A_738 : i32 to index
      %parallel_loop3A_745 = tpu.vector_load %arg7[%parallel_loop3A_744] {strides = array<i32>} : memref<8192xf32, #tpu.memory_space<vmem>>, vector<16xf32>,
      %parallel_loop3A_746 = vector.shape_cast %parallel_loop3A_745 : vector<16xf32> to vector<16xf32>
      %parallel_loop3A_747 = vector.shape_cast %parallel_loop3A_743 : vector<16xf32> to vector<16xf32>
      tpu.vector_store %arg7[%parallel_loop3A_744], %parallel_loop3A_747 {add = true, strides = array<i32>} : memref<8192xf32, #tpu.memory_space<vmem>>, vector<16xf32>,
    } {sc.loop_unroll_factor = 4 : i64, sc.parallel_access}
    %mul3A_690 = arith.constant 1024 : i32
    %mul3A_691 = arith.muli %mul3A_2, %mul3A_690 : i32
    %add3A_692 = arith.constant 6332416 : i32
    %add3A_693 = arith.addi %add3A_692, %mul3A_691 : i32
    %dma_start3A_694 = tpu.memref_slice %arg4[%add3A_693] : memref<8388608xf32, #tpu.memory_space<hbm>> -> memref<8192xf32, #tpu.memory_space<hbm>>
    %dma_start3A_695 = tpu.memref_slice %arg4[%add3A_693] : memref<8388608xf32, #tpu.memory_space<hbm>> -> memref<8192xf32, #tpu.memory_space<hbm>>
    tpu.enqueue_dma source(%arg7 : memref<8192xf32, #tpu.memory_space<vmem>>) target(%dma_start3A_695 : memref<8192xf32, #tpu.memory_space<hbm>>) target_semaphore(%arg15 : memref<!tpu.dma_semaphore, #tpu.memory_space<semaphore_mem>>)
    %dma_wait3A_696 = arith.constant 0 : i32
    %dma_wait3A_697 = tpu.memref_slice %arg2[%dma_wait3A_696] : memref<8388608xf32, #tpu.memory_space<hbm>> -> memref<8192xf32, #tpu.memory_space<hbm>>
    %dma_wait3A_698 = arith.constant 0 : i32
    %dma_wait3A_699 = tpu.memref_slice %arg2[%dma_wait3A_698] : memref<8388608xf32, #tpu.memory_space<hbm>> -> memref<8192xf32, #tpu.memory_space<hbm>>
    tpu.wait_dma2 semaphore(%arg12 : memref<!tpu.dma_semaphore, #tpu.memory_space<semaphore_mem>>) src(%dma_wait3A_699 : memref<8192xf32, #tpu.memory_space<hbm>>) dst(%arg8 : memref<8192xf32, #tpu.memory_space<vmem>>)
    %parallel_loop3A_700 = arith.constant 0 : i32
    %parallel_loop3A_701 = arith.constant 8192 : i32
    %parallel_loop3A_702 = arith.constant 16 : i32
    scf.for %parallel_loop3A_738 = %parallel_loop3A_700 to %parallel_loop3A_701 step %parallel_loop3A_702  : i32 {
      %parallel_loop3A_739 = arith.constant 49152 : i32
      %parallel_loop3A_740 = arith.addi %parallel_loop3A_739, %parallel_loop3A_738 : i32
      %parallel_loop3A_741 = arith.index_cast %parallel_loop3A_740 : i32 to index
      %parallel_loop3A_742 = tpu.vector_load %arg5[%parallel_loop3A_741] {strides = array<i32>} : memref<65536xf32, #tpu.memory_space<vmem>>, vector<16xf32>,
      %parallel_loop3A_743 = vector.shape_cast %parallel_loop3A_742 : vector<16xf32> to vector<16xf32>
      %parallel_loop3A_744 = arith.index_cast %parallel_loop3A_738 : i32 to index
      %parallel_loop3A_745 = tpu.vector_load %arg8[%parallel_loop3A_744] {strides = array<i32>} : memref<8192xf32, #tpu.memory_space<vmem>>, vector<16xf32>,
      %parallel_loop3A_746 = vector.shape_cast %parallel_loop3A_745 : vector<16xf32> to vector<16xf32>
      %parallel_loop3A_747 = vector.shape_cast %parallel_loop3A_743 : vector<16xf32> to vector<16xf32>
      tpu.vector_store %arg8[%parallel_loop3A_744], %parallel_loop3A_747 {add = true, strides = array<i32>} : memref<8192xf32, #tpu.memory_space<vmem>>, vector<16xf32>,
    } {sc.loop_unroll_factor = 4 : i64, sc.parallel_access}
    %mul3A_703 = arith.constant 1024 : i32
    %mul3A_704 = arith.muli %mul3A_2, %mul3A_703 : i32
    %add3A_705 = arith.constant 6340608 : i32
    %add3A_706 = arith.addi %add3A_705, %mul3A_704 : i32
    %dma_start3A_707 = tpu.memref_slice %arg4[%add3A_706] : memref<8388608xf32, #tpu.memory_space<hbm>> -> memref<8192xf32, #tpu.memory_space<hbm>>
    %dma_start3A_708 = tpu.memref_slice %arg4[%add3A_706] : memref<8388608xf32, #tpu.memory_space<hbm>> -> memref<8192xf32, #tpu.memory_space<hbm>>
    tpu.enqueue_dma source(%arg8 : memref<8192xf32, #tpu.memory_space<vmem>>) target(%dma_start3A_708 : memref<8192xf32, #tpu.memory_space<hbm>>) target_semaphore(%arg16 : memref<!tpu.dma_semaphore, #tpu.memory_space<semaphore_mem>>)
    %dma_wait3A_709 = arith.constant 0 : i32
    %dma_wait3A_710 = tpu.memref_slice %arg2[%dma_wait3A_709] : memref<8388608xf32, #tpu.memory_space<hbm>> -> memref<8192xf32, #tpu.memory_space<hbm>>
    %dma_wait3A_711 = arith.constant 0 : i32
    %dma_wait3A_712 = tpu.memref_slice %arg2[%dma_wait3A_711] : memref<8388608xf32, #tpu.memory_space<hbm>> -> memref<8192xf32, #tpu.memory_space<hbm>>
    tpu.wait_dma2 semaphore(%arg13 : memref<!tpu.dma_semaphore, #tpu.memory_space<semaphore_mem>>) src(%dma_wait3A_712 : memref<8192xf32, #tpu.memory_space<hbm>>) dst(%arg9 : memref<8192xf32, #tpu.memory_space<vmem>>)
    %parallel_loop3A_713 = arith.constant 0 : i32
    %parallel_loop3A_714 = arith.constant 8192 : i32
    %parallel_loop3A_715 = arith.constant 16 : i32
    scf.for %parallel_loop3A_738 = %parallel_loop3A_713 to %parallel_loop3A_714 step %parallel_loop3A_715  : i32 {
      %parallel_loop3A_739 = arith.constant 57344 : i32
      %parallel_loop3A_740 = arith.addi %parallel_loop3A_739, %parallel_loop3A_738 : i32
      %parallel_loop3A_741 = arith.index_cast %parallel_loop3A_740 : i32 to index
      %parallel_loop3A_742 = tpu.vector_load %arg5[%parallel_loop3A_741] {strides = array<i32>} : memref<65536xf32, #tpu.memory_space<vmem>>, vector<16xf32>,
      %parallel_loop3A_743 = vector.shape_cast %parallel_loop3A_742 : vector<16xf32> to vector<16xf32>
      %parallel_loop3A_744 = arith.index_cast %parallel_loop3A_738 : i32 to index
      %parallel_loop3A_745 = tpu.vector_load %arg9[%parallel_loop3A_744] {strides = array<i32>} : memref<8192xf32, #tpu.memory_space<vmem>>, vector<16xf32>,
      %parallel_loop3A_746 = vector.shape_cast %parallel_loop3A_745 : vector<16xf32> to vector<16xf32>
      %parallel_loop3A_747 = vector.shape_cast %parallel_loop3A_743 : vector<16xf32> to vector<16xf32>
      tpu.vector_store %arg9[%parallel_loop3A_744], %parallel_loop3A_747 {add = true, strides = array<i32>} : memref<8192xf32, #tpu.memory_space<vmem>>, vector<16xf32>,
    } {sc.loop_unroll_factor = 4 : i64, sc.parallel_access}
    %mul3A_716 = arith.constant 1024 : i32
    %mul3A_717 = arith.muli %mul3A_2, %mul3A_716 : i32
    %add3A_718 = arith.constant 6348800 : i32
    %add3A_719 = arith.addi %add3A_718, %mul3A_717 : i32
    %dma_start3A_720 = tpu.memref_slice %arg4[%add3A_719] : memref<8388608xf32, #tpu.memory_space<hbm>> -> memref<8192xf32, #tpu.memory_space<hbm>>
    %dma_start3A_721 = tpu.memref_slice %arg4[%add3A_719] : memref<8388608xf32, #tpu.memory_space<hbm>> -> memref<8192xf32, #tpu.memory_space<hbm>>
    tpu.enqueue_dma source(%arg9 : memref<8192xf32, #tpu.memory_space<vmem>>) target(%dma_start3A_721 : memref<8192xf32, #tpu.memory_space<hbm>>) target_semaphore(%arg17 : memref<!tpu.dma_semaphore, #tpu.memory_space<semaphore_mem>>)
    %dma_wait3A_722 = arith.constant 0 : i32
    %dma_wait3A_723 = tpu.memref_slice %arg2[%dma_wait3A_722] : memref<8388608xf32, #tpu.memory_space<hbm>> -> memref<8192xf32, #tpu.memory_space<hbm>>
    %dma_wait3A_724 = arith.constant 0 : i32
    %dma_wait3A_725 = tpu.memref_slice %arg2[%dma_wait3A_724] : memref<8388608xf32, #tpu.memory_space<hbm>> -> memref<8192xf32, #tpu.memory_space<hbm>>
    tpu.wait_dma2 semaphore(%arg14 : memref<!tpu.dma_semaphore, #tpu.memory_space<semaphore_mem>>) src(%dma_wait3A_725 : memref<8192xf32, #tpu.memory_space<hbm>>) dst(%arg6 : memref<8192xf32, #tpu.memory_space<vmem>>)
    %dma_wait3A_726 = arith.constant 0 : i32
    %dma_wait3A_727 = tpu.memref_slice %arg2[%dma_wait3A_726] : memref<8388608xf32, #tpu.memory_space<hbm>> -> memref<8192xf32, #tpu.memory_space<hbm>>
    %dma_wait3A_728 = arith.constant 0 : i32
    %dma_wait3A_729 = tpu.memref_slice %arg2[%dma_wait3A_728] : memref<8388608xf32, #tpu.memory_space<hbm>> -> memref<8192xf32, #tpu.memory_space<hbm>>
    tpu.wait_dma2 semaphore(%arg15 : memref<!tpu.dma_semaphore, #tpu.memory_space<semaphore_mem>>) src(%dma_wait3A_729 : memref<8192xf32, #tpu.memory_space<hbm>>) dst(%arg7 : memref<8192xf32, #tpu.memory_space<vmem>>)
    %dma_wait3A_730 = arith.constant 0 : i32
    %dma_wait3A_731 = tpu.memref_slice %arg2[%dma_wait3A_730] : memref<8388608xf32, #tpu.memory_space<hbm>> -> memref<8192xf32, #tpu.memory_space<hbm>>
    %dma_wait3A_732 = arith.constant 0 : i32
    %dma_wait3A_733 = tpu.memref_slice %arg2[%dma_wait3A_732] : memref<8388608xf32, #tpu.memory_space<hbm>> -> memref<8192xf32, #tpu.memory_space<hbm>>
    tpu.wait_dma2 semaphore(%arg16 : memref<!tpu.dma_semaphore, #tpu.memory_space<semaphore_mem>>) src(%dma_wait3A_733 : memref<8192xf32, #tpu.memory_space<hbm>>) dst(%arg8 : memref<8192xf32, #tpu.memory_space<vmem>>)
    %dma_wait3A_734 = arith.constant 0 : i32
    %dma_wait3A_735 = tpu.memref_slice %arg2[%dma_wait3A_734] : memref<8388608xf32, #tpu.memory_space<hbm>> -> memref<8192xf32, #tpu.memory_space<hbm>>
    %dma_wait3A_736 = arith.constant 0 : i32
    %dma_wait3A_737 = tpu.memref_slice %arg2[%dma_wait3A_736] : memref<8388608xf32, #tpu.memory_space<hbm>> -> memref<8192xf32, #tpu.memory_space<hbm>>
    tpu.wait_dma2 semaphore(%arg17 : memref<!tpu.dma_semaphore, #tpu.memory_space<semaphore_mem>>) src(%dma_wait3A_737 : memref<8192xf32, #tpu.memory_space<hbm>>) dst(%arg9 : memref<8192xf32, #tpu.memory_space<vmem>>)
    return
  }
}

</mosaic_0001>

<sc_bundles>
// kernel: kernel.3.cloned.1.call-start
scs
__scs_entry_jumppad:
0x0: {  	(pc) =	sbr.rel $0x88, $3  }
0x1: {  	(tag) =	ssettag $0x0;
	lr =	simm.s32 $0x1  }
0x2: {  	[smem:$0x3F9F] =	sst lr;
	_ =	strace $0xD0000000  }
0x3: {  	_ = 	snop  }
0x4: {  	_ = 	snop  }
0x5: {  	_ = 	snop  }
0x6: {  	_ = 	snop  }
0x7: {  	_ = 	snop  }
__scs_overlays_trampoline_lowered:
0x8: {  	[smem:$0x3FAE] =	sst s0  }
0x9: {  	[smem:$0x3FAF] =	sst s1  }
0xa: {  	[smem:$0x3FB0] =	sst s2  }
0xb: {  	[smem:$0x3FB1] =	sst s3  }
0xc: {  	[smem:$0x3FB2] =	sst s4  }
0xd: {  	[smem:$0x3FB3] =	sst s5  }
0xe: {  	[smem:$0x3FB4] =	sst s6  }
0xf: {  	[smem:$0x3FB5] =	sst s7  }
0x10: {  	[smem:$0x3FB6] =	sst s8  }
0x11: {  	[smem:$0x3FB7] =	sst s9;
	s0 =	simm.s32 @!p0 $0x0  }
0x12: {  	s1 =	sld [smem:$0x3F9D];
	s0 =	simm.s32 @p0 $0x1  }
0x13: {  	[smem:$0x3FB8] =	sst s0;
	s0 =	simm.s32 @!p1 $0x0  }
0x14: {  	s2 =	sld [smem:$0x3F9C];
	s0 =	simm.s32 @p1 $0x1  }
0x15: {  	[smem:$0x3FB9] =	sst s0;
	s0 =	simm.s32 @!p2 $0x0  }
0x16: {  	s3 =	sld [smem:$0x3FDB];
	s0 =	simm.s32 @p2 $0x1  }
0x17: {  	s4 =	simm.s32 $0x1BF5;
	[smem:$0x3FBB] =	sst s0  }
0x18: {  	s0 =	sld [smem:$0x3F9E];
	_ =	swait.ge [sflag:s4], $0x0  }
0x19: {  	s7 =	sld [smem:$0x3F9F]  }
0x1a: {  	s8 =	sadd.s32 $0xFFFFE003, lr  }
0x1b: {  	s9 =	sadd.s32 $0xFFFFFEF7, lr;
	s5 =	simm.s32 $0xFFFFFFFF;
	p2 =	slt.u32 s8, $0xFFFFF086  }
0x1c: {  	p1 =	slt.u32 s9, $0xF7A;
	s5 =	simm.s32 @!p2 $0x0  }
0x1d: {  	s5 =	simm.s32 @p1 $0x1;
	p0 =	seq.s32 s7, s2  }
0x1e: {  	s7 =	smul.u32 @!p0 $0xF7A, s2;
	p2 =	seq.s32 @!p0 s5, $0x0  }
0x1f: {  	s9 =	smul.u32 $0xF7A, s1;
	s8 =	simm.s32 @!p0 $0x1BF5;
	p2 =	por !p2, p0  }
0x20: {  	[sflag:s8] =	ssyncset.s32 @!p0 $0xFFFFF086;
	s6 =	sadd.s32 @!p0 s3, s7;
	s7 =	simm.s32 @!p0 $0x108  }
0x21: {  	s3 =	sadd.s32 s3, s9;
	s6 =	sadd.s32 @!p0 $0x88, s6;
	s7 =	simm.s32 @p2 $0x1082  }
0x22: {  	[simem:s7], [sflag:s8] =	dma.local @!p0 [hbm:s6], $0xF7A  }
0x23: {  	s9 =	sor.u32 $0xD0000000, s2;
	s6 =	simm.s32 $0x108;
	_ =	swait.ge @!p0 [sflag:s8], $0x0  }
0x24: {  	s3 =	sadd.s32 $0x88, s3;
	s6 =	simm.s32 @!p1 $0x1082;
	[sflag:s4] =	ssyncset.s32 $0xFFFFF086  }
0x25: {  	[simem:s6], [sflag:s4] =	dma.local [hbm:s3], $0xF7A  }
0x26: {  	[smem:$0x3F9F] =	sst s1;
	(tag) =	ssettag s2;
	_ =	strace s9  }
0x27: {  	s1 =	sld [smem:$0x3FAF]  }
0x28: {  	s2 =	sld [smem:$0x3FB0]  }
0x29: {  	s4 =	sld [smem:$0x3FB2]  }
0x2a: {  	p0 =	seq.s32 s5, $0x0;
	s5 =	sld [smem:$0x3FB3]  }
0x2b: {  	s6 =	sld [smem:$0x3FB4]  }
0x2c: {  	s7 =	sld [smem:$0x3FB5]  }
0x2d: {  	s3 =	simm.s32 $0x108;
	s8 =	sld [smem:$0x3FB6]  }
0x2e: {  	s3 =	simm.s32 @!p0 $0x1082;
	s9 =	sld [smem:$0x3FB7]  }
0x2f: {  	lr =	sadd.s32 s0, s3;
	s0 =	sld [smem:$0x3FAE]  }
0x30: {  	s3 =	sld [smem:$0x3FB1]  }
0x31: {  	[smem:$0x3FBA] =	sst s10  }
0x32: {  	s10 =	sld [smem:$0x3FB8];
	_ =	sdelay $0x3  }
0x33: {  	p0 =	seq.s32 s10, $0x1;
	s10 =	sld [smem:$0x3FBA];
	_ =	sdelay $0x3  }
0x34: {  	[smem:$0x3FBA] =	sst s10  }
0x35: {  	s10 =	sld [smem:$0x3FB9];
	_ =	sdelay $0x3  }
0x36: {  	p1 =	seq.s32 s10, $0x1;
	s10 =	sld [smem:$0x3FBA];
	_ =	sdelay $0x3  }
0x37: {  	[smem:$0x3FBA] =	sst s10  }
0x38: {  	s10 =	sld [smem:$0x3FBB]  }
0x39: {  	_ = 	snop;
	(pc) =	sbr.ind lr, $3  }
0x3a: {  	_ = 	snop  }
0x3b: {  	_ = 	snop  }
0x3c: {  	p2 =	seq.s32 s10, $0x1;
	s10 =	sld [smem:$0x3FBA]  }
0x3d: {  	_ =	shalt  }
0x3e: {  	_ =	shalt  }
0x3f: {  	_ =	shalt  }
0x40: {  	_ =	shalt  }
0x41: {  	_ =	shalt  }
0x42: {  	_ =	shalt  }
0x43: {  	_ =	shalt  }
0x44: {  	_ =	shalt  }
0x45: {  	_ =	shalt  }
0x46: {  	_ =	shalt  }
0x47: {  	_ =	shalt  }
0x48: {  	_ =	shalt  }
0x49: {  	_ =	shalt  }
0x4a: {  	_ =	shalt  }
0x4b: {  	_ =	shalt  }
0x4c: {  	_ =	shalt  }
0x4d: {  	_ =	shalt  }
0x4e: {  	_ =	shalt  }
0x4f: {  	_ =	shalt  }
0x50: {  	_ =	shalt  }
0x51: {  	_ =	shalt  }
0x52: {  	_ =	shalt  }
0x53: {  	_ =	shalt  }
0x54: {  	_ =	shalt  }
0x55: {  	_ =	shalt  }
0x56: {  	_ =	shalt  }
0x57: {  	_ =	shalt  }
0x58: {  	_ =	shalt  }
0x59: {  	_ =	shalt  }
0x5a: {  	_ =	shalt  }
0x5b: {  	_ =	shalt  }
0x5c: {  	_ =	shalt  }
0x5d: {  	_ =	shalt  }
0x5e: {  	_ =	shalt  }
0x5f: {  	_ =	shalt  }
0x60: {  	_ =	shalt  }
0x61: {  	_ =	shalt  }
0x62: {  	_ =	shalt  }
0x63: {  	_ =	shalt  }
0x64: {  	_ =	shalt  }
0x65: {  	_ =	shalt  }
0x66: {  	_ =	shalt  }
0x67: {  	_ =	shalt  }
0x68: {  	_ =	shalt  }
0x69: {  	_ =	shalt  }
0x6a: {  	_ =	shalt  }
0x6b: {  	_ =	shalt  }
0x6c: {  	_ =	shalt  }
0x6d: {  	_ =	shalt  }
0x6e: {  	_ =	shalt  }
0x6f: {  	_ =	shalt  }
0x70: {  	_ =	shalt  }
0x71: {  	_ =	shalt  }
0x72: {  	_ =	shalt  }
0x73: {  	_ =	shalt  }
0x74: {  	_ =	shalt  }
0x75: {  	_ =	shalt  }
0x76: {  	_ =	shalt  }
0x77: {  	_ =	shalt  }
0x78: {  	_ =	shalt  }
0x79: {  	_ =	shalt  }
0x7a: {  	_ =	shalt  }
0x7b: {  	_ =	shalt  }
0x7c: {  	_ =	shalt  }
0x7d: {  	_ =	shalt  }
0x7e: {  	_ =	shalt  }
0x7f: {  	_ =	shalt  }
0x80: {  	_ =	shalt  }
0x81: {  	_ =	shalt  }
0x82: {  	_ =	shalt  }
0x83: {  	_ =	shalt  }
0x84: {  	_ =	shalt  }
0x85: {  	_ =	shalt  }
0x86: {  	_ =	shalt  }
0x87: {  	_ =	shalt  }
.Lfunc_end0:
.L_simem_size_0:
called_computation.1_lowered:
.L_overlay_start_0:
0x88: {  	s2 =	sld [smem:$0x3FD9]  }
0x89: {  	s3 =	sld [smem:$0x3FFE];
	_ =	sdelay $0x1  }
0x8a: {  	s1 =	srdreg.scid  }
0x8b: {  	s0 =	sand.u32 $0x1, s1  }
0x8c: {  	s17 =	sshll.u32 s0, $0xA;
	s2 =	sadd.s32 s3, s2  }
0x8d: {  	s2 =	sadd.s32 s2, s17  }
0x8e: {  	[smem:$0x3FC6] =	sst s2  }
0x8f: {  	_ = 	snop  }
0x90: {  	s2 =	sld [smem:$0x3FD0];
	(tm) =	ssettm $0x1  }
0x91: {  	s18 =	sld [smem:$0x3FFB];
	_ =	sdelay $0x3  }
0x92: {  	_ =	strace s18  }
0x93: {  	s3 =	sld [smem:$0x3FFC];
	_ =	sdelay $0x3  }
0x94: {  	_ =	strace s3  }
0x95: {  	s3 =	sld [smem:$0x3FFD];
	_ =	sdelay $0x3  }
0x96: {  	_ =	strace s3  }
0x97: {  	_ =	strace $0x8FFFFFFF  }
0x98: {  	s19 =	sld [smem:$0x3FDB];
	_ =	sdelay $0x1  }
0x99: {  	s4 =	simm.s32 $_scs_section_size  }
0x9a: {  	s5 =	simm.s32 $_size__tile_overlayer_lowered;
	s6 =	simm.s32 $_tile_overlayer_lowered  }
0x9b: {  	s22 =	simm.s32 $0x1BFF;
	s21 =	sshll.u32 s6, $0x1;
	s3 =	sadd.s32 s4, s19  }
0x9c: {  	s7 =	simm.s32 $0x0;
	s20 =	sshll.u32 s5, $0x1;
	s5 =	sadd.s32 s21, s3  }
0x9d: {  	[timem:s7], [sflag:s22] =	dma.local [hbm:s5], s20  }
0x9e: {  	_ =	swait.ge [sflag:s22], s20  }
0x9f: {  	s4 =	ssub.s32 $0x0, s20;
	[sflag:s22] =	ssyncset.done $0x0  }
0xa0: {  	[sflag:s22] =	ssyncadd.s32 s4;
	_ =	sdelay $0x1  }
0xa1: {  	s23 =	simm.s32 $0x1B8B  }
0xa2: {  	_ =	swait.ge [sflag:s23], $0x1  }
0xa3: {  	[sflag:s23] =	ssyncset.done $0x0  }
0xa4: {  	s25 =	simm.s32 $0x1B8E;
	s24 =	sld [smem:$0x3FFE];
	[sflag:s23] =	ssyncadd.s32 $0xFFFFFFFF  }
0xa5: {  	s26 =	simm.s32 $execute0_lowered;
	[smem:$0x3FD2] =	sst s25  }
0xa6: {  	s5 =	sshll.u32 s26, $0x1;
	_ =	strace $0x80000049;
	[dreg:$0x1] =	wrdreg $0xFFFFFFFF  }
0xa7: {  	s28 =	simm.s32 $_size_execute0_lowered;
	s3 =	sadd.s32 s3, s5;
	[dreg:$0x0] =	wrdreg $0x0  }
0xa8: {  	s5 =	sshll.u32 s28, $0x1;
	[dreg:$0x2] =	wrdreg s3  }
0xa9: {  	[dreg:$0x3] =	wrdreg s5  }
0xaa: {  	[dreg:$0x4] =	wrdreg $0xC0  }
0xab: {  	_ =	task [dreg:s7], $0x5FFFF  }
0xac: {  	[dreg:$0x1] =	wrdreg $0xFFFFFFFF  }
0xad: {  	[dreg:$0x0] =	wrdreg $0x60  }
0xae: {  	[dreg:$0x2] =	wrdreg s2  }
0xaf: {  	[dreg:$0x3] =	wrdreg s24  }
0xb0: {  	[dreg:$0x4] =	wrdreg $0x9  }
0xb1: {  	_ =	task.clear_ibuf [dreg:s7], $0x5FFFF;
	_ =	strace $0x90000049  }
0xb2: {  	s29 =	simm.s32 $0x9;
	_ =	strace $0x8000004B  }
0xb3: {  	_ =	swait.ge [sflag:s29], $0x1  }
0xb4: {  	[sflag:s29] =	ssyncadd.s32 $0xFFFFFFFF  }
0xb5: {  	_ =	strace $0x9000004B  }
0xb6: {  	_ =	sfence  }
0xb7: {  	s30 =	sld [smem:$0x0];
	_ =	sdelay $0x2  }
0xb8: {  	s31 =	sshll.u32 s1, $0xD;
	s1 =	sshrl.u32 s1, $0x2  }
0xb9: {  	s3 =	sand.u32 $0x4000, s31;
	s1 =	sadd.s32 s1, s30  }
0xba: {  	s0 =	sor.u32 s3, s0;
	s1 =	sshll.u32 s1, $0x11  }
0xbb: {  	s0 =	sor.u32 s1, s0  }
0xbc: {  	s0 =	sadd.s32 $0x8F2B, s0  }
0xbd: {  	[sflag:s0] =	ssyncadd.remote.s32 $0x1  }
0xbe: {  	_ =	sfence.sel $0xFFFF  }
0xbf: {  	[dreg:$0x0] =	wrdreg $0xFFFFFFFF;
	(pc) =	sbr.abs _section_cstart, $3  }
0xc0: {  	[dreg:$0x1] =	wrdreg $0xFFFFFFFF  }
0xc1: {  	_ =	task.clear_ibuf [dreg:s7], $0x2FFFF;
	_ =	strace $0x9FFFFFFF  }
0xc2: {  	(tm) =	ssettm $0x7FFFFFFF  }
0xc3: {  	_ =	shalt  }
tec
execute0_lowered:
.L_overlay_start_1:
0x0: {  	(tag) =	ssettag $0x1  }
0x1: {  	s2 =	rddreg [dreg:$0x0];
	s0 =	srdreg.scid  }
0x2: {  	s3 =	rddreg [dreg:$0x1];
	s5 =	stileid.u32;
	s4 =	sand.u32 $0x1, s0  }
0x3: {  	s1 =	simm.s32 $0x0;
	s13 =	sshll.u32 s5, $0xE;
	s14 =	sshll.u32 s4, $0xD  }
0x4: {  	[smem:$0x7FF] =	sst s1;
	s0 =	sor.u32 s14, s13  }
0x5: {  	s5 =	sadd.s32 $0x40A00, s3;
	s4 =	ssub.s32 $0x2, s4;
	s16 =	sor.u32 $0x400, s0  }
0x6: {  	s15 =	sshrl.u32 s4, $0x1;
	s17 =	sor.u32 $0x800, s0;
	s8 =	sadd.s32 s2, s16  }
0x7: {  	s19 =	sor.u32 $0xC00, s0;
	s18 =	sadd.s32 s2, s17;
	[dreg:$0x3] =	wrdreg s8  }
0x8: {  	s6 =	sadd.s32 s0, s3;
	s9 =	sadd.s32 s2, s19;
	[dreg:$0x4] =	wrdreg s18  }
0x9: {  	s20 =	sor.u32 $0x1000, s0;
	s3 =	sadd.s32 s5, s16;
	[dreg:$0x5] =	wrdreg s9  }
0xa: {  	s7 =	ssub.s32 s4, s15;
	s21 =	sadd.s32 s2, s20;
	[dreg:$0x6] =	wrdreg s3  }
0xb: {  	s22 =	sor.u32 $0x1400, s0;
	s4 =	sadd.s32 s5, s17;
	[dreg:$0x7] =	wrdreg s21  }
0xc: {  	s24 =	sor.u32 $0x1800, s0;
	s23 =	sadd.s32 s2, s22;
	[dreg:$0x8] =	wrdreg s4  }
0xd: {  	s26 =	sor.u32 $0x1C00, s0;
	s25 =	sadd.s32 s2, s24;
	[dreg:$0x9] =	wrdreg s23  }
0xe: {  	s11 =	sor.u32 $0x40000, s0;
	s10 =	sadd.s32 s2, s26;
	[dreg:$0xb] =	wrdreg s25  }
0xf: {  	s13 =	sor.u32 $0x40400, s0;
	s12 =	sadd.s32 s2, s11;
	[dreg:$0xd] =	wrdreg s10  }
0x10: {  	s14 =	sadd.s32 s2, s13;
	[dreg:$0xf] =	wrdreg s12  }
0x11: {  	s15 =	sor.u32 $0x40800, s0;
	s16 =	sadd.s32 s5, s13;
	[dreg:$0x11] =	wrdreg s14  }
0x12: {  	s17 =	sadd.s32 s2, s15;
	[dreg:$0x14] =	wrdreg s16  }
0x13: {  	s8 =	sadd.s32 s5, s19;
	[dreg:$0x15] =	wrdreg s17  }
0x14: {  	s3 =	sadd.s32 s5, s20;
	[dreg:$0xa] =	wrdreg s8  }
0x15: {  	s4 =	sadd.s32 s5, s22;
	[dreg:$0xc] =	wrdreg s3  }
0x16: {  	s29 =	sadd.s32 s2, s0;
	[dreg:$0xe] =	wrdreg s4;
	s8 =	sadd.s32 s5, s24  }
0x17: {  	s30 =	sadd.s32 s5, s0;
	s3 =	sadd.s32 s5, s26;
	[dreg:$0x10] =	wrdreg s8  }
0x18: {  	s18 =	sor.u32 $0x40C00, s0;
	s4 =	sadd.s32 s5, s11;
	[dreg:$0x12] =	wrdreg s3  }
0x19: {  	s19 =	sor.u32 $0x41000, s0;
	s20 =	sadd.s32 s2, s18;
	[dreg:$0x13] =	wrdreg s4  }
0x1a: {  	s6 =	sadd.s32 $0xA00, s6;
	s21 =	sadd.s32 s2, s19;
	[dreg:$0x17] =	wrdreg s20  }
0x1b: {  	s23 =	sor.u32 $0x41400, s0;
	s22 =	sadd.s32 s5, s19;
	[dreg:$0x19] =	wrdreg s21  }
0x1c: {  	s9 =	sor.u32 $0x41C00, s0;
	s25 =	sadd.s32 s2, s23;
	[dreg:$0x1a] =	wrdreg s22  }
0x1d: {  	s10 =	sor.u32 $0x80000, s0;
	s11 =	sadd.s32 s2, s9;
	[dreg:$0x1b] =	wrdreg s25  }
0x1e: {  	s7 =	smax.u32 s7, $0x1;
	s12 =	sadd.s32 s2, s10;
	[dreg:$0x1f] =	wrdreg s11  }
0x1f: {  	s14 =	sor.u32 $0x80400, s0;
	s13 =	sadd.s32 s5, s10;
	[smem:$0x7E5] =	sst s12  }
0x20: {  	s24 =	sor.u32 $0x41800, s0;
	s16 =	sadd.s32 s2, s14;
	[smem:$0x7E6] =	sst s13  }
0x21: {  	s19 =	sor.u32 $0x80C00, s0;
	s3 =	sadd.s32 s5, s15;
	[smem:$0x7E7] =	sst s16  }
0x22: {  	s10 =	sor.u32 $0x81C00, s0;
	s26 =	sadd.s32 s2, s24;
	[dreg:$0x16] =	wrdreg s3  }
0x23: {  	s8 =	sadd.s32 s5, s24;
	s15 =	sor.u32 $0x80800, s0;
	[dreg:$0x1d] =	wrdreg s26  }
0x24: {  	s20 =	sor.u32 $0x81000, s0;
	s21 =	sadd.s32 s2, s19;
	[dreg:$0x1e] =	wrdreg s8  }
0x25: {  	s24 =	sor.u32 $0x81400, s0;
	s12 =	sadd.s32 s2, s10;
	[smem:$0x7EB] =	sst s21  }
0x26: {  	s25 =	sor.u32 $0x81800, s0;
	s3 =	sadd.s32 s5, s18;
	[smem:$0x7F3] =	sst s12  }
0x27: {  	s11 =	sor.u32 $0xC0000, s0;
	s17 =	sadd.s32 s2, s15;
	[dreg:$0x18] =	wrdreg s3  }
0x28: {  	s16 =	sor.u32 $0xC0800, s0;
	s18 =	sadd.s32 s5, s15;
	[smem:$0x7E9] =	sst s17  }
0x29: {  	s22 =	sadd.s32 s2, s20;
	s26 =	sadd.s32 s2, s24;
	[smem:$0x7EA] =	sst s18  }
0x2a: {  	s8 =	sadd.s32 s2, s25;
	s13 =	sadd.s32 s2, s11;
	[smem:$0x7ED] =	sst s22  }
0x2b: {  	s15 =	sor.u32 $0xC0400, s0;
	s21 =	sor.u32 $0xC1000, s0;
	[smem:$0x7EF] =	sst s26  }
0x2c: {  	s12 =	simm.s32 $0x1;
	s3 =	sadd.s32 s5, s23;
	[smem:$0x7F1] =	sst s8  }
0x2d: {  	s23 =	sadd.s32 s5, s20;
	[smem:$0x7F5] =	sst s13;
	s17 =	sadd.s32 s2, s15  }
0x2e: {  	s18 =	sadd.s32 s2, s16;
	s20 =	sor.u32 $0xC0C00, s0;
	[dreg:$0x1c] =	wrdreg s3  }
0x2f: {  	s28 =	sadd.s32 s5, s21;
	s26 =	sor.u32 $0xC1C00, s0;
	[smem:$0x7EE] =	sst s23  }
0x30: {  	s8 =	simm.s32 $0x9;
	s13 =	simm.s32 $0x16000;
	[smem:$0x7F7] =	sst s17  }
0x31: {  	s3 =	sadd.s32 s5, s9;
	s9 =	sadd.s32 s5, s25;
	[smem:$0x7F9] =	sst s18  }
0x32: {  	s22 =	sadd.s32 s2, s20;
	s23 =	sadd.s32 s2, s21;
	[smem:$0x7E4] =	sst s3  }
0x33: {  	s25 =	sor.u32 $0xC1800, s0;
	s17 =	simm.s32 $0x6;
	[smem:$0x7F2] =	sst s9  }
0x34: {  	s18 =	simm.s32 $0x4;
	s21 =	simm.s32 $0x0;
	[smem:$0x7FB] =	sst s22  }
0x35: {  	s3 =	sadd.s32 s5, s14;
	s14 =	sadd.s32 s5, s11;
	[smem:$0x7FD] =	sst s23  }
0x36: {  	s4 =	sadd.s32 s5, s25;
	s9 =	simm.s32 $0x10000;
	[smem:$0x7E8] =	sst s3  }
0x37: {  	s11 =	simm.s32 $0x14000;
	s3 =	sadd.s32 s5, s19;
	[smem:$0x7F6] =	sst s14  }
0x38: {  	s19 =	sadd.s32 s5, s16;
	s14 =	simm.s32 $0x2;
	[smem:$0x7EC] =	sst s3  }
0x39: {  	s16 =	simm.s32 $0x3;
	s3 =	sadd.s32 s5, s24;
	[smem:$0x7FA] =	sst s19  }
0x3a: {  	s24 =	sor.u32 $0xC1400, s0;
	s0 =	sadd.s32 s2, s25;
	s19 =	simm.s32 $0x7  }
0x3b: {  	[smem:$0x7F0] =	sst s3;
	s3 =	sadd.s32 s5, s10;
	s31 =	sadd.s32 s2, s24  }
0x3c: {  	s2 =	sadd.s32 s2, s26;
	[smem:$0x7F4] =	sst s3;
	s3 =	sadd.s32 s5, s15  }
0x3d: {  	s10 =	simm.s32 $0x12000;
	[smem:$0x7F8] =	sst s3;
	s3 =	sadd.s32 s5, s20  }
0x3e: {  	s15 =	simm.s32 $0x5;
	s20 =	simm.s32 $0x8;
	[smem:$0x7FC] =	sst s3  }
0x3f: {  	s3 =	sadd.s32 s5, s24;
	s5 =	sadd.s32 s5, s26;
	_ =	strace $0x8000004A  }
.LBB2_1:
0x40: {  	[tilespmem:s1], [sflag:$0x9] =	stream.linear.gather [hbm4b:s6+s1], $0x10000, $0x38;
	[tilespmem:$0x18000] =	vst v63  }
0x41: {  	_ =	swait.ge [sflag:s8], $0x10000  }
0x42: {  	[sflag:s8] =	ssyncset.done $0x0  }
0x43: {  	[sflag:s8] =	ssyncadd.s32 $0xFFFF0000  }
0x44: {  	[tilespmem:s9], [sflag:$0x1] =	stream.linear.gather [hbm4b:s29+s1], $0x2000, $0x38;
	[tilespmem:$0x18000] =	vst v63  }
0x45: {  	s22 =	rddreg [dreg:$0x3]  }
0x46: {  	[tilespmem:s10], [sflag:$0x2] =	stream.linear.gather [hbm4b:s22+s1], $0x2000, $0x38;
	[tilespmem:$0x18000] =	vst v63  }
0x47: {  	s26 =	rddreg [dreg:$0x4]  }
0x48: {  	[tilespmem:s11], [sflag:$0x3] =	stream.linear.gather [hbm4b:s26+s1], $0x2000, $0x38;
	[tilespmem:$0x18000] =	vst v63  }
0x49: {  	_ =	swait.ge [sflag:s12], $0x2000  }
0x4a: {  	[sflag:s12] =	ssyncset.done $0x0  }
0x4b: {  	s23 =	simm.s32 $0x20;
	[sflag:s12] =	ssyncadd.s32 $0xFFFFE000  }
0x4c: {  	v1 =	vld [tilespmem:s23+$0x10]  }
0x4d: {  	v2 =	vld [tilespmem:s23+$0xFFFFFFF0]  }
0x4e: {  	v3 =	vld [tilespmem:s23+$0x0]  }
0x4f: {  	v0 =	vld [tilespmem:s23+$0xFFFFFFE0]  }
0x50: {  	s22 =	simm.s32 $0x10030  }
0x51: {  	[tilespmem:s22+$0x0] =	vst.add.f32.msk $0xffff, v1  }
0x52: {  	[tilespmem:s22+$0xFFFFFFE0] =	vst.add.f32.msk $0xffff, v2  }
0x53: {  	s24 =	simm.s32 $0x60;
	s23 =	simm.s32 $0x0;
	[tilespmem:s22+$0xFFFFFFF0] =	vst.add.f32.msk $0xffff, v3  }
.LBB2_2:
0x54: {  	v1 =	vld [tilespmem:s24+$0x10];
	s23 =	sadd.s32 $0x40, s23;
	v2 =	vmov v0  }
0x55: {  	v3 =	vld [tilespmem:s24+$0xFFFFFFF0];
	p0 =	slt.u32 s23, $0x1FC0  }
0x56: {  	v4 =	vld [tilespmem:s24+$0x0]  }
.Ltmp0:
0x57: {  	v0 =	vld [tilespmem:s24+$0xFFFFFFE0];
	(pc) =	sbr.rel @p0 .LBB2_2-.Ltmp0, $4  }
0x58: {  	[tilespmem:s22+$0xFFFFFFD0] =	vst.add.f32.msk $0xffff, v2;
	s22 =	sadd.s32 $0x40, s22  }
0x59: {  	[tilespmem:s22+$0x0] =	vst.add.f32.msk $0xffff, v1  }
0x5a: {  	[tilespmem:s22+$0xFFFFFFE0] =	vst.add.f32.msk $0xffff, v3  }
0x5b: {  	s24 =	sadd.s32 $0x40, s24;
	[tilespmem:s22+$0xFFFFFFF0] =	vst.add.f32.msk $0xffff, v4  }
0x5c: {  	[tilespmem:s22+$0xFFFFFFD0] =	vst.add.f32.msk $0xffff, v0  }
0x5d: {  	[hbm4b:s30+s1] =	stream.linear.scatter [tilespmem:s9], [sflag:$0x5], $0x2000, $0x38;
	[tilespmem:$0x18000] =	vst v63  }
0x5e: {  	s22 =	rddreg [dreg:$0x5]  }
0x5f: {  	[tilespmem:s13], [sflag:$0x4] =	stream.linear.gather [hbm4b:s22+s1], $0x2000, $0x38;
	[tilespmem:$0x18000] =	vst v63  }
0x60: {  	_ =	swait.ge [sflag:s14], $0x2000  }
0x61: {  	s26 =	simm.s32 $0x0;
	[sflag:s14] =	ssyncset.done $0x0  }
0x62: {  	s22 =	sand.u32 $0x1FC0, s26;
	[sflag:s14] =	ssyncadd.s32 $0xFFFFE000  }
0x63: {  	s24 =	simm.s32 $0x2030;
	v1 =	vld [tilespmem:s22+$0x2000]  }
0x64: {  	v2 =	vld [tilespmem:s24+$0xFFFFFFE0]  }
0x65: {  	s23 =	simm.s32 $0x2070;
	v3 =	vld [tilespmem:s24+$0xFFFFFFF0]  }
0x66: {  	v0 =	vld [tilespmem:s23+$0xFFFFFFE0]  }
0x67: {  	s22 =	simm.s32 $0x12000;
	v4 =	vld [tilespmem:s24+$0x0]  }
0x68: {  	[tilespmem:s22+$0x0] =	vst.add.f32.msk $0xffff, v1  }
0x69: {  	s24 =	simm.s32 $0x40;
	[tilespmem:s22+$0x10] =	vst.add.f32.msk $0xffff, v2  }
0x6a: {  	s25 =	sand.u32 $0x1FC0, s24;
	[tilespmem:s22+$0x20] =	vst.add.f32.msk $0xffff, v3  }
0x6b: {  	v2 =	vld [tilespmem:s25+$0x2000]  }
0x6c: {  	[tilespmem:s22+$0x30] =	vst.add.f32.msk $0xffff, v4  }
0x6d: {  	v1 =	vld [tilespmem:s23+$0xFFFFFFF0];
	s25 =	simm.s32 $0x20B0  }
.LBB2_4:
0x6e: {  	v3 =	vld [tilespmem:s25+$0xFFFFFFE0]  }
0x6f: {  	s22 =	sadd.s32 $0x40, s22;
	s24 =	sadd.s32 $0x40, s24;
	v4 =	vld [tilespmem:s23+$0x0];
	s23 =	smov.u32 s25  }
0x70: {  	p0 =	slt.u32 s24, $0x1FC0;
	[tilespmem:s22+$0x0] =	vst.add.f32.msk $0xffff, v2  }
.Ltmp1:
0x71: {  	[tilespmem:s22+$0x10] =	vst.add.f32.msk $0xffff, v0;
	(pc) =	sbr.rel @p0 .LBB2_4-.Ltmp1, $4  }
0x72: {  	s26 =	sand.u32 $0x1FC0, s24;
	[tilespmem:s22+$0x20] =	vst.add.f32.msk $0xffff, v1  }
0x73: {  	v2 =	vld [tilespmem:s26+$0x2000];
	v0 =	vmov v3  }
0x74: {  	[tilespmem:s22+$0x30] =	vst.add.f32.msk $0xffff, v4  }
0x75: {  	s25 =	sadd.s32 $0x40, s25;
	v1 =	vld [tilespmem:s23+$0xFFFFFFF0]  }
0x76: {  	v3 =	vld [tilespmem:s23+$0x0]  }
0x77: {  	s22 =	sadd.s32 $0x40, s22  }
0x78: {  	[tilespmem:s22+$0x10] =	vst.add.f32.msk $0xffff, v0  }
0x79: {  	[tilespmem:s22+$0x0] =	vst.add.f32.msk $0xffff, v2  }
0x7a: {  	[tilespmem:s22+$0x20] =	vst.add.f32.msk $0xffff, v1  }
0x7b: {  	[tilespmem:s22+$0x30] =	vst.add.f32.msk $0xffff, v3  }
0x7c: {  	s26 =	simm.s32 $0x0;
	s24 =	rddreg [dreg:$0x6]  }
0x7d: {  	[hbm4b:s24+s26] =	stream.linear.scatter [tilespmem:s10], [sflag:$0x6], $0x2000, $0x38;
	[tilespmem:$0x18000] =	vst v63  }
0x7e: {  	_ =	swait.ge [sflag:s15], $0x2000  }
0x7f: {  	[sflag:s15] =	ssyncset.done $0x0  }
0x80: {  	s25 =	rddreg [dreg:$0x7];
	[sflag:s15] =	ssyncadd.s32 $0xFFFFE000  }
0x81: {  	[tilespmem:s9], [sflag:$0x1] =	stream.linear.gather [hbm4b:s25+s26], $0x2000, $0x38;
	[tilespmem:$0x18000] =	vst v63  }
0x82: {  	_ =	swait.ge [sflag:s16], $0x2000  }
0x83: {  	s26 =	simm.s32 $0x0;
	[sflag:s16] =	ssyncset.done $0x0  }
0x84: {  	s22 =	sand.u32 $0x1FC0, s26;
	[sflag:s16] =	ssyncadd.s32 $0xFFFFE000  }
0x85: {  	s23 =	simm.s32 $0x40;
	v0 =	vld [tilespmem:s22+$0x4000]  }
0x86: {  	s24 =	sand.u32 $0x1FC0, s23  }
0x87: {  	s22 =	simm.s32 $0x0;
	v3 =	vld [tilespmem:s24+$0x4000]  }
0x88: {  	v1 =	vld [tilespmem:s22+$0x4010]  }
0x89: {  	v2 =	vld [tilespmem:s22+$0x4020]  }
0x8a: {  	[tilespmem:s22+$0x14000] =	vst.add.f32.msk $0xffff, v0  }
0x8b: {  	v0 =	vld [tilespmem:s22+$0x4030]  }
0x8c: {  	s24 =	simm.s32 $0x40  }
0x8d: {  	[tilespmem:s24+$0x14000] =	vst.add.f32.msk $0xffff, v3  }
0x8e: {  	[tilespmem:s22+$0x14010] =	vst.add.f32.msk $0xffff, v1  }
0x8f: {  	s25 =	simm.s32 $0x100;
	[tilespmem:s22+$0x14020] =	vst.add.f32.msk $0xffff, v2  }
.LBB2_6:
0x90: {  	s23 =	sadd.s32 $0x40, s23;
	v1 =	vld [tilespmem:s24+$0x4010];
	v2 =	vmov v0  }
0x91: {  	s26 =	sand.u32 $0x1FC0, s23;
	p0 =	slt.u32 s23, $0x1FC0;
	v3 =	vld [tilespmem:s24+$0x4020]  }
0x92: {  	v4 =	vld [tilespmem:s26+$0x4000]  }
.Ltmp2:
0x93: {  	v0 =	vld [tilespmem:s24+$0x4030];
	(pc) =	sbr.rel @p0 .LBB2_6-.Ltmp2, $4  }
0x94: {  	[tilespmem:s22+$0x14030] =	vst.add.f32.msk $0xffff, v2;
	s22 =	smov.u32 s24  }
0x95: {  	s25 =	sadd.s32 $0x100, s25;
	[tilespmem:s22+$0x14010] =	vst.add.f32.msk $0xffff, v1  }
0x96: {  	s24 =	sshra.s32 s25, $0x2;
	[tilespmem:s22+$0x14020] =	vst.add.f32.msk $0xffff, v3  }
0x97: {  	[tilespmem:s24+$0x14000] =	vst.add.f32.msk $0xffff, v4  }
0x98: {  	v1 =	vld [tilespmem:s24+$0x4010]  }
0x99: {  	v2 =	vld [tilespmem:s24+$0x4020]  }
0x9a: {  	v3 =	vld [tilespmem:s24+$0x4030];
	_ =	sdelay $0x1  }
0x9b: {  	[tilespmem:s22+$0x14030] =	vst.add.f32.msk $0xffff, v0  }
0x9c: {  	[tilespmem:s24+$0x14010] =	vst.add.f32.msk $0xffff, v1  }
0x9d: {  	[tilespmem:s24+$0x14020] =	vst.add.f32.msk $0xffff, v2  }
0x9e: {  	[tilespmem:s24+$0x14030] =	vst.add.f32.msk $0xffff, v3  }
0x9f: {  	s26 =	simm.s32 $0x0;
	s23 =	rddreg [dreg:$0x8]  }
0xa0: {  	[hbm4b:s23+s26] =	stream.linear.scatter [tilespmem:s11], [sflag:$0x7], $0x2000, $0x38;
	[tilespmem:$0x18000] =	vst v63  }
0xa1: {  	_ =	swait.ge [sflag:s17], $0x2000  }
0xa2: {  	[sflag:s17] =	ssyncset.done $0x0  }
0xa3: {  	s24 =	rddreg [dreg:$0x9];
	[sflag:s17] =	ssyncadd.s32 $0xFFFFE000  }
0xa4: {  	[tilespmem:s10], [sflag:$0x2] =	stream.linear.gather [hbm4b:s24+s26], $0x2000, $0x38;
	[tilespmem:$0x18000] =	vst v63  }
0xa5: {  	_ =	swait.ge [sflag:s18], $0x2000  }
0xa6: {  	s25 =	simm.s32 $0x0;
	[sflag:s18] =	ssyncset.done $0x0  }
0xa7: {  	s22 =	sand.u32 $0x1FC0, s25;
	[sflag:s18] =	ssyncadd.s32 $0xFFFFE000  }
0xa8: {  	s23 =	simm.s32 $0x40;
	v0 =	vld [tilespmem:s22+$0x6000]  }
0xa9: {  	s26 =	sand.u32 $0x1FC0, s23  }
0xaa: {  	s22 =	simm.s32 $0x0;
	v3 =	vld [tilespmem:s26+$0x6000]  }
0xab: {  	v1 =	vld [tilespmem:s22+$0x6010]  }
0xac: {  	v2 =	vld [tilespmem:s22+$0x6020]  }
0xad: {  	[tilespmem:s22+$0x16000] =	vst.add.f32.msk $0xffff, v0  }
0xae: {  	v0 =	vld [tilespmem:s22+$0x6030]  }
0xaf: {  	s24 =	simm.s32 $0x40  }
0xb0: {  	[tilespmem:s24+$0x16000] =	vst.add.f32.msk $0xffff, v3  }
0xb1: {  	[tilespmem:s22+$0x16010] =	vst.add.f32.msk $0xffff, v1  }
0xb2: {  	s25 =	simm.s32 $0x100;
	[tilespmem:s22+$0x16020] =	vst.add.f32.msk $0xffff, v2  }
.LBB2_8:
0xb3: {  	s23 =	sadd.s32 $0x40, s23;
	v1 =	vld [tilespmem:s24+$0x6010];
	v2 =	vmov v0  }
0xb4: {  	s26 =	sand.u32 $0x1FC0, s23;
	p0 =	slt.u32 s23, $0x1FC0;
	v3 =	vld [tilespmem:s24+$0x6020]  }
0xb5: {  	v4 =	vld [tilespmem:s26+$0x6000]  }
.Ltmp3:
0xb6: {  	v0 =	vld [tilespmem:s24+$0x6030];
	(pc) =	sbr.rel @p0 .LBB2_8-.Ltmp3, $4  }
0xb7: {  	[tilespmem:s22+$0x16030] =	vst.add.f32.msk $0xffff, v2;
	s22 =	smov.u32 s24  }
0xb8: {  	s25 =	sadd.s32 $0x100, s25;
	[tilespmem:s22+$0x16010] =	vst.add.f32.msk $0xffff, v1  }
0xb9: {  	s24 =	sshra.s32 s25, $0x2;
	[tilespmem:s22+$0x16020] =	vst.add.f32.msk $0xffff, v3  }
0xba: {  	[tilespmem:s24+$0x16000] =	vst.add.f32.msk $0xffff, v4  }
0xbb: {  	v1 =	vld [tilespmem:s24+$0x6010]  }
0xbc: {  	v2 =	vld [tilespmem:s24+$0x6020]  }
0xbd: {  	v3 =	vld [tilespmem:s24+$0x6030];
	_ =	sdelay $0x1  }
0xbe: {  	[tilespmem:s22+$0x16030] =	vst.add.f32.msk $0xffff, v0  }
0xbf: {  	[tilespmem:s24+$0x16010] =	vst.add.f32.msk $0xffff, v1  }
0xc0: {  	[tilespmem:s24+$0x16020] =	vst.add.f32.msk $0xffff, v2  }
0xc1: {  	[tilespmem:s24+$0x16030] =	vst.add.f32.msk $0xffff, v3  }
0xc2: {  	s26 =	simm.s32 $0x0;
	s23 =	rddreg [dreg:$0xa]  }
0xc3: {  	[hbm4b:s23+s26] =	stream.linear.scatter [tilespmem:s13], [sflag:$0x8], $0x2000, $0x38;
	[tilespmem:$0x18000] =	vst v63  }
0xc4: {  	_ =	swait.ge [sflag:s19], $0x2000  }
0xc5: {  	[sflag:s19] =	ssyncset.done $0x0  }
0xc6: {  	s24 =	rddreg [dreg:$0xb];
	[sflag:s19] =	ssyncadd.s32 $0xFFFFE000  }
0xc7: {  	[tilespmem:s11], [sflag:$0x3] =	stream.linear.gather [hbm4b:s24+s26], $0x2000, $0x38;
	[tilespmem:$0x18000] =	vst v63  }
0xc8: {  	_ =	swait.ge [sflag:s12], $0x2000  }
0xc9: {  	s25 =	simm.s32 $0x0;
	[sflag:s12] =	ssyncset.done $0x0  }
0xca: {  	s22 =	sand.u32 $0x1FC0, s25;
	[sflag:s12] =	ssyncadd.s32 $0xFFFFE000  }
0xcb: {  	s23 =	simm.s32 $0x40;
	v0 =	vld [tilespmem:s22+$0x8000]  }
0xcc: {  	s26 =	sand.u32 $0x1FC0, s23  }
0xcd: {  	s22 =	simm.s32 $0x0;
	v3 =	vld [tilespmem:s26+$0x8000]  }
0xce: {  	v1 =	vld [tilespmem:s22+$0x8010]  }
0xcf: {  	v2 =	vld [tilespmem:s22+$0x8020]  }
0xd0: {  	[tilespmem:s22+$0x10000] =	vst.add.f32.msk $0xffff, v0  }
0xd1: {  	v0 =	vld [tilespmem:s22+$0x8030]  }
0xd2: {  	s24 =	simm.s32 $0x40  }
0xd3: {  	[tilespmem:s24+$0x10000] =	vst.add.f32.msk $0xffff, v3  }
0xd4: {  	[tilespmem:s22+$0x10010] =	vst.add.f32.msk $0xffff, v1  }
0xd5: {  	s25 =	simm.s32 $0x100;
	[tilespmem:s22+$0x10020] =	vst.add.f32.msk $0xffff, v2  }
.LBB2_10:
0xd6: {  	s23 =	sadd.s32 $0x40, s23;
	v1 =	vld [tilespmem:s24+$0x8010];
	v2 =	vmov v0  }
0xd7: {  	s26 =	sand.u32 $0x1FC0, s23;
	p0 =	slt.u32 s23, $0x1FC0;
	v3 =	vld [tilespmem:s24+$0x8020]  }
0xd8: {  	v4 =	vld [tilespmem:s26+$0x8000]  }
.Ltmp4:
0xd9: {  	v0 =	vld [tilespmem:s24+$0x8030];
	(pc) =	sbr.rel @p0 .LBB2_10-.Ltmp4, $4  }
0xda: {  	[tilespmem:s22+$0x10030] =	vst.add.f32.msk $0xffff, v2;
	s22 =	smov.u32 s24  }
0xdb: {  	s25 =	sadd.s32 $0x100, s25;
	[tilespmem:s22+$0x10010] =	vst.add.f32.msk $0xffff, v1  }
0xdc: {  	s24 =	sshra.s32 s25, $0x2;
	[tilespmem:s22+$0x10020] =	vst.add.f32.msk $0xffff, v3  }
0xdd: {  	[tilespmem:s24+$0x10000] =	vst.add.f32.msk $0xffff, v4  }
0xde: {  	v1 =	vld [tilespmem:s24+$0x8010]  }
0xdf: {  	v2 =	vld [tilespmem:s24+$0x8020]  }
0xe0: {  	v3 =	vld [tilespmem:s24+$0x8030];
	_ =	sdelay $0x1  }
0xe1: {  	[tilespmem:s22+$0x10030] =	vst.add.f32.msk $0xffff, v0  }
0xe2: {  	[tilespmem:s24+$0x10010] =	vst.add.f32.msk $0xffff, v1  }
0xe3: {  	[tilespmem:s24+$0x10020] =	vst.add.f32.msk $0xffff, v2  }
0xe4: {  	[tilespmem:s24+$0x10030] =	vst.add.f32.msk $0xffff, v3  }
0xe5: {  	s26 =	simm.s32 $0x0;
	s23 =	rddreg [dreg:$0xc]  }
0xe6: {  	[hbm4b:s23+s26] =	stream.linear.scatter [tilespmem:s9], [sflag:$0x5], $0x2000, $0x38;
	[tilespmem:$0x18000] =	vst v63  }
0xe7: {  	_ =	swait.ge [sflag:s20], $0x2000  }
0xe8: {  	[sflag:s20] =	ssyncset.done $0x0  }
0xe9: {  	s24 =	rddreg [dreg:$0xd];
	[sflag:s20] =	ssyncadd.s32 $0xFFFFE000  }
0xea: {  	[tilespmem:s13], [sflag:$0x4] =	stream.linear.gather [hbm4b:s24+s26], $0x2000, $0x38;
	[tilespmem:$0x18000] =	vst v63  }
0xeb: {  	_ =	swait.ge [sflag:s14], $0x2000  }
0xec: {  	s25 =	simm.s32 $0x0;
	[sflag:s14] =	ssyncset.done $0x0  }
0xed: {  	s22 =	sand.u32 $0x1FC0, s25;
	[sflag:s14] =	ssyncadd.s32 $0xFFFFE000  }
0xee: {  	s23 =	simm.s32 $0x40;
	v0 =	vld [tilespmem:s22+$0xA000]  }
0xef: {  	s26 =	sand.u32 $0x1FC0, s23  }
0xf0: {  	s22 =	simm.s32 $0x0;
	v3 =	vld [tilespmem:s26+$0xA000]  }
0xf1: {  	v1 =	vld [tilespmem:s22+$0xA010]  }
0xf2: {  	v2 =	vld [tilespmem:s22+$0xA020]  }
0xf3: {  	[tilespmem:s22+$0x12000] =	vst.add.f32.msk $0xffff, v0  }
0xf4: {  	v0 =	vld [tilespmem:s22+$0xA030]  }
0xf5: {  	s24 =	simm.s32 $0x40  }
0xf6: {  	[tilespmem:s24+$0x12000] =	vst.add.f32.msk $0xffff, v3  }
0xf7: {  	[tilespmem:s22+$0x12010] =	vst.add.f32.msk $0xffff, v1  }
0xf8: {  	s25 =	simm.s32 $0x100;
	[tilespmem:s22+$0x12020] =	vst.add.f32.msk $0xffff, v2  }
.LBB2_12:
0xf9: {  	s23 =	sadd.s32 $0x40, s23;
	v1 =	vld [tilespmem:s24+$0xA010];
	v2 =	vmov v0  }
0xfa: {  	s26 =	sand.u32 $0x1FC0, s23;
	p0 =	slt.u32 s23, $0x1FC0;
	v3 =	vld [tilespmem:s24+$0xA020]  }
0xfb: {  	v4 =	vld [tilespmem:s26+$0xA000]  }
.Ltmp5:
0xfc: {  	v0 =	vld [tilespmem:s24+$0xA030];
	(pc) =	sbr.rel @p0 .LBB2_12-.Ltmp5, $4  }
0xfd: {  	[tilespmem:s22+$0x12030] =	vst.add.f32.msk $0xffff, v2;
	s22 =	smov.u32 s24  }
0xfe: {  	s25 =	sadd.s32 $0x100, s25;
	[tilespmem:s22+$0x12010] =	vst.add.f32.msk $0xffff, v1  }
0xff: {  	s24 =	sshra.s32 s25, $0x2;
	[tilespmem:s22+$0x12020] =	vst.add.f32.msk $0xffff, v3  }
0x100: {  	[tilespmem:s24+$0x12000] =	vst.add.f32.msk $0xffff, v4  }
0x101: {  	v1 =	vld [tilespmem:s24+$0xA010]  }
0x102: {  	v2 =	vld [tilespmem:s24+$0xA020]  }
0x103: {  	v3 =	vld [tilespmem:s24+$0xA030];
	_ =	sdelay $0x1  }
0x104: {  	[tilespmem:s22+$0x12030] =	vst.add.f32.msk $0xffff, v0  }
0x105: {  	[tilespmem:s24+$0x12010] =	vst.add.f32.msk $0xffff, v1  }
0x106: {  	[tilespmem:s24+$0x12020] =	vst.add.f32.msk $0xffff, v2  }
0x107: {  	[tilespmem:s24+$0x12030] =	vst.add.f32.msk $0xffff, v3  }
0x108: {  	s26 =	simm.s32 $0x0;
	s23 =	rddreg [dreg:$0xe]  }
0x109: {  	[hbm4b:s23+s26] =	stream.linear.scatter [tilespmem:s10], [sflag:$0x6], $0x2000, $0x38;
	[tilespmem:$0x18000] =	vst v63  }
0x10a: {  	_ =	swait.ge [sflag:s15], $0x2000  }
0x10b: {  	[sflag:s15] =	ssyncset.done $0x0  }
0x10c: {  	s24 =	rddreg [dreg:$0xf];
	[sflag:s15] =	ssyncadd.s32 $0xFFFFE000  }
0x10d: {  	[tilespmem:s9], [sflag:$0x1] =	stream.linear.gather [hbm4b:s24+s26], $0x2000, $0x38;
	[tilespmem:$0x18000] =	vst v63  }
0x10e: {  	_ =	swait.ge [sflag:s16], $0x2000  }
0x10f: {  	s25 =	simm.s32 $0x0;
	[sflag:s16] =	ssyncset.done $0x0  }
0x110: {  	s22 =	sand.u32 $0x1FC0, s25;
	[sflag:s16] =	ssyncadd.s32 $0xFFFFE000  }
0x111: {  	s23 =	simm.s32 $0x40;
	v0 =	vld [tilespmem:s22+$0xC000]  }
0x112: {  	s26 =	sand.u32 $0x1FC0, s23  }
0x113: {  	s22 =	simm.s32 $0x0;
	v3 =	vld [tilespmem:s26+$0xC000]  }
0x114: {  	v1 =	vld [tilespmem:s22+$0xC010]  }
0x115: {  	v2 =	vld [tilespmem:s22+$0xC020]  }
0x116: {  	[tilespmem:s22+$0x14000] =	vst.add.f32.msk $0xffff, v0  }
0x117: {  	v0 =	vld [tilespmem:s22+$0xC030]  }
0x118: {  	s24 =	simm.s32 $0x40  }
0x119: {  	[tilespmem:s24+$0x14000] =	vst.add.f32.msk $0xffff, v3  }
0x11a: {  	[tilespmem:s22+$0x14010] =	vst.add.f32.msk $0xffff, v1  }
0x11b: {  	s25 =	simm.s32 $0x100;
	[tilespmem:s22+$0x14020] =	vst.add.f32.msk $0xffff, v2  }
.LBB2_14:
0x11c: {  	s23 =	sadd.s32 $0x40, s23;
	v1 =	vld [tilespmem:s24+$0xC010];
	v2 =	vmov v0  }
0x11d: {  	s26 =	sand.u32 $0x1FC0, s23;
	p0 =	slt.u32 s23, $0x1FC0;
	v3 =	vld [tilespmem:s24+$0xC020]  }
0x11e: {  	v4 =	vld [tilespmem:s26+$0xC000]  }
.Ltmp6:
0x11f: {  	v0 =	vld [tilespmem:s24+$0xC030];
	(pc) =	sbr.rel @p0 .LBB2_14-.Ltmp6, $4  }
0x120: {  	[tilespmem:s22+$0x14030] =	vst.add.f32.msk $0xffff, v2;
	s22 =	smov.u32 s24  }
0x121: {  	s25 =	sadd.s32 $0x100, s25;
	[tilespmem:s22+$0x14010] =	vst.add.f32.msk $0xffff, v1  }
0x122: {  	s24 =	sshra.s32 s25, $0x2;
	[tilespmem:s22+$0x14020] =	vst.add.f32.msk $0xffff, v3  }
0x123: {  	[tilespmem:s24+$0x14000] =	vst.add.f32.msk $0xffff, v4  }
0x124: {  	v1 =	vld [tilespmem:s24+$0xC010]  }
0x125: {  	v2 =	vld [tilespmem:s24+$0xC020]  }
0x126: {  	v3 =	vld [tilespmem:s24+$0xC030];
	_ =	sdelay $0x1  }
0x127: {  	[tilespmem:s22+$0x14030] =	vst.add.f32.msk $0xffff, v0  }
0x128: {  	[tilespmem:s24+$0x14010] =	vst.add.f32.msk $0xffff, v1  }
0x129: {  	[tilespmem:s24+$0x14020] =	vst.add.f32.msk $0xffff, v2  }
0x12a: {  	[tilespmem:s24+$0x14030] =	vst.add.f32.msk $0xffff, v3  }
0x12b: {  	s26 =	simm.s32 $0x0;
	s23 =	rddreg [dreg:$0x10]  }
0x12c: {  	[hbm4b:s23+s26] =	stream.linear.scatter [tilespmem:s11], [sflag:$0x7], $0x2000, $0x38;
	[tilespmem:$0x18000] =	vst v63  }
0x12d: {  	_ =	swait.ge [sflag:s17], $0x2000  }
0x12e: {  	[sflag:s17] =	ssyncset.done $0x0  }
0x12f: {  	s24 =	rddreg [dreg:$0x11];
	[sflag:s17] =	ssyncadd.s32 $0xFFFFE000  }
0x130: {  	[tilespmem:s10], [sflag:$0x2] =	stream.linear.gather [hbm4b:s24+s26], $0x2000, $0x38;
	[tilespmem:$0x18000] =	vst v63  }
0x131: {  	_ =	swait.ge [sflag:s18], $0x2000  }
0x132: {  	s25 =	simm.s32 $0x0;
	[sflag:s18] =	ssyncset.done $0x0  }
0x133: {  	s22 =	sand.u32 $0x1FC0, s25;
	[sflag:s18] =	ssyncadd.s32 $0xFFFFE000  }
0x134: {  	s23 =	simm.s32 $0x40;
	v0 =	vld [tilespmem:s22+$0xE000]  }
0x135: {  	s26 =	sand.u32 $0x1FC0, s23  }
0x136: {  	s22 =	simm.s32 $0x0;
	v3 =	vld [tilespmem:s26+$0xE000]  }
0x137: {  	v1 =	vld [tilespmem:s22+$0xE010]  }
0x138: {  	v2 =	vld [tilespmem:s22+$0xE020]  }
0x139: {  	[tilespmem:s22+$0x16000] =	vst.add.f32.msk $0xffff, v0  }
0x13a: {  	v0 =	vld [tilespmem:s22+$0xE030]  }
0x13b: {  	s24 =	simm.s32 $0x40  }
0x13c: {  	[tilespmem:s24+$0x16000] =	vst.add.f32.msk $0xffff, v3  }
0x13d: {  	[tilespmem:s22+$0x16010] =	vst.add.f32.msk $0xffff, v1  }
0x13e: {  	s25 =	simm.s32 $0x100;
	[tilespmem:s22+$0x16020] =	vst.add.f32.msk $0xffff, v2  }
.LBB2_16:
0x13f: {  	s23 =	sadd.s32 $0x40, s23;
	v1 =	vld [tilespmem:s24+$0xE010];
	v2 =	vmov v0  }
0x140: {  	s26 =	sand.u32 $0x1FC0, s23;
	p0 =	slt.u32 s23, $0x1FC0;
	v3 =	vld [tilespmem:s24+$0xE020]  }
0x141: {  	v4 =	vld [tilespmem:s26+$0xE000]  }
.Ltmp7:
0x142: {  	v0 =	vld [tilespmem:s24+$0xE030];
	(pc) =	sbr.rel @p0 .LBB2_16-.Ltmp7, $4  }
0x143: {  	[tilespmem:s22+$0x16030] =	vst.add.f32.msk $0xffff, v2;
	s22 =	smov.u32 s24  }
0x144: {  	s25 =	sadd.s32 $0x100, s25;
	[tilespmem:s22+$0x16010] =	vst.add.f32.msk $0xffff, v1  }
0x145: {  	s24 =	sshra.s32 s25, $0x2;
	[tilespmem:s22+$0x16020] =	vst.add.f32.msk $0xffff, v3  }
0x146: {  	[tilespmem:s24+$0x16000] =	vst.add.f32.msk $0xffff, v4  }
0x147: {  	v1 =	vld [tilespmem:s24+$0xE010]  }
0x148: {  	v2 =	vld [tilespmem:s24+$0xE020]  }
0x149: {  	v3 =	vld [tilespmem:s24+$0xE030];
	_ =	sdelay $0x1  }
0x14a: {  	[tilespmem:s22+$0x16030] =	vst.add.f32.msk $0xffff, v0  }
0x14b: {  	[tilespmem:s24+$0x16010] =	vst.add.f32.msk $0xffff, v1  }
0x14c: {  	[tilespmem:s24+$0x16020] =	vst.add.f32.msk $0xffff, v2  }
0x14d: {  	[tilespmem:s24+$0x16030] =	vst.add.f32.msk $0xffff, v3  }
0x14e: {  	s22 =	rddreg [dreg:$0x12]  }
0x14f: {  	[hbm4b:s22+s1] =	stream.linear.scatter [tilespmem:s13], [sflag:$0x8], $0x2000, $0x38;
	[tilespmem:$0x18000] =	vst v63  }
0x150: {  	_ =	swait.ge [sflag:s19], $0x2000  }
0x151: {  	[sflag:s19] =	ssyncset.done $0x0  }
0x152: {  	s26 =	rddreg [dreg:$0x15];
	[sflag:s19] =	ssyncadd.s32 $0xFFFFE000  }
0x153: {  	[tilespmem:s11], [sflag:$0x3] =	stream.linear.gather [hbm4b:s26+s1], $0x2000, $0x38;
	[tilespmem:$0x18000] =	vst v63  }
0x154: {  	_ =	swait.ge [sflag:s12], $0x2000  }
0x155: {  	[sflag:s12] =	ssyncset.done $0x0  }
0x156: {  	s23 =	simm.s32 $0x20;
	[sflag:s12] =	ssyncadd.s32 $0xFFFFE000  }
0x157: {  	v1 =	vld [tilespmem:s23+$0x10]  }
0x158: {  	v2 =	vld [tilespmem:s23+$0xFFFFFFF0]  }
0x159: {  	v3 =	vld [tilespmem:s23+$0x0]  }
0x15a: {  	v0 =	vld [tilespmem:s23+$0xFFFFFFE0]  }
0x15b: {  	s22 =	simm.s32 $0x10030  }
0x15c: {  	[tilespmem:s22+$0x0] =	vst.add.f32.msk $0xffff, v1  }
0x15d: {  	[tilespmem:s22+$0xFFFFFFE0] =	vst.add.f32.msk $0xffff, v2  }
0x15e: {  	s24 =	simm.s32 $0x60;
	s23 =	simm.s32 $0x0;
	[tilespmem:s22+$0xFFFFFFF0] =	vst.add.f32.msk $0xffff, v3  }
.LBB2_18:
0x15f: {  	v1 =	vld [tilespmem:s24+$0x10];
	s23 =	sadd.s32 $0x40, s23;
	v2 =	vmov v0  }
0x160: {  	v3 =	vld [tilespmem:s24+$0xFFFFFFF0];
	p0 =	slt.u32 s23, $0x1FC0  }
0x161: {  	v4 =	vld [tilespmem:s24+$0x0]  }
.Ltmp8:
0x162: {  	v0 =	vld [tilespmem:s24+$0xFFFFFFE0];
	(pc) =	sbr.rel @p0 .LBB2_18-.Ltmp8, $4  }
0x163: {  	[tilespmem:s22+$0xFFFFFFD0] =	vst.add.f32.msk $0xffff, v2;
	s22 =	sadd.s32 $0x40, s22  }
0x164: {  	[tilespmem:s22+$0x0] =	vst.add.f32.msk $0xffff, v1  }
0x165: {  	[tilespmem:s22+$0xFFFFFFE0] =	vst.add.f32.msk $0xffff, v3  }
0x166: {  	s24 =	sadd.s32 $0x40, s24;
	[tilespmem:s22+$0xFFFFFFF0] =	vst.add.f32.msk $0xffff, v4  }
0x167: {  	[tilespmem:s22+$0xFFFFFFD0] =	vst.add.f32.msk $0xffff, v0  }
0x168: {  	s22 =	rddreg [dreg:$0x13]  }
0x169: {  	[hbm4b:s22+s1] =	stream.linear.scatter [tilespmem:s9], [sflag:$0x5], $0x2000, $0x38;
	[tilespmem:$0x18000] =	vst v63  }
0x16a: {  	_ =	swait.ge [sflag:s20], $0x2000  }
0x16b: {  	[sflag:s20] =	ssyncset.done $0x0  }
0x16c: {  	s25 =	rddreg [dreg:$0x17];
	[sflag:s20] =	ssyncadd.s32 $0xFFFFE000  }
0x16d: {  	[tilespmem:s13], [sflag:$0x4] =	stream.linear.gather [hbm4b:s25+s1], $0x2000, $0x38;
	[tilespmem:$0x18000] =	vst v63  }
0x16e: {  	_ =	swait.ge [sflag:s14], $0x2000  }
0x16f: {  	s26 =	simm.s32 $0x0;
	[sflag:s14] =	ssyncset.done $0x0  }
0x170: {  	s22 =	sand.u32 $0x1FC0, s26;
	[sflag:s14] =	ssyncadd.s32 $0xFFFFE000  }
0x171: {  	s24 =	simm.s32 $0x2030;
	v1 =	vld [tilespmem:s22+$0x2000]  }
0x172: {  	v2 =	vld [tilespmem:s24+$0xFFFFFFE0]  }
0x173: {  	s23 =	simm.s32 $0x2070;
	v3 =	vld [tilespmem:s24+$0xFFFFFFF0]  }
0x174: {  	v0 =	vld [tilespmem:s23+$0xFFFFFFE0]  }
0x175: {  	s22 =	simm.s32 $0x12000;
	v4 =	vld [tilespmem:s24+$0x0]  }
0x176: {  	[tilespmem:s22+$0x0] =	vst.add.f32.msk $0xffff, v1  }
0x177: {  	s24 =	simm.s32 $0x40;
	[tilespmem:s22+$0x10] =	vst.add.f32.msk $0xffff, v2  }
0x178: {  	s25 =	sand.u32 $0x1FC0, s24;
	[tilespmem:s22+$0x20] =	vst.add.f32.msk $0xffff, v3  }
0x179: {  	v2 =	vld [tilespmem:s25+$0x2000]  }
0x17a: {  	[tilespmem:s22+$0x30] =	vst.add.f32.msk $0xffff, v4  }
0x17b: {  	v1 =	vld [tilespmem:s23+$0xFFFFFFF0];
	s25 =	simm.s32 $0x20B0  }
.LBB2_20:
0x17c: {  	v3 =	vld [tilespmem:s25+$0xFFFFFFE0]  }
0x17d: {  	s22 =	sadd.s32 $0x40, s22;
	s24 =	sadd.s32 $0x40, s24;
	v4 =	vld [tilespmem:s23+$0x0];
	s23 =	smov.u32 s25  }
0x17e: {  	p0 =	slt.u32 s24, $0x1FC0;
	[tilespmem:s22+$0x0] =	vst.add.f32.msk $0xffff, v2  }
.Ltmp9:
0x17f: {  	[tilespmem:s22+$0x10] =	vst.add.f32.msk $0xffff, v0;
	(pc) =	sbr.rel @p0 .LBB2_20-.Ltmp9, $4  }
0x180: {  	s26 =	sand.u32 $0x1FC0, s24;
	[tilespmem:s22+$0x20] =	vst.add.f32.msk $0xffff, v1  }
0x181: {  	v2 =	vld [tilespmem:s26+$0x2000];
	v0 =	vmov v3  }
0x182: {  	[tilespmem:s22+$0x30] =	vst.add.f32.msk $0xffff, v4  }
0x183: {  	s25 =	sadd.s32 $0x40, s25;
	v1 =	vld [tilespmem:s23+$0xFFFFFFF0]  }
0x184: {  	v3 =	vld [tilespmem:s23+$0x0]  }
0x185: {  	s22 =	sadd.s32 $0x40, s22  }
0x186: {  	[tilespmem:s22+$0x10] =	vst.add.f32.msk $0xffff, v0  }
0x187: {  	[tilespmem:s22+$0x0] =	vst.add.f32.msk $0xffff, v2  }
0x188: {  	[tilespmem:s22+$0x20] =	vst.add.f32.msk $0xffff, v1  }
0x189: {  	[tilespmem:s22+$0x30] =	vst.add.f32.msk $0xffff, v3  }
0x18a: {  	s26 =	simm.s32 $0x0;
	s24 =	rddreg [dreg:$0x14]  }
0x18b: {  	[hbm4b:s24+s26] =	stream.linear.scatter [tilespmem:s10], [sflag:$0x6], $0x2000, $0x38;
	[tilespmem:$0x18000] =	vst v63  }
0x18c: {  	_ =	swait.ge [sflag:s15], $0x2000  }
0x18d: {  	[sflag:s15] =	ssyncset.done $0x0  }
0x18e: {  	s25 =	rddreg [dreg:$0x19];
	[sflag:s15] =	ssyncadd.s32 $0xFFFFE000  }
0x18f: {  	[tilespmem:s9], [sflag:$0x1] =	stream.linear.gather [hbm4b:s25+s26], $0x2000, $0x38;
	[tilespmem:$0x18000] =	vst v63  }
0x190: {  	_ =	swait.ge [sflag:s16], $0x2000  }
0x191: {  	s26 =	simm.s32 $0x0;
	[sflag:s16] =	ssyncset.done $0x0  }
0x192: {  	s22 =	sand.u32 $0x1FC0, s26;
	[sflag:s16] =	ssyncadd.s32 $0xFFFFE000  }
0x193: {  	s23 =	simm.s32 $0x40;
	v0 =	vld [tilespmem:s22+$0x4000]  }
0x194: {  	s24 =	sand.u32 $0x1FC0, s23  }
0x195: {  	s22 =	simm.s32 $0x0;
	v3 =	vld [tilespmem:s24+$0x4000]  }
0x196: {  	v1 =	vld [tilespmem:s22+$0x4010]  }
0x197: {  	v2 =	vld [tilespmem:s22+$0x4020]  }
0x198: {  	[tilespmem:s22+$0x14000] =	vst.add.f32.msk $0xffff, v0  }
0x199: {  	v0 =	vld [tilespmem:s22+$0x4030]  }
0x19a: {  	s24 =	simm.s32 $0x40  }
0x19b: {  	[tilespmem:s24+$0x14000] =	vst.add.f32.msk $0xffff, v3  }
0x19c: {  	[tilespmem:s22+$0x14010] =	vst.add.f32.msk $0xffff, v1  }
0x19d: {  	s25 =	simm.s32 $0x100;
	[tilespmem:s22+$0x14020] =	vst.add.f32.msk $0xffff, v2  }
.LBB2_22:
0x19e: {  	s23 =	sadd.s32 $0x40, s23;
	v1 =	vld [tilespmem:s24+$0x4010];
	v2 =	vmov v0  }
0x19f: {  	s26 =	sand.u32 $0x1FC0, s23;
	p0 =	slt.u32 s23, $0x1FC0;
	v3 =	vld [tilespmem:s24+$0x4020]  }
0x1a0: {  	v4 =	vld [tilespmem:s26+$0x4000]  }
.Ltmp10:
0x1a1: {  	v0 =	vld [tilespmem:s24+$0x4030];
	(pc) =	sbr.rel @p0 .LBB2_22-.Ltmp10, $4  }
0x1a2: {  	[tilespmem:s22+$0x14030] =	vst.add.f32.msk $0xffff, v2;
	s22 =	smov.u32 s24  }
0x1a3: {  	s25 =	sadd.s32 $0x100, s25;
	[tilespmem:s22+$0x14010] =	vst.add.f32.msk $0xffff, v1  }
0x1a4: {  	s24 =	sshra.s32 s25, $0x2;
	[tilespmem:s22+$0x14020] =	vst.add.f32.msk $0xffff, v3  }
0x1a5: {  	[tilespmem:s24+$0x14000] =	vst.add.f32.msk $0xffff, v4  }
0x1a6: {  	v1 =	vld [tilespmem:s24+$0x4010]  }
0x1a7: {  	v2 =	vld [tilespmem:s24+$0x4020]  }
0x1a8: {  	v3 =	vld [tilespmem:s24+$0x4030];
	_ =	sdelay $0x1  }
0x1a9: {  	[tilespmem:s22+$0x14030] =	vst.add.f32.msk $0xffff, v0  }
0x1aa: {  	[tilespmem:s24+$0x14010] =	vst.add.f32.msk $0xffff, v1  }
0x1ab: {  	[tilespmem:s24+$0x14020] =	vst.add.f32.msk $0xffff, v2  }
0x1ac: {  	[tilespmem:s24+$0x14030] =	vst.add.f32.msk $0xffff, v3  }
0x1ad: {  	s26 =	simm.s32 $0x0;
	s23 =	rddreg [dreg:$0x16]  }
0x1ae: {  	[hbm4b:s23+s26] =	stream.linear.scatter [tilespmem:s11], [sflag:$0x7], $0x2000, $0x38;
	[tilespmem:$0x18000] =	vst v63  }
0x1af: {  	_ =	swait.ge [sflag:s17], $0x2000  }
0x1b0: {  	[sflag:s17] =	ssyncset.done $0x0  }
0x1b1: {  	s24 =	rddreg [dreg:$0x1b];
	[sflag:s17] =	ssyncadd.s32 $0xFFFFE000  }
0x1b2: {  	[tilespmem:s10], [sflag:$0x2] =	stream.linear.gather [hbm4b:s24+s26], $0x2000, $0x38;
	[tilespmem:$0x18000] =	vst v63  }
0x1b3: {  	_ =	swait.ge [sflag:s18], $0x2000  }
0x1b4: {  	s25 =	simm.s32 $0x0;
	[sflag:s18] =	ssyncset.done $0x0  }
0x1b5: {  	s22 =	sand.u32 $0x1FC0, s25;
	[sflag:s18] =	ssyncadd.s32 $0xFFFFE000  }
0x1b6: {  	s23 =	simm.s32 $0x40;
	v0 =	vld [tilespmem:s22+$0x6000]  }
0x1b7: {  	s26 =	sand.u32 $0x1FC0, s23  }
0x1b8: {  	s22 =	simm.s32 $0x0;
	v3 =	vld [tilespmem:s26+$0x6000]  }
0x1b9: {  	v1 =	vld [tilespmem:s22+$0x6010]  }
0x1ba: {  	v2 =	vld [tilespmem:s22+$0x6020]  }
0x1bb: {  	[tilespmem:s22+$0x16000] =	vst.add.f32.msk $0xffff, v0  }
0x1bc: {  	v0 =	vld [tilespmem:s22+$0x6030]  }
0x1bd: {  	s24 =	simm.s32 $0x40  }
0x1be: {  	[tilespmem:s24+$0x16000] =	vst.add.f32.msk $0xffff, v3  }
0x1bf: {  	[tilespmem:s22+$0x16010] =	vst.add.f32.msk $0xffff, v1  }
0x1c0: {  	s25 =	simm.s32 $0x100;
	[tilespmem:s22+$0x16020] =	vst.add.f32.msk $0xffff, v2  }
.LBB2_24:
0x1c1: {  	s23 =	sadd.s32 $0x40, s23;
	v1 =	vld [tilespmem:s24+$0x6010];
	v2 =	vmov v0  }
0x1c2: {  	s26 =	sand.u32 $0x1FC0, s23;
	p0 =	slt.u32 s23, $0x1FC0;
	v3 =	vld [tilespmem:s24+$0x6020]  }
0x1c3: {  	v4 =	vld [tilespmem:s26+$0x6000]  }
.Ltmp11:
0x1c4: {  	v0 =	vld [tilespmem:s24+$0x6030];
	(pc) =	sbr.rel @p0 .LBB2_24-.Ltmp11, $4  }
0x1c5: {  	[tilespmem:s22+$0x16030] =	vst.add.f32.msk $0xffff, v2;
	s22 =	smov.u32 s24  }
0x1c6: {  	s25 =	sadd.s32 $0x100, s25;
	[tilespmem:s22+$0x16010] =	vst.add.f32.msk $0xffff, v1  }
0x1c7: {  	s24 =	sshra.s32 s25, $0x2;
	[tilespmem:s22+$0x16020] =	vst.add.f32.msk $0xffff, v3  }
0x1c8: {  	[tilespmem:s24+$0x16000] =	vst.add.f32.msk $0xffff, v4  }
0x1c9: {  	v1 =	vld [tilespmem:s24+$0x6010]  }
0x1ca: {  	v2 =	vld [tilespmem:s24+$0x6020]  }
0x1cb: {  	v3 =	vld [tilespmem:s24+$0x6030];
	_ =	sdelay $0x1  }
0x1cc: {  	[tilespmem:s22+$0x16030] =	vst.add.f32.msk $0xffff, v0  }
0x1cd: {  	[tilespmem:s24+$0x16010] =	vst.add.f32.msk $0xffff, v1  }
0x1ce: {  	[tilespmem:s24+$0x16020] =	vst.add.f32.msk $0xffff, v2  }
0x1cf: {  	[tilespmem:s24+$0x16030] =	vst.add.f32.msk $0xffff, v3  }
0x1d0: {  	s26 =	simm.s32 $0x0;
	s23 =	rddreg [dreg:$0x18]  }
0x1d1: {  	[hbm4b:s23+s26] =	stream.linear.scatter [tilespmem:s13], [sflag:$0x8], $0x2000, $0x38;
	[tilespmem:$0x18000] =	vst v63  }
0x1d2: {  	_ =	swait.ge [sflag:s19], $0x2000  }
0x1d3: {  	[sflag:s19] =	ssyncset.done $0x0  }
0x1d4: {  	s24 =	rddreg [dreg:$0x1d];
	[sflag:s19] =	ssyncadd.s32 $0xFFFFE000  }
0x1d5: {  	[tilespmem:s11], [sflag:$0x3] =	stream.linear.gather [hbm4b:s24+s26], $0x2000, $0x38;
	[tilespmem:$0x18000] =	vst v63  }
0x1d6: {  	_ =	swait.ge [sflag:s12], $0x2000  }
0x1d7: {  	s25 =	simm.s32 $0x0;
	[sflag:s12] =	ssyncset.done $0x0  }
0x1d8: {  	s22 =	sand.u32 $0x1FC0, s25;
	[sflag:s12] =	ssyncadd.s32 $0xFFFFE000  }
0x1d9: {  	s23 =	simm.s32 $0x40;
	v0 =	vld [tilespmem:s22+$0x8000]  }
0x1da: {  	s26 =	sand.u32 $0x1FC0, s23  }
0x1db: {  	s22 =	simm.s32 $0x0;
	v3 =	vld [tilespmem:s26+$0x8000]  }
0x1dc: {  	v1 =	vld [tilespmem:s22+$0x8010]  }
0x1dd: {  	v2 =	vld [tilespmem:s22+$0x8020]  }
0x1de: {  	[tilespmem:s22+$0x10000] =	vst.add.f32.msk $0xffff, v0  }
0x1df: {  	v0 =	vld [tilespmem:s22+$0x8030]  }
0x1e0: {  	s24 =	simm.s32 $0x40  }
0x1e1: {  	[tilespmem:s24+$0x10000] =	vst.add.f32.msk $0xffff, v3  }
0x1e2: {  	[tilespmem:s22+$0x10010] =	vst.add.f32.msk $0xffff, v1  }
0x1e3: {  	s25 =	simm.s32 $0x100;
	[tilespmem:s22+$0x10020] =	vst.add.f32.msk $0xffff, v2  }
.LBB2_26:
0x1e4: {  	s23 =	sadd.s32 $0x40, s23;
	v1 =	vld [tilespmem:s24+$0x8010];
	v2 =	vmov v0  }
0x1e5: {  	s26 =	sand.u32 $0x1FC0, s23;
	p0 =	slt.u32 s23, $0x1FC0;
	v3 =	vld [tilespmem:s24+$0x8020]  }
0x1e6: {  	v4 =	vld [tilespmem:s26+$0x8000]  }
.Ltmp12:
0x1e7: {  	v0 =	vld [tilespmem:s24+$0x8030];
	(pc) =	sbr.rel @p0 .LBB2_26-.Ltmp12, $4  }
0x1e8: {  	[tilespmem:s22+$0x10030] =	vst.add.f32.msk $0xffff, v2;
	s22 =	smov.u32 s24  }
0x1e9: {  	s25 =	sadd.s32 $0x100, s25;
	[tilespmem:s22+$0x10010] =	vst.add.f32.msk $0xffff, v1  }
0x1ea: {  	s24 =	sshra.s32 s25, $0x2;
	[tilespmem:s22+$0x10020] =	vst.add.f32.msk $0xffff, v3  }
0x1eb: {  	[tilespmem:s24+$0x10000] =	vst.add.f32.msk $0xffff, v4  }
0x1ec: {  	v1 =	vld [tilespmem:s24+$0x8010]  }
0x1ed: {  	v2 =	vld [tilespmem:s24+$0x8020]  }
0x1ee: {  	v3 =	vld [tilespmem:s24+$0x8030];
	_ =	sdelay $0x1  }
0x1ef: {  	[tilespmem:s22+$0x10030] =	vst.add.f32.msk $0xffff, v0  }
0x1f0: {  	[tilespmem:s24+$0x10010] =	vst.add.f32.msk $0xffff, v1  }
0x1f1: {  	[tilespmem:s24+$0x10020] =	vst.add.f32.msk $0xffff, v2  }
0x1f2: {  	[tilespmem:s24+$0x10030] =	vst.add.f32.msk $0xffff, v3  }
0x1f3: {  	s26 =	simm.s32 $0x0;
	s23 =	rddreg [dreg:$0x1a]  }
0x1f4: {  	[hbm4b:s23+s26] =	stream.linear.scatter [tilespmem:s9], [sflag:$0x5], $0x2000, $0x38;
	[tilespmem:$0x18000] =	vst v63  }
0x1f5: {  	_ =	swait.ge [sflag:s20], $0x2000  }
0x1f6: {  	[sflag:s20] =	ssyncset.done $0x0  }
0x1f7: {  	s24 =	rddreg [dreg:$0x1f];
	[sflag:s20] =	ssyncadd.s32 $0xFFFFE000  }
0x1f8: {  	[tilespmem:s13], [sflag:$0x4] =	stream.linear.gather [hbm4b:s24+s26], $0x2000, $0x38;
	[tilespmem:$0x18000] =	vst v63  }
0x1f9: {  	_ =	swait.ge [sflag:s14], $0x2000  }
0x1fa: {  	s25 =	simm.s32 $0x0;
	[sflag:s14] =	ssyncset.done $0x0  }
0x1fb: {  	s22 =	sand.u32 $0x1FC0, s25;
	[sflag:s14] =	ssyncadd.s32 $0xFFFFE000  }
0x1fc: {  	s23 =	simm.s32 $0x40;
	v0 =	vld [tilespmem:s22+$0xA000]  }
0x1fd: {  	s26 =	sand.u32 $0x1FC0, s23  }
0x1fe: {  	s22 =	simm.s32 $0x0;
	v3 =	vld [tilespmem:s26+$0xA000]  }
0x1ff: {  	v1 =	vld [tilespmem:s22+$0xA010]  }
0x200: {  	v2 =	vld [tilespmem:s22+$0xA020]  }
0x201: {  	[tilespmem:s22+$0x12000] =	vst.add.f32.msk $0xffff, v0  }
0x202: {  	v0 =	vld [tilespmem:s22+$0xA030]  }
0x203: {  	s24 =	simm.s32 $0x40  }
0x204: {  	[tilespmem:s24+$0x12000] =	vst.add.f32.msk $0xffff, v3  }
0x205: {  	[tilespmem:s22+$0x12010] =	vst.add.f32.msk $0xffff, v1  }
0x206: {  	s25 =	simm.s32 $0x100;
	[tilespmem:s22+$0x12020] =	vst.add.f32.msk $0xffff, v2  }
.LBB2_28:
0x207: {  	s23 =	sadd.s32 $0x40, s23;
	v1 =	vld [tilespmem:s24+$0xA010];
	v2 =	vmov v0  }
0x208: {  	s26 =	sand.u32 $0x1FC0, s23;
	p0 =	slt.u32 s23, $0x1FC0;
	v3 =	vld [tilespmem:s24+$0xA020]  }
0x209: {  	v4 =	vld [tilespmem:s26+$0xA000]  }
.Ltmp13:
0x20a: {  	v0 =	vld [tilespmem:s24+$0xA030];
	(pc) =	sbr.rel @p0 .LBB2_28-.Ltmp13, $4  }
0x20b: {  	[tilespmem:s22+$0x12030] =	vst.add.f32.msk $0xffff, v2;
	s22 =	smov.u32 s24  }
0x20c: {  	s25 =	sadd.s32 $0x100, s25;
	[tilespmem:s22+$0x12010] =	vst.add.f32.msk $0xffff, v1  }
0x20d: {  	s24 =	sshra.s32 s25, $0x2;
	[tilespmem:s22+$0x12020] =	vst.add.f32.msk $0xffff, v3  }
0x20e: {  	[tilespmem:s24+$0x12000] =	vst.add.f32.msk $0xffff, v4  }
0x20f: {  	v1 =	vld [tilespmem:s24+$0xA010]  }
0x210: {  	v2 =	vld [tilespmem:s24+$0xA020]  }
0x211: {  	v3 =	vld [tilespmem:s24+$0xA030];
	_ =	sdelay $0x1  }
0x212: {  	[tilespmem:s22+$0x12030] =	vst.add.f32.msk $0xffff, v0  }
0x213: {  	[tilespmem:s24+$0x12010] =	vst.add.f32.msk $0xffff, v1  }
0x214: {  	[tilespmem:s24+$0x12020] =	vst.add.f32.msk $0xffff, v2  }
0x215: {  	[tilespmem:s24+$0x12030] =	vst.add.f32.msk $0xffff, v3  }
0x216: {  	s26 =	simm.s32 $0x0;
	s23 =	rddreg [dreg:$0x1c]  }
0x217: {  	[hbm4b:s23+s26] =	stream.linear.scatter [tilespmem:s10], [sflag:$0x6], $0x2000, $0x38;
	[tilespmem:$0x18000] =	vst v63  }
0x218: {  	_ =	swait.ge [sflag:s15], $0x2000  }
0x219: {  	s24 =	sld [smem:$0x7E5]  }
0x21a: {  	[sflag:s15] =	ssyncset.done $0x0  }
0x21b: {  	[sflag:s15] =	ssyncadd.s32 $0xFFFFE000  }
0x21c: {  	[tilespmem:s9], [sflag:$0x1] =	stream.linear.gather [hbm4b:s24+s26], $0x2000, $0x38;
	[tilespmem:$0x18000] =	vst v63  }
0x21d: {  	_ =	swait.ge [sflag:s16], $0x2000  }
0x21e: {  	s25 =	simm.s32 $0x0;
	[sflag:s16] =	ssyncset.done $0x0  }
0x21f: {  	s22 =	sand.u32 $0x1FC0, s25;
	[sflag:s16] =	ssyncadd.s32 $0xFFFFE000  }
0x220: {  	s23 =	simm.s32 $0x40;
	v0 =	vld [tilespmem:s22+$0xC000]  }
0x221: {  	s26 =	sand.u32 $0x1FC0, s23  }
0x222: {  	s22 =	simm.s32 $0x0;
	v3 =	vld [tilespmem:s26+$0xC000]  }
0x223: {  	v1 =	vld [tilespmem:s22+$0xC010]  }
0x224: {  	v2 =	vld [tilespmem:s22+$0xC020]  }
0x225: {  	[tilespmem:s22+$0x14000] =	vst.add.f32.msk $0xffff, v0  }
0x226: {  	v0 =	vld [tilespmem:s22+$0xC030]  }
0x227: {  	s24 =	simm.s32 $0x40  }
0x228: {  	[tilespmem:s24+$0x14000] =	vst.add.f32.msk $0xffff, v3  }
0x229: {  	[tilespmem:s22+$0x14010] =	vst.add.f32.msk $0xffff, v1  }
0x22a: {  	s25 =	simm.s32 $0x100;
	[tilespmem:s22+$0x14020] =	vst.add.f32.msk $0xffff, v2  }
.LBB2_30:
0x22b: {  	s23 =	sadd.s32 $0x40, s23;
	v1 =	vld [tilespmem:s24+$0xC010];
	v2 =	vmov v0  }
0x22c: {  	s26 =	sand.u32 $0x1FC0, s23;
	p0 =	slt.u32 s23, $0x1FC0;
	v3 =	vld [tilespmem:s24+$0xC020]  }
0x22d: {  	v4 =	vld [tilespmem:s26+$0xC000]  }
.Ltmp14:
0x22e: {  	v0 =	vld [tilespmem:s24+$0xC030];
	(pc) =	sbr.rel @p0 .LBB2_30-.Ltmp14, $4  }
0x22f: {  	[tilespmem:s22+$0x14030] =	vst.add.f32.msk $0xffff, v2;
	s22 =	smov.u32 s24  }
0x230: {  	s25 =	sadd.s32 $0x100, s25;
	[tilespmem:s22+$0x14010] =	vst.add.f32.msk $0xffff, v1  }
0x231: {  	s24 =	sshra.s32 s25, $0x2;
	[tilespmem:s22+$0x14020] =	vst.add.f32.msk $0xffff, v3  }
0x232: {  	[tilespmem:s24+$0x14000] =	vst.add.f32.msk $0xffff, v4  }
0x233: {  	v1 =	vld [tilespmem:s24+$0xC010]  }
0x234: {  	v2 =	vld [tilespmem:s24+$0xC020]  }
0x235: {  	v3 =	vld [tilespmem:s24+$0xC030];
	_ =	sdelay $0x1  }
0x236: {  	[tilespmem:s22+$0x14030] =	vst.add.f32.msk $0xffff, v0  }
0x237: {  	[tilespmem:s24+$0x14010] =	vst.add.f32.msk $0xffff, v1  }
0x238: {  	[tilespmem:s24+$0x14020] =	vst.add.f32.msk $0xffff, v2  }
0x239: {  	[tilespmem:s24+$0x14030] =	vst.add.f32.msk $0xffff, v3  }
0x23a: {  	s26 =	simm.s32 $0x0;
	s23 =	rddreg [dreg:$0x1e]  }
0x23b: {  	[hbm4b:s23+s26] =	stream.linear.scatter [tilespmem:s11], [sflag:$0x7], $0x2000, $0x38;
	[tilespmem:$0x18000] =	vst v63  }
0x23c: {  	_ =	swait.ge [sflag:s17], $0x2000  }
0x23d: {  	s24 =	sld [smem:$0x7E7]  }
0x23e: {  	[sflag:s17] =	ssyncset.done $0x0  }
0x23f: {  	[sflag:s17] =	ssyncadd.s32 $0xFFFFE000  }
0x240: {  	[tilespmem:s10], [sflag:$0x2] =	stream.linear.gather [hbm4b:s24+s26], $0x2000, $0x38;
	[tilespmem:$0x18000] =	vst v63  }
0x241: {  	_ =	swait.ge [sflag:s18], $0x2000  }
0x242: {  	s25 =	simm.s32 $0x0;
	[sflag:s18] =	ssyncset.done $0x0  }
0x243: {  	s22 =	sand.u32 $0x1FC0, s25;
	[sflag:s18] =	ssyncadd.s32 $0xFFFFE000  }
0x244: {  	s23 =	simm.s32 $0x40;
	v0 =	vld [tilespmem:s22+$0xE000]  }
0x245: {  	s26 =	sand.u32 $0x1FC0, s23  }
0x246: {  	s22 =	simm.s32 $0x0;
	v3 =	vld [tilespmem:s26+$0xE000]  }
0x247: {  	v1 =	vld [tilespmem:s22+$0xE010]  }
0x248: {  	v2 =	vld [tilespmem:s22+$0xE020]  }
0x249: {  	[tilespmem:s22+$0x16000] =	vst.add.f32.msk $0xffff, v0  }
0x24a: {  	v0 =	vld [tilespmem:s22+$0xE030]  }
0x24b: {  	s24 =	simm.s32 $0x40  }
0x24c: {  	[tilespmem:s24+$0x16000] =	vst.add.f32.msk $0xffff, v3  }
0x24d: {  	[tilespmem:s22+$0x16010] =	vst.add.f32.msk $0xffff, v1  }
0x24e: {  	s25 =	simm.s32 $0x100;
	[tilespmem:s22+$0x16020] =	vst.add.f32.msk $0xffff, v2  }
.LBB2_32:
0x24f: {  	s23 =	sadd.s32 $0x40, s23;
	v1 =	vld [tilespmem:s24+$0xE010];
	v2 =	vmov v0  }
0x250: {  	s26 =	sand.u32 $0x1FC0, s23;
	p0 =	slt.u32 s23, $0x1FC0;
	v3 =	vld [tilespmem:s24+$0xE020]  }
0x251: {  	v4 =	vld [tilespmem:s26+$0xE000]  }
.Ltmp15:
0x252: {  	v0 =	vld [tilespmem:s24+$0xE030];
	(pc) =	sbr.rel @p0 .LBB2_32-.Ltmp15, $4  }
0x253: {  	[tilespmem:s22+$0x16030] =	vst.add.f32.msk $0xffff, v2;
	s22 =	smov.u32 s24  }
0x254: {  	s25 =	sadd.s32 $0x100, s25;
	[tilespmem:s22+$0x16010] =	vst.add.f32.msk $0xffff, v1  }
0x255: {  	s24 =	sshra.s32 s25, $0x2;
	[tilespmem:s22+$0x16020] =	vst.add.f32.msk $0xffff, v3  }
0x256: {  	[tilespmem:s24+$0x16000] =	vst.add.f32.msk $0xffff, v4  }
0x257: {  	v1 =	vld [tilespmem:s24+$0xE010]  }
0x258: {  	v2 =	vld [tilespmem:s24+$0xE020]  }
0x259: {  	v3 =	vld [tilespmem:s24+$0xE030];
	_ =	sdelay $0x1  }
0x25a: {  	[tilespmem:s22+$0x16030] =	vst.add.f32.msk $0xffff, v0  }
0x25b: {  	[tilespmem:s24+$0x16010] =	vst.add.f32.msk $0xffff, v1  }
0x25c: {  	[tilespmem:s24+$0x16020] =	vst.add.f32.msk $0xffff, v2  }
0x25d: {  	[tilespmem:s24+$0x16030] =	vst.add.f32.msk $0xffff, v3  }
0x25e: {  	s22 =	sld [smem:$0x7E4];
	_ =	sdelay $0x2  }
0x25f: {  	[hbm4b:s22+s1] =	stream.linear.scatter [tilespmem:s13], [sflag:$0x8], $0x2000, $0x38;
	[tilespmem:$0x18000] =	vst v63  }
0x260: {  	_ =	swait.ge [sflag:s19], $0x2000  }
0x261: {  	s26 =	sld [smem:$0x7E9]  }
0x262: {  	[sflag:s19] =	ssyncset.done $0x0  }
0x263: {  	[sflag:s19] =	ssyncadd.s32 $0xFFFFE000  }
0x264: {  	[tilespmem:s11], [sflag:$0x3] =	stream.linear.gather [hbm4b:s26+s1], $0x2000, $0x38;
	[tilespmem:$0x18000] =	vst v63  }
0x265: {  	_ =	swait.ge [sflag:s12], $0x2000  }
0x266: {  	[sflag:s12] =	ssyncset.done $0x0  }
0x267: {  	s23 =	simm.s32 $0x20;
	[sflag:s12] =	ssyncadd.s32 $0xFFFFE000  }
0x268: {  	v1 =	vld [tilespmem:s23+$0x10]  }
0x269: {  	v2 =	vld [tilespmem:s23+$0xFFFFFFF0]  }
0x26a: {  	v3 =	vld [tilespmem:s23+$0x0]  }
0x26b: {  	v0 =	vld [tilespmem:s23+$0xFFFFFFE0]  }
0x26c: {  	s22 =	simm.s32 $0x10030  }
0x26d: {  	[tilespmem:s22+$0x0] =	vst.add.f32.msk $0xffff, v1  }
0x26e: {  	[tilespmem:s22+$0xFFFFFFE0] =	vst.add.f32.msk $0xffff, v2  }
0x26f: {  	s24 =	simm.s32 $0x60;
	s23 =	simm.s32 $0x0;
	[tilespmem:s22+$0xFFFFFFF0] =	vst.add.f32.msk $0xffff, v3  }
.LBB2_34:
0x270: {  	v1 =	vld [tilespmem:s24+$0x10];
	s23 =	sadd.s32 $0x40, s23;
	v2 =	vmov v0  }
0x271: {  	v3 =	vld [tilespmem:s24+$0xFFFFFFF0];
	p0 =	slt.u32 s23, $0x1FC0  }
0x272: {  	v4 =	vld [tilespmem:s24+$0x0]  }
.Ltmp16:
0x273: {  	v0 =	vld [tilespmem:s24+$0xFFFFFFE0];
	(pc) =	sbr.rel @p0 .LBB2_34-.Ltmp16, $4  }
0x274: {  	[tilespmem:s22+$0xFFFFFFD0] =	vst.add.f32.msk $0xffff, v2;
	s22 =	sadd.s32 $0x40, s22  }
0x275: {  	[tilespmem:s22+$0x0] =	vst.add.f32.msk $0xffff, v1  }
0x276: {  	[tilespmem:s22+$0xFFFFFFE0] =	vst.add.f32.msk $0xffff, v3  }
0x277: {  	s24 =	sadd.s32 $0x40, s24;
	[tilespmem:s22+$0xFFFFFFF0] =	vst.add.f32.msk $0xffff, v4  }
0x278: {  	[tilespmem:s22+$0xFFFFFFD0] =	vst.add.f32.msk $0xffff, v0  }
0x279: {  	s22 =	sld [smem:$0x7E6];
	_ =	sdelay $0x2  }
0x27a: {  	[hbm4b:s22+s1] =	stream.linear.scatter [tilespmem:s9], [sflag:$0x5], $0x2000, $0x38;
	[tilespmem:$0x18000] =	vst v63  }
0x27b: {  	_ =	swait.ge [sflag:s20], $0x2000  }
0x27c: {  	s25 =	sld [smem:$0x7EB]  }
0x27d: {  	[sflag:s20] =	ssyncset.done $0x0  }
0x27e: {  	[sflag:s20] =	ssyncadd.s32 $0xFFFFE000  }
0x27f: {  	[tilespmem:s13], [sflag:$0x4] =	stream.linear.gather [hbm4b:s25+s1], $0x2000, $0x38;
	[tilespmem:$0x18000] =	vst v63  }
0x280: {  	_ =	swait.ge [sflag:s14], $0x2000  }
0x281: {  	s26 =	simm.s32 $0x0;
	[sflag:s14] =	ssyncset.done $0x0  }
0x282: {  	s22 =	sand.u32 $0x1FC0, s26;
	[sflag:s14] =	ssyncadd.s32 $0xFFFFE000  }
0x283: {  	s24 =	simm.s32 $0x2030;
	v1 =	vld [tilespmem:s22+$0x2000]  }
0x284: {  	v2 =	vld [tilespmem:s24+$0xFFFFFFE0]  }
0x285: {  	s23 =	simm.s32 $0x2070;
	v3 =	vld [tilespmem:s24+$0xFFFFFFF0]  }
0x286: {  	v0 =	vld [tilespmem:s23+$0xFFFFFFE0]  }
0x287: {  	s22 =	simm.s32 $0x12000;
	v4 =	vld [tilespmem:s24+$0x0]  }
0x288: {  	[tilespmem:s22+$0x0] =	vst.add.f32.msk $0xffff, v1  }
0x289: {  	s24 =	simm.s32 $0x40;
	[tilespmem:s22+$0x10] =	vst.add.f32.msk $0xffff, v2  }
0x28a: {  	s25 =	sand.u32 $0x1FC0, s24;
	[tilespmem:s22+$0x20] =	vst.add.f32.msk $0xffff, v3  }
0x28b: {  	v2 =	vld [tilespmem:s25+$0x2000]  }
0x28c: {  	[tilespmem:s22+$0x30] =	vst.add.f32.msk $0xffff, v4  }
0x28d: {  	v1 =	vld [tilespmem:s23+$0xFFFFFFF0];
	s25 =	simm.s32 $0x20B0  }
.LBB2_36:
0x28e: {  	v3 =	vld [tilespmem:s25+$0xFFFFFFE0]  }
0x28f: {  	s22 =	sadd.s32 $0x40, s22;
	s24 =	sadd.s32 $0x40, s24;
	v4 =	vld [tilespmem:s23+$0x0];
	s23 =	smov.u32 s25  }
0x290: {  	p0 =	slt.u32 s24, $0x1FC0;
	[tilespmem:s22+$0x0] =	vst.add.f32.msk $0xffff, v2  }
.Ltmp17:
0x291: {  	[tilespmem:s22+$0x10] =	vst.add.f32.msk $0xffff, v0;
	(pc) =	sbr.rel @p0 .LBB2_36-.Ltmp17, $4  }
0x292: {  	s26 =	sand.u32 $0x1FC0, s24;
	[tilespmem:s22+$0x20] =	vst.add.f32.msk $0xffff, v1  }
0x293: {  	v2 =	vld [tilespmem:s26+$0x2000];
	v0 =	vmov v3  }
0x294: {  	[tilespmem:s22+$0x30] =	vst.add.f32.msk $0xffff, v4  }
0x295: {  	s25 =	sadd.s32 $0x40, s25;
	v1 =	vld [tilespmem:s23+$0xFFFFFFF0]  }
0x296: {  	v3 =	vld [tilespmem:s23+$0x0]  }
0x297: {  	s22 =	sadd.s32 $0x40, s22  }
0x298: {  	[tilespmem:s22+$0x10] =	vst.add.f32.msk $0xffff, v0  }
0x299: {  	[tilespmem:s22+$0x0] =	vst.add.f32.msk $0xffff, v2  }
0x29a: {  	[tilespmem:s22+$0x20] =	vst.add.f32.msk $0xffff, v1  }
0x29b: {  	[tilespmem:s22+$0x30] =	vst.add.f32.msk $0xffff, v3  }
0x29c: {  	s24 =	sld [smem:$0x7E8];
	_ =	sdelay $0x1  }
0x29d: {  	s26 =	simm.s32 $0x0  }
0x29e: {  	[hbm4b:s24+s26] =	stream.linear.scatter [tilespmem:s10], [sflag:$0x6], $0x2000, $0x38;
	[tilespmem:$0x18000] =	vst v63  }
0x29f: {  	_ =	swait.ge [sflag:s15], $0x2000  }
0x2a0: {  	s25 =	sld [smem:$0x7ED]  }
0x2a1: {  	[sflag:s15] =	ssyncset.done $0x0  }
0x2a2: {  	[sflag:s15] =	ssyncadd.s32 $0xFFFFE000  }
0x2a3: {  	[tilespmem:s9], [sflag:$0x1] =	stream.linear.gather [hbm4b:s25+s26], $0x2000, $0x38;
	[tilespmem:$0x18000] =	vst v63  }
0x2a4: {  	_ =	swait.ge [sflag:s16], $0x2000  }
0x2a5: {  	s26 =	simm.s32 $0x0;
	[sflag:s16] =	ssyncset.done $0x0  }
0x2a6: {  	s22 =	sand.u32 $0x1FC0, s26;
	[sflag:s16] =	ssyncadd.s32 $0xFFFFE000  }
0x2a7: {  	s23 =	simm.s32 $0x40;
	v0 =	vld [tilespmem:s22+$0x4000]  }
0x2a8: {  	s24 =	sand.u32 $0x1FC0, s23  }
0x2a9: {  	s22 =	simm.s32 $0x0;
	v3 =	vld [tilespmem:s24+$0x4000]  }
0x2aa: {  	v1 =	vld [tilespmem:s22+$0x4010]  }
0x2ab: {  	v2 =	vld [tilespmem:s22+$0x4020]  }
0x2ac: {  	[tilespmem:s22+$0x14000] =	vst.add.f32.msk $0xffff, v0  }
0x2ad: {  	v0 =	vld [tilespmem:s22+$0x4030]  }
0x2ae: {  	s24 =	simm.s32 $0x40  }
0x2af: {  	[tilespmem:s24+$0x14000] =	vst.add.f32.msk $0xffff, v3  }
0x2b0: {  	[tilespmem:s22+$0x14010] =	vst.add.f32.msk $0xffff, v1  }
0x2b1: {  	s25 =	simm.s32 $0x100;
	[tilespmem:s22+$0x14020] =	vst.add.f32.msk $0xffff, v2  }
.LBB2_38:
0x2b2: {  	s23 =	sadd.s32 $0x40, s23;
	v1 =	vld [tilespmem:s24+$0x4010];
	v2 =	vmov v0  }
0x2b3: {  	s26 =	sand.u32 $0x1FC0, s23;
	p0 =	slt.u32 s23, $0x1FC0;
	v3 =	vld [tilespmem:s24+$0x4020]  }
0x2b4: {  	v4 =	vld [tilespmem:s26+$0x4000]  }
.Ltmp18:
0x2b5: {  	v0 =	vld [tilespmem:s24+$0x4030];
	(pc) =	sbr.rel @p0 .LBB2_38-.Ltmp18, $4  }
0x2b6: {  	[tilespmem:s22+$0x14030] =	vst.add.f32.msk $0xffff, v2;
	s22 =	smov.u32 s24  }
0x2b7: {  	s25 =	sadd.s32 $0x100, s25;
	[tilespmem:s22+$0x14010] =	vst.add.f32.msk $0xffff, v1  }
0x2b8: {  	s24 =	sshra.s32 s25, $0x2;
	[tilespmem:s22+$0x14020] =	vst.add.f32.msk $0xffff, v3  }
0x2b9: {  	[tilespmem:s24+$0x14000] =	vst.add.f32.msk $0xffff, v4  }
0x2ba: {  	v1 =	vld [tilespmem:s24+$0x4010]  }
0x2bb: {  	v2 =	vld [tilespmem:s24+$0x4020]  }
0x2bc: {  	v3 =	vld [tilespmem:s24+$0x4030];
	_ =	sdelay $0x1  }
0x2bd: {  	[tilespmem:s22+$0x14030] =	vst.add.f32.msk $0xffff, v0  }
0x2be: {  	[tilespmem:s24+$0x14010] =	vst.add.f32.msk $0xffff, v1  }
0x2bf: {  	[tilespmem:s24+$0x14020] =	vst.add.f32.msk $0xffff, v2  }
0x2c0: {  	[tilespmem:s24+$0x14030] =	vst.add.f32.msk $0xffff, v3  }
0x2c1: {  	s23 =	sld [smem:$0x7EA];
	_ =	sdelay $0x1  }
0x2c2: {  	s26 =	simm.s32 $0x0  }
0x2c3: {  	[hbm4b:s23+s26] =	stream.linear.scatter [tilespmem:s11], [sflag:$0x7], $0x2000, $0x38;
	[tilespmem:$0x18000] =	vst v63  }
0x2c4: {  	_ =	swait.ge [sflag:s17], $0x2000  }
0x2c5: {  	s24 =	sld [smem:$0x7EF]  }
0x2c6: {  	[sflag:s17] =	ssyncset.done $0x0  }
0x2c7: {  	[sflag:s17] =	ssyncadd.s32 $0xFFFFE000  }
0x2c8: {  	[tilespmem:s10], [sflag:$0x2] =	stream.linear.gather [hbm4b:s24+s26], $0x2000, $0x38;
	[tilespmem:$0x18000] =	vst v63  }
0x2c9: {  	_ =	swait.ge [sflag:s18], $0x2000  }
0x2ca: {  	s25 =	simm.s32 $0x0;
	[sflag:s18] =	ssyncset.done $0x0  }
0x2cb: {  	s22 =	sand.u32 $0x1FC0, s25;
	[sflag:s18] =	ssyncadd.s32 $0xFFFFE000  }
0x2cc: {  	s23 =	simm.s32 $0x40;
	v0 =	vld [tilespmem:s22+$0x6000]  }
0x2cd: {  	s26 =	sand.u32 $0x1FC0, s23  }
0x2ce: {  	s22 =	simm.s32 $0x0;
	v3 =	vld [tilespmem:s26+$0x6000]  }
0x2cf: {  	v1 =	vld [tilespmem:s22+$0x6010]  }
0x2d0: {  	v2 =	vld [tilespmem:s22+$0x6020]  }
0x2d1: {  	[tilespmem:s22+$0x16000] =	vst.add.f32.msk $0xffff, v0  }
0x2d2: {  	v0 =	vld [tilespmem:s22+$0x6030]  }
0x2d3: {  	s24 =	simm.s32 $0x40  }
0x2d4: {  	[tilespmem:s24+$0x16000] =	vst.add.f32.msk $0xffff, v3  }
0x2d5: {  	[tilespmem:s22+$0x16010] =	vst.add.f32.msk $0xffff, v1  }
0x2d6: {  	s25 =	simm.s32 $0x100;
	[tilespmem:s22+$0x16020] =	vst.add.f32.msk $0xffff, v2  }
.LBB2_40:
0x2d7: {  	s23 =	sadd.s32 $0x40, s23;
	v1 =	vld [tilespmem:s24+$0x6010];
	v2 =	vmov v0  }
0x2d8: {  	s26 =	sand.u32 $0x1FC0, s23;
	p0 =	slt.u32 s23, $0x1FC0;
	v3 =	vld [tilespmem:s24+$0x6020]  }
0x2d9: {  	v4 =	vld [tilespmem:s26+$0x6000]  }
.Ltmp19:
0x2da: {  	v0 =	vld [tilespmem:s24+$0x6030];
	(pc) =	sbr.rel @p0 .LBB2_40-.Ltmp19, $4  }
0x2db: {  	[tilespmem:s22+$0x16030] =	vst.add.f32.msk $0xffff, v2;
	s22 =	smov.u32 s24  }
0x2dc: {  	s25 =	sadd.s32 $0x100, s25;
	[tilespmem:s22+$0x16010] =	vst.add.f32.msk $0xffff, v1  }
0x2dd: {  	s24 =	sshra.s32 s25, $0x2;
	[tilespmem:s22+$0x16020] =	vst.add.f32.msk $0xffff, v3  }
0x2de: {  	[tilespmem:s24+$0x16000] =	vst.add.f32.msk $0xffff, v4  }
0x2df: {  	v1 =	vld [tilespmem:s24+$0x6010]  }
0x2e0: {  	v2 =	vld [tilespmem:s24+$0x6020]  }
0x2e1: {  	v3 =	vld [tilespmem:s24+$0x6030];
	_ =	sdelay $0x1  }
0x2e2: {  	[tilespmem:s22+$0x16030] =	vst.add.f32.msk $0xffff, v0  }
0x2e3: {  	[tilespmem:s24+$0x16010] =	vst.add.f32.msk $0xffff, v1  }
0x2e4: {  	[tilespmem:s24+$0x16020] =	vst.add.f32.msk $0xffff, v2  }
0x2e5: {  	[tilespmem:s24+$0x16030] =	vst.add.f32.msk $0xffff, v3  }
0x2e6: {  	s23 =	sld [smem:$0x7EC];
	_ =	sdelay $0x1  }
0x2e7: {  	s26 =	simm.s32 $0x0  }
0x2e8: {  	[hbm4b:s23+s26] =	stream.linear.scatter [tilespmem:s13], [sflag:$0x8], $0x2000, $0x38;
	[tilespmem:$0x18000] =	vst v63  }
0x2e9: {  	_ =	swait.ge [sflag:s19], $0x2000  }
0x2ea: {  	s24 =	sld [smem:$0x7F1]  }
0x2eb: {  	[sflag:s19] =	ssyncset.done $0x0  }
0x2ec: {  	[sflag:s19] =	ssyncadd.s32 $0xFFFFE000  }
0x2ed: {  	[tilespmem:s11], [sflag:$0x3] =	stream.linear.gather [hbm4b:s24+s26], $0x2000, $0x38;
	[tilespmem:$0x18000] =	vst v63  }
0x2ee: {  	_ =	swait.ge [sflag:s12], $0x2000  }
0x2ef: {  	s25 =	simm.s32 $0x0;
	[sflag:s12] =	ssyncset.done $0x0  }
0x2f0: {  	s22 =	sand.u32 $0x1FC0, s25;
	[sflag:s12] =	ssyncadd.s32 $0xFFFFE000  }
0x2f1: {  	s23 =	simm.s32 $0x40;
	v0 =	vld [tilespmem:s22+$0x8000]  }
0x2f2: {  	s26 =	sand.u32 $0x1FC0, s23  }
0x2f3: {  	s22 =	simm.s32 $0x0;
	v3 =	vld [tilespmem:s26+$0x8000]  }
0x2f4: {  	v1 =	vld [tilespmem:s22+$0x8010]  }
0x2f5: {  	v2 =	vld [tilespmem:s22+$0x8020]  }
0x2f6: {  	[tilespmem:s22+$0x10000] =	vst.add.f32.msk $0xffff, v0  }
0x2f7: {  	v0 =	vld [tilespmem:s22+$0x8030]  }
0x2f8: {  	s24 =	simm.s32 $0x40  }
0x2f9: {  	[tilespmem:s24+$0x10000] =	vst.add.f32.msk $0xffff, v3  }
0x2fa: {  	[tilespmem:s22+$0x10010] =	vst.add.f32.msk $0xffff, v1  }
0x2fb: {  	s25 =	simm.s32 $0x100;
	[tilespmem:s22+$0x10020] =	vst.add.f32.msk $0xffff, v2  }
.LBB2_42:
0x2fc: {  	s23 =	sadd.s32 $0x40, s23;
	v1 =	vld [tilespmem:s24+$0x8010];
	v2 =	vmov v0  }
0x2fd: {  	s26 =	sand.u32 $0x1FC0, s23;
	p0 =	slt.u32 s23, $0x1FC0;
	v3 =	vld [tilespmem:s24+$0x8020]  }
0x2fe: {  	v4 =	vld [tilespmem:s26+$0x8000]  }
.Ltmp20:
0x2ff: {  	v0 =	vld [tilespmem:s24+$0x8030];
	(pc) =	sbr.rel @p0 .LBB2_42-.Ltmp20, $4  }
0x300: {  	[tilespmem:s22+$0x10030] =	vst.add.f32.msk $0xffff, v2;
	s22 =	smov.u32 s24  }
0x301: {  	s25 =	sadd.s32 $0x100, s25;
	[tilespmem:s22+$0x10010] =	vst.add.f32.msk $0xffff, v1  }
0x302: {  	s24 =	sshra.s32 s25, $0x2;
	[tilespmem:s22+$0x10020] =	vst.add.f32.msk $0xffff, v3  }
0x303: {  	[tilespmem:s24+$0x10000] =	vst.add.f32.msk $0xffff, v4  }
0x304: {  	v1 =	vld [tilespmem:s24+$0x8010]  }
0x305: {  	v2 =	vld [tilespmem:s24+$0x8020]  }
0x306: {  	v3 =	vld [tilespmem:s24+$0x8030];
	_ =	sdelay $0x1  }
0x307: {  	[tilespmem:s22+$0x10030] =	vst.add.f32.msk $0xffff, v0  }
0x308: {  	[tilespmem:s24+$0x10010] =	vst.add.f32.msk $0xffff, v1  }
0x309: {  	[tilespmem:s24+$0x10020] =	vst.add.f32.msk $0xffff, v2  }
0x30a: {  	[tilespmem:s24+$0x10030] =	vst.add.f32.msk $0xffff, v3  }
0x30b: {  	s23 =	sld [smem:$0x7EE];
	_ =	sdelay $0x1  }
0x30c: {  	s26 =	simm.s32 $0x0  }
0x30d: {  	[hbm4b:s23+s26] =	stream.linear.scatter [tilespmem:s9], [sflag:$0x5], $0x2000, $0x38;
	[tilespmem:$0x18000] =	vst v63  }
0x30e: {  	_ =	swait.ge [sflag:s20], $0x2000  }
0x30f: {  	s24 =	sld [smem:$0x7F3]  }
0x310: {  	[sflag:s20] =	ssyncset.done $0x0  }
0x311: {  	[sflag:s20] =	ssyncadd.s32 $0xFFFFE000  }
0x312: {  	[tilespmem:s13], [sflag:$0x4] =	stream.linear.gather [hbm4b:s24+s26], $0x2000, $0x38;
	[tilespmem:$0x18000] =	vst v63  }
0x313: {  	_ =	swait.ge [sflag:s14], $0x2000  }
0x314: {  	s25 =	simm.s32 $0x0;
	[sflag:s14] =	ssyncset.done $0x0  }
0x315: {  	s22 =	sand.u32 $0x1FC0, s25;
	[sflag:s14] =	ssyncadd.s32 $0xFFFFE000  }
0x316: {  	s23 =	simm.s32 $0x40;
	v0 =	vld [tilespmem:s22+$0xA000]  }
0x317: {  	s26 =	sand.u32 $0x1FC0, s23  }
0x318: {  	s22 =	simm.s32 $0x0;
	v3 =	vld [tilespmem:s26+$0xA000]  }
0x319: {  	v1 =	vld [tilespmem:s22+$0xA010]  }
0x31a: {  	v2 =	vld [tilespmem:s22+$0xA020]  }
0x31b: {  	[tilespmem:s22+$0x12000] =	vst.add.f32.msk $0xffff, v0  }
0x31c: {  	v0 =	vld [tilespmem:s22+$0xA030]  }
0x31d: {  	s24 =	simm.s32 $0x40  }
0x31e: {  	[tilespmem:s24+$0x12000] =	vst.add.f32.msk $0xffff, v3  }
0x31f: {  	[tilespmem:s22+$0x12010] =	vst.add.f32.msk $0xffff, v1  }
0x320: {  	s25 =	simm.s32 $0x100;
	[tilespmem:s22+$0x12020] =	vst.add.f32.msk $0xffff, v2  }
.LBB2_44:
0x321: {  	s23 =	sadd.s32 $0x40, s23;
	v1 =	vld [tilespmem:s24+$0xA010];
	v2 =	vmov v0  }
0x322: {  	s26 =	sand.u32 $0x1FC0, s23;
	p0 =	slt.u32 s23, $0x1FC0;
	v3 =	vld [tilespmem:s24+$0xA020]  }
0x323: {  	v4 =	vld [tilespmem:s26+$0xA000]  }
.Ltmp21:
0x324: {  	v0 =	vld [tilespmem:s24+$0xA030];
	(pc) =	sbr.rel @p0 .LBB2_44-.Ltmp21, $4  }
0x325: {  	[tilespmem:s22+$0x12030] =	vst.add.f32.msk $0xffff, v2;
	s22 =	smov.u32 s24  }
0x326: {  	s25 =	sadd.s32 $0x100, s25;
	[tilespmem:s22+$0x12010] =	vst.add.f32.msk $0xffff, v1  }
0x327: {  	s24 =	sshra.s32 s25, $0x2;
	[tilespmem:s22+$0x12020] =	vst.add.f32.msk $0xffff, v3  }
0x328: {  	[tilespmem:s24+$0x12000] =	vst.add.f32.msk $0xffff, v4  }
0x329: {  	v1 =	vld [tilespmem:s24+$0xA010]  }
0x32a: {  	v2 =	vld [tilespmem:s24+$0xA020]  }
0x32b: {  	v3 =	vld [tilespmem:s24+$0xA030];
	_ =	sdelay $0x1  }
0x32c: {  	[tilespmem:s22+$0x12030] =	vst.add.f32.msk $0xffff, v0  }
0x32d: {  	[tilespmem:s24+$0x12010] =	vst.add.f32.msk $0xffff, v1  }
0x32e: {  	[tilespmem:s24+$0x12020] =	vst.add.f32.msk $0xffff, v2  }
0x32f: {  	[tilespmem:s24+$0x12030] =	vst.add.f32.msk $0xffff, v3  }
0x330: {  	s23 =	sld [smem:$0x7F0];
	_ =	sdelay $0x1  }
0x331: {  	s26 =	simm.s32 $0x0  }
0x332: {  	[hbm4b:s23+s26] =	stream.linear.scatter [tilespmem:s10], [sflag:$0x6], $0x2000, $0x38;
	[tilespmem:$0x18000] =	vst v63  }
0x333: {  	_ =	swait.ge [sflag:s15], $0x2000  }
0x334: {  	s24 =	sld [smem:$0x7F5]  }
0x335: {  	[sflag:s15] =	ssyncset.done $0x0  }
0x336: {  	[sflag:s15] =	ssyncadd.s32 $0xFFFFE000  }
0x337: {  	[tilespmem:s9], [sflag:$0x1] =	stream.linear.gather [hbm4b:s24+s26], $0x2000, $0x38;
	[tilespmem:$0x18000] =	vst v63  }
0x338: {  	_ =	swait.ge [sflag:s16], $0x2000  }
0x339: {  	s25 =	simm.s32 $0x0;
	[sflag:s16] =	ssyncset.done $0x0  }
0x33a: {  	s22 =	sand.u32 $0x1FC0, s25;
	[sflag:s16] =	ssyncadd.s32 $0xFFFFE000  }
0x33b: {  	s23 =	simm.s32 $0x40;
	v0 =	vld [tilespmem:s22+$0xC000]  }
0x33c: {  	s26 =	sand.u32 $0x1FC0, s23  }
0x33d: {  	s22 =	simm.s32 $0x0;
	v3 =	vld [tilespmem:s26+$0xC000]  }
0x33e: {  	v1 =	vld [tilespmem:s22+$0xC010]  }
0x33f: {  	v2 =	vld [tilespmem:s22+$0xC020]  }
0x340: {  	[tilespmem:s22+$0x14000] =	vst.add.f32.msk $0xffff, v0  }
0x341: {  	v0 =	vld [tilespmem:s22+$0xC030]  }
0x342: {  	s24 =	simm.s32 $0x40  }
0x343: {  	[tilespmem:s24+$0x14000] =	vst.add.f32.msk $0xffff, v3  }
0x344: {  	[tilespmem:s22+$0x14010] =	vst.add.f32.msk $0xffff, v1  }
0x345: {  	s25 =	simm.s32 $0x100;
	[tilespmem:s22+$0x14020] =	vst.add.f32.msk $0xffff, v2  }
.LBB2_46:
0x346: {  	s23 =	sadd.s32 $0x40, s23;
	v1 =	vld [tilespmem:s24+$0xC010];
	v2 =	vmov v0  }
0x347: {  	s26 =	sand.u32 $0x1FC0, s23;
	p0 =	slt.u32 s23, $0x1FC0;
	v3 =	vld [tilespmem:s24+$0xC020]  }
0x348: {  	v4 =	vld [tilespmem:s26+$0xC000]  }
.Ltmp22:
0x349: {  	v0 =	vld [tilespmem:s24+$0xC030];
	(pc) =	sbr.rel @p0 .LBB2_46-.Ltmp22, $4  }
0x34a: {  	[tilespmem:s22+$0x14030] =	vst.add.f32.msk $0xffff, v2;
	s22 =	smov.u32 s24  }
0x34b: {  	s25 =	sadd.s32 $0x100, s25;
	[tilespmem:s22+$0x14010] =	vst.add.f32.msk $0xffff, v1  }
0x34c: {  	s24 =	sshra.s32 s25, $0x2;
	[tilespmem:s22+$0x14020] =	vst.add.f32.msk $0xffff, v3  }
0x34d: {  	[tilespmem:s24+$0x14000] =	vst.add.f32.msk $0xffff, v4  }
0x34e: {  	v1 =	vld [tilespmem:s24+$0xC010]  }
0x34f: {  	v2 =	vld [tilespmem:s24+$0xC020]  }
0x350: {  	v3 =	vld [tilespmem:s24+$0xC030];
	_ =	sdelay $0x1  }
0x351: {  	[tilespmem:s22+$0x14030] =	vst.add.f32.msk $0xffff, v0  }
0x352: {  	[tilespmem:s24+$0x14010] =	vst.add.f32.msk $0xffff, v1  }
0x353: {  	[tilespmem:s24+$0x14020] =	vst.add.f32.msk $0xffff, v2  }
0x354: {  	[tilespmem:s24+$0x14030] =	vst.add.f32.msk $0xffff, v3  }
0x355: {  	s23 =	sld [smem:$0x7F2];
	_ =	sdelay $0x1  }
0x356: {  	s26 =	simm.s32 $0x0  }
0x357: {  	[hbm4b:s23+s26] =	stream.linear.scatter [tilespmem:s11], [sflag:$0x7], $0x2000, $0x38;
	[tilespmem:$0x18000] =	vst v63  }
0x358: {  	_ =	swait.ge [sflag:s17], $0x2000  }
0x359: {  	s24 =	sld [smem:$0x7F7]  }
0x35a: {  	[sflag:s17] =	ssyncset.done $0x0  }
0x35b: {  	[sflag:s17] =	ssyncadd.s32 $0xFFFFE000  }
0x35c: {  	[tilespmem:s10], [sflag:$0x2] =	stream.linear.gather [hbm4b:s24+s26], $0x2000, $0x38;
	[tilespmem:$0x18000] =	vst v63  }
0x35d: {  	_ =	swait.ge [sflag:s18], $0x2000  }
0x35e: {  	s25 =	simm.s32 $0x0;
	[sflag:s18] =	ssyncset.done $0x0  }
0x35f: {  	s22 =	sand.u32 $0x1FC0, s25;
	[sflag:s18] =	ssyncadd.s32 $0xFFFFE000  }
0x360: {  	s23 =	simm.s32 $0x40;
	v0 =	vld [tilespmem:s22+$0xE000]  }
0x361: {  	s26 =	sand.u32 $0x1FC0, s23  }
0x362: {  	s22 =	simm.s32 $0x0;
	v3 =	vld [tilespmem:s26+$0xE000]  }
0x363: {  	v1 =	vld [tilespmem:s22+$0xE010]  }
0x364: {  	v2 =	vld [tilespmem:s22+$0xE020]  }
0x365: {  	[tilespmem:s22+$0x16000] =	vst.add.f32.msk $0xffff, v0  }
0x366: {  	v0 =	vld [tilespmem:s22+$0xE030]  }
0x367: {  	s24 =	simm.s32 $0x40  }
0x368: {  	[tilespmem:s24+$0x16000] =	vst.add.f32.msk $0xffff, v3  }
0x369: {  	[tilespmem:s22+$0x16010] =	vst.add.f32.msk $0xffff, v1  }
0x36a: {  	s25 =	simm.s32 $0x100;
	[tilespmem:s22+$0x16020] =	vst.add.f32.msk $0xffff, v2  }
.LBB2_48:
0x36b: {  	s23 =	sadd.s32 $0x40, s23;
	v1 =	vld [tilespmem:s24+$0xE010];
	v2 =	vmov v0  }
0x36c: {  	s26 =	sand.u32 $0x1FC0, s23;
	p0 =	slt.u32 s23, $0x1FC0;
	v3 =	vld [tilespmem:s24+$0xE020]  }
0x36d: {  	v4 =	vld [tilespmem:s26+$0xE000]  }
.Ltmp23:
0x36e: {  	v0 =	vld [tilespmem:s24+$0xE030];
	(pc) =	sbr.rel @p0 .LBB2_48-.Ltmp23, $4  }
0x36f: {  	[tilespmem:s22+$0x16030] =	vst.add.f32.msk $0xffff, v2;
	s22 =	smov.u32 s24  }
0x370: {  	s25 =	sadd.s32 $0x100, s25;
	[tilespmem:s22+$0x16010] =	vst.add.f32.msk $0xffff, v1  }
0x371: {  	s24 =	sshra.s32 s25, $0x2;
	[tilespmem:s22+$0x16020] =	vst.add.f32.msk $0xffff, v3  }
0x372: {  	[tilespmem:s24+$0x16000] =	vst.add.f32.msk $0xffff, v4  }
0x373: {  	v1 =	vld [tilespmem:s24+$0xE010]  }
0x374: {  	v2 =	vld [tilespmem:s24+$0xE020]  }
0x375: {  	v3 =	vld [tilespmem:s24+$0xE030];
	_ =	sdelay $0x1  }
0x376: {  	[tilespmem:s22+$0x16030] =	vst.add.f32.msk $0xffff, v0  }
0x377: {  	[tilespmem:s24+$0x16010] =	vst.add.f32.msk $0xffff, v1  }
0x378: {  	[tilespmem:s24+$0x16020] =	vst.add.f32.msk $0xffff, v2  }
0x379: {  	[tilespmem:s24+$0x16030] =	vst.add.f32.msk $0xffff, v3  }
0x37a: {  	s22 =	sld [smem:$0x7F4];
	_ =	sdelay $0x2  }
0x37b: {  	[hbm4b:s22+s1] =	stream.linear.scatter [tilespmem:s13], [sflag:$0x8], $0x2000, $0x38;
	[tilespmem:$0x18000] =	vst v63  }
0x37c: {  	_ =	swait.ge [sflag:s19], $0x2000  }
0x37d: {  	s26 =	sld [smem:$0x7F9]  }
0x37e: {  	[sflag:s19] =	ssyncset.done $0x0  }
0x37f: {  	[sflag:s19] =	ssyncadd.s32 $0xFFFFE000  }
0x380: {  	[tilespmem:s11], [sflag:$0x3] =	stream.linear.gather [hbm4b:s26+s1], $0x2000, $0x38;
	[tilespmem:$0x18000] =	vst v63  }
0x381: {  	_ =	swait.ge [sflag:s12], $0x2000  }
0x382: {  	[sflag:s12] =	ssyncset.done $0x0  }
0x383: {  	s23 =	simm.s32 $0x20;
	[sflag:s12] =	ssyncadd.s32 $0xFFFFE000  }
0x384: {  	v1 =	vld [tilespmem:s23+$0x10]  }
0x385: {  	v2 =	vld [tilespmem:s23+$0xFFFFFFF0]  }
0x386: {  	v3 =	vld [tilespmem:s23+$0x0]  }
0x387: {  	v0 =	vld [tilespmem:s23+$0xFFFFFFE0]  }
0x388: {  	s22 =	simm.s32 $0x10030  }
0x389: {  	[tilespmem:s22+$0x0] =	vst.add.f32.msk $0xffff, v1  }
0x38a: {  	[tilespmem:s22+$0xFFFFFFE0] =	vst.add.f32.msk $0xffff, v2  }
0x38b: {  	s24 =	simm.s32 $0x60;
	s23 =	simm.s32 $0x0;
	[tilespmem:s22+$0xFFFFFFF0] =	vst.add.f32.msk $0xffff, v3  }
.LBB2_50:
0x38c: {  	v1 =	vld [tilespmem:s24+$0x10];
	s23 =	sadd.s32 $0x40, s23;
	v2 =	vmov v0  }
0x38d: {  	v3 =	vld [tilespmem:s24+$0xFFFFFFF0];
	p0 =	slt.u32 s23, $0x1FC0  }
0x38e: {  	v4 =	vld [tilespmem:s24+$0x0]  }
.Ltmp24:
0x38f: {  	v0 =	vld [tilespmem:s24+$0xFFFFFFE0];
	(pc) =	sbr.rel @p0 .LBB2_50-.Ltmp24, $4  }
0x390: {  	[tilespmem:s22+$0xFFFFFFD0] =	vst.add.f32.msk $0xffff, v2;
	s22 =	sadd.s32 $0x40, s22  }
0x391: {  	[tilespmem:s22+$0x0] =	vst.add.f32.msk $0xffff, v1  }
0x392: {  	[tilespmem:s22+$0xFFFFFFE0] =	vst.add.f32.msk $0xffff, v3  }
0x393: {  	s24 =	sadd.s32 $0x40, s24;
	[tilespmem:s22+$0xFFFFFFF0] =	vst.add.f32.msk $0xffff, v4  }
0x394: {  	[tilespmem:s22+$0xFFFFFFD0] =	vst.add.f32.msk $0xffff, v0  }
0x395: {  	s22 =	sld [smem:$0x7F6];
	_ =	sdelay $0x2  }
0x396: {  	[hbm4b:s22+s1] =	stream.linear.scatter [tilespmem:s9], [sflag:$0x5], $0x2000, $0x38;
	[tilespmem:$0x18000] =	vst v63  }
0x397: {  	_ =	swait.ge [sflag:s20], $0x2000  }
0x398: {  	s25 =	sld [smem:$0x7FB]  }
0x399: {  	[sflag:s20] =	ssyncset.done $0x0  }
0x39a: {  	[sflag:s20] =	ssyncadd.s32 $0xFFFFE000  }
0x39b: {  	[tilespmem:s13], [sflag:$0x4] =	stream.linear.gather [hbm4b:s25+s1], $0x2000, $0x38;
	[tilespmem:$0x18000] =	vst v63  }
0x39c: {  	_ =	swait.ge [sflag:s14], $0x2000  }
0x39d: {  	s26 =	simm.s32 $0x0;
	[sflag:s14] =	ssyncset.done $0x0  }
0x39e: {  	s22 =	sand.u32 $0x1FC0, s26;
	[sflag:s14] =	ssyncadd.s32 $0xFFFFE000  }
0x39f: {  	s24 =	simm.s32 $0x2030;
	v1 =	vld [tilespmem:s22+$0x2000]  }
0x3a0: {  	v2 =	vld [tilespmem:s24+$0xFFFFFFE0]  }
0x3a1: {  	s23 =	simm.s32 $0x2070;
	v3 =	vld [tilespmem:s24+$0xFFFFFFF0]  }
0x3a2: {  	v0 =	vld [tilespmem:s23+$0xFFFFFFE0]  }
0x3a3: {  	s22 =	simm.s32 $0x12000;
	v4 =	vld [tilespmem:s24+$0x0]  }
0x3a4: {  	[tilespmem:s22+$0x0] =	vst.add.f32.msk $0xffff, v1  }
0x3a5: {  	s24 =	simm.s32 $0x40;
	[tilespmem:s22+$0x10] =	vst.add.f32.msk $0xffff, v2  }
0x3a6: {  	s25 =	sand.u32 $0x1FC0, s24;
	[tilespmem:s22+$0x20] =	vst.add.f32.msk $0xffff, v3  }
0x3a7: {  	v2 =	vld [tilespmem:s25+$0x2000]  }
0x3a8: {  	[tilespmem:s22+$0x30] =	vst.add.f32.msk $0xffff, v4  }
0x3a9: {  	v1 =	vld [tilespmem:s23+$0xFFFFFFF0];
	s25 =	simm.s32 $0x20B0  }
.LBB2_52:
0x3aa: {  	v3 =	vld [tilespmem:s25+$0xFFFFFFE0]  }
0x3ab: {  	s22 =	sadd.s32 $0x40, s22;
	s24 =	sadd.s32 $0x40, s24;
	v4 =	vld [tilespmem:s23+$0x0];
	s23 =	smov.u32 s25  }
0x3ac: {  	p0 =	slt.u32 s24, $0x1FC0;
	[tilespmem:s22+$0x0] =	vst.add.f32.msk $0xffff, v2  }
.Ltmp25:
0x3ad: {  	[tilespmem:s22+$0x10] =	vst.add.f32.msk $0xffff, v0;
	(pc) =	sbr.rel @p0 .LBB2_52-.Ltmp25, $4  }
0x3ae: {  	s26 =	sand.u32 $0x1FC0, s24;
	[tilespmem:s22+$0x20] =	vst.add.f32.msk $0xffff, v1  }
0x3af: {  	v2 =	vld [tilespmem:s26+$0x2000];
	v0 =	vmov v3  }
0x3b0: {  	[tilespmem:s22+$0x30] =	vst.add.f32.msk $0xffff, v4  }
0x3b1: {  	s25 =	sadd.s32 $0x40, s25;
	v1 =	vld [tilespmem:s23+$0xFFFFFFF0]  }
0x3b2: {  	v3 =	vld [tilespmem:s23+$0x0]  }
0x3b3: {  	s22 =	sadd.s32 $0x40, s22  }
0x3b4: {  	[tilespmem:s22+$0x10] =	vst.add.f32.msk $0xffff, v0  }
0x3b5: {  	[tilespmem:s22+$0x0] =	vst.add.f32.msk $0xffff, v2  }
0x3b6: {  	[tilespmem:s22+$0x20] =	vst.add.f32.msk $0xffff, v1  }
0x3b7: {  	[tilespmem:s22+$0x30] =	vst.add.f32.msk $0xffff, v3  }
0x3b8: {  	s24 =	sld [smem:$0x7F8];
	_ =	sdelay $0x1  }
0x3b9: {  	s26 =	simm.s32 $0x0  }
0x3ba: {  	[hbm4b:s24+s26] =	stream.linear.scatter [tilespmem:s10], [sflag:$0x6], $0x2000, $0x38;
	[tilespmem:$0x18000] =	vst v63  }
0x3bb: {  	_ =	swait.ge [sflag:s15], $0x2000  }
0x3bc: {  	s25 =	sld [smem:$0x7FD]  }
0x3bd: {  	[sflag:s15] =	ssyncset.done $0x0  }
0x3be: {  	[sflag:s15] =	ssyncadd.s32 $0xFFFFE000  }
0x3bf: {  	[tilespmem:s9], [sflag:$0x1] =	stream.linear.gather [hbm4b:s25+s26], $0x2000, $0x38;
	[tilespmem:$0x18000] =	vst v63  }
0x3c0: {  	_ =	swait.ge [sflag:s16], $0x2000  }
0x3c1: {  	s26 =	simm.s32 $0x0;
	[sflag:s16] =	ssyncset.done $0x0  }
0x3c2: {  	s22 =	sand.u32 $0x1FC0, s26;
	[sflag:s16] =	ssyncadd.s32 $0xFFFFE000  }
0x3c3: {  	s23 =	simm.s32 $0x40;
	v0 =	vld [tilespmem:s22+$0x4000]  }
0x3c4: {  	s24 =	sand.u32 $0x1FC0, s23  }
0x3c5: {  	s22 =	simm.s32 $0x0;
	v3 =	vld [tilespmem:s24+$0x4000]  }
0x3c6: {  	v1 =	vld [tilespmem:s22+$0x4010]  }
0x3c7: {  	v2 =	vld [tilespmem:s22+$0x4020]  }
0x3c8: {  	[tilespmem:s22+$0x14000] =	vst.add.f32.msk $0xffff, v0  }
0x3c9: {  	v0 =	vld [tilespmem:s22+$0x4030]  }
0x3ca: {  	s24 =	simm.s32 $0x40  }
0x3cb: {  	[tilespmem:s24+$0x14000] =	vst.add.f32.msk $0xffff, v3  }
0x3cc: {  	[tilespmem:s22+$0x14010] =	vst.add.f32.msk $0xffff, v1  }
0x3cd: {  	s25 =	simm.s32 $0x100;
	[tilespmem:s22+$0x14020] =	vst.add.f32.msk $0xffff, v2  }
.LBB2_54:
0x3ce: {  	s23 =	sadd.s32 $0x40, s23;
	v1 =	vld [tilespmem:s24+$0x4010];
	v2 =	vmov v0  }
0x3cf: {  	s26 =	sand.u32 $0x1FC0, s23;
	p0 =	slt.u32 s23, $0x1FC0;
	v3 =	vld [tilespmem:s24+$0x4020]  }
0x3d0: {  	v4 =	vld [tilespmem:s26+$0x4000]  }
.Ltmp26:
0x3d1: {  	v0 =	vld [tilespmem:s24+$0x4030];
	(pc) =	sbr.rel @p0 .LBB2_54-.Ltmp26, $4  }
0x3d2: {  	[tilespmem:s22+$0x14030] =	vst.add.f32.msk $0xffff, v2;
	s22 =	smov.u32 s24  }
0x3d3: {  	s25 =	sadd.s32 $0x100, s25;
	[tilespmem:s22+$0x14010] =	vst.add.f32.msk $0xffff, v1  }
0x3d4: {  	s24 =	sshra.s32 s25, $0x2;
	[tilespmem:s22+$0x14020] =	vst.add.f32.msk $0xffff, v3  }
0x3d5: {  	[tilespmem:s24+$0x14000] =	vst.add.f32.msk $0xffff, v4  }
0x3d6: {  	v1 =	vld [tilespmem:s24+$0x4010]  }
0x3d7: {  	v2 =	vld [tilespmem:s24+$0x4020]  }
0x3d8: {  	v3 =	vld [tilespmem:s24+$0x4030];
	_ =	sdelay $0x1  }
0x3d9: {  	[tilespmem:s22+$0x14030] =	vst.add.f32.msk $0xffff, v0  }
0x3da: {  	[tilespmem:s24+$0x14010] =	vst.add.f32.msk $0xffff, v1  }
0x3db: {  	[tilespmem:s24+$0x14020] =	vst.add.f32.msk $0xffff, v2  }
0x3dc: {  	[tilespmem:s24+$0x14030] =	vst.add.f32.msk $0xffff, v3  }
0x3dd: {  	s23 =	sld [smem:$0x7FA];
	_ =	sdelay $0x1  }
0x3de: {  	s24 =	simm.s32 $0x0  }
0x3df: {  	[hbm4b:s23+s24] =	stream.linear.scatter [tilespmem:s11], [sflag:$0x7], $0x2000, $0x38;
	[tilespmem:$0x18000] =	vst v63  }
0x3e0: {  	_ =	swait.ge [sflag:s17], $0x2000  }
0x3e1: {  	[sflag:s17] =	ssyncset.done $0x0  }
0x3e2: {  	[sflag:s17] =	ssyncadd.s32 $0xFFFFE000  }
0x3e3: {  	[tilespmem:s10], [sflag:$0x2] =	stream.linear.gather [hbm4b:s31+s24], $0x2000, $0x38;
	[tilespmem:$0x18000] =	vst v63  }
0x3e4: {  	_ =	swait.ge [sflag:s18], $0x2000  }
0x3e5: {  	s25 =	simm.s32 $0x0;
	[sflag:s18] =	ssyncset.done $0x0  }
0x3e6: {  	s22 =	sand.u32 $0x1FC0, s25;
	[sflag:s18] =	ssyncadd.s32 $0xFFFFE000  }
0x3e7: {  	s23 =	simm.s32 $0x40;
	v0 =	vld [tilespmem:s22+$0x6000]  }
0x3e8: {  	s26 =	sand.u32 $0x1FC0, s23  }
0x3e9: {  	s22 =	simm.s32 $0x0;
	v3 =	vld [tilespmem:s26+$0x6000]  }
0x3ea: {  	v1 =	vld [tilespmem:s22+$0x6010]  }
0x3eb: {  	v2 =	vld [tilespmem:s22+$0x6020]  }
0x3ec: {  	[tilespmem:s22+$0x16000] =	vst.add.f32.msk $0xffff, v0  }
0x3ed: {  	v0 =	vld [tilespmem:s22+$0x6030]  }
0x3ee: {  	s24 =	simm.s32 $0x40  }
0x3ef: {  	[tilespmem:s24+$0x16000] =	vst.add.f32.msk $0xffff, v3  }
0x3f0: {  	[tilespmem:s22+$0x16010] =	vst.add.f32.msk $0xffff, v1  }
0x3f1: {  	s25 =	simm.s32 $0x100;
	[tilespmem:s22+$0x16020] =	vst.add.f32.msk $0xffff, v2  }
.LBB2_56:
0x3f2: {  	s23 =	sadd.s32 $0x40, s23;
	v1 =	vld [tilespmem:s24+$0x6010];
	v2 =	vmov v0  }
0x3f3: {  	s26 =	sand.u32 $0x1FC0, s23;
	p0 =	slt.u32 s23, $0x1FC0;
	v3 =	vld [tilespmem:s24+$0x6020]  }
0x3f4: {  	v4 =	vld [tilespmem:s26+$0x6000]  }
.Ltmp27:
0x3f5: {  	v0 =	vld [tilespmem:s24+$0x6030];
	(pc) =	sbr.rel @p0 .LBB2_56-.Ltmp27, $4  }
0x3f6: {  	[tilespmem:s22+$0x16030] =	vst.add.f32.msk $0xffff, v2;
	s22 =	smov.u32 s24  }
0x3f7: {  	s25 =	sadd.s32 $0x100, s25;
	[tilespmem:s22+$0x16010] =	vst.add.f32.msk $0xffff, v1  }
0x3f8: {  	s24 =	sshra.s32 s25, $0x2;
	[tilespmem:s22+$0x16020] =	vst.add.f32.msk $0xffff, v3  }
0x3f9: {  	[tilespmem:s24+$0x16000] =	vst.add.f32.msk $0xffff, v4  }
0x3fa: {  	v1 =	vld [tilespmem:s24+$0x6010]  }
0x3fb: {  	v2 =	vld [tilespmem:s24+$0x6020]  }
0x3fc: {  	v3 =	vld [tilespmem:s24+$0x6030];
	_ =	sdelay $0x1  }
0x3fd: {  	[tilespmem:s22+$0x16030] =	vst.add.f32.msk $0xffff, v0  }
0x3fe: {  	[tilespmem:s24+$0x16010] =	vst.add.f32.msk $0xffff, v1  }
0x3ff: {  	[tilespmem:s24+$0x16020] =	vst.add.f32.msk $0xffff, v2  }
0x400: {  	[tilespmem:s24+$0x16030] =	vst.add.f32.msk $0xffff, v3  }
0x401: {  	s23 =	sld [smem:$0x7FC];
	_ =	sdelay $0x1  }
0x402: {  	s24 =	simm.s32 $0x0  }
0x403: {  	[hbm4b:s23+s24] =	stream.linear.scatter [tilespmem:s13], [sflag:$0x8], $0x2000, $0x38;
	[tilespmem:$0x18000] =	vst v63  }
0x404: {  	_ =	swait.ge [sflag:s19], $0x2000  }
0x405: {  	[sflag:s19] =	ssyncset.done $0x0  }
0x406: {  	[sflag:s19] =	ssyncadd.s32 $0xFFFFE000  }
0x407: {  	[tilespmem:s11], [sflag:$0x3] =	stream.linear.gather [hbm4b:s0+s24], $0x2000, $0x38;
	[tilespmem:$0x18000] =	vst v63  }
0x408: {  	_ =	swait.ge [sflag:s12], $0x2000  }
0x409: {  	s25 =	simm.s32 $0x0;
	[sflag:s12] =	ssyncset.done $0x0  }
0x40a: {  	s22 =	sand.u32 $0x1FC0, s25;
	[sflag:s12] =	ssyncadd.s32 $0xFFFFE000  }
0x40b: {  	s23 =	simm.s32 $0x40;
	v0 =	vld [tilespmem:s22+$0x8000]  }
0x40c: {  	s26 =	sand.u32 $0x1FC0, s23  }
0x40d: {  	s22 =	simm.s32 $0x0;
	v3 =	vld [tilespmem:s26+$0x8000]  }
0x40e: {  	v1 =	vld [tilespmem:s22+$0x8010]  }
0x40f: {  	v2 =	vld [tilespmem:s22+$0x8020]  }
0x410: {  	[tilespmem:s22+$0x10000] =	vst.add.f32.msk $0xffff, v0  }
0x411: {  	v0 =	vld [tilespmem:s22+$0x8030]  }
0x412: {  	s24 =	simm.s32 $0x40  }
0x413: {  	[tilespmem:s24+$0x10000] =	vst.add.f32.msk $0xffff, v3  }
0x414: {  	[tilespmem:s22+$0x10010] =	vst.add.f32.msk $0xffff, v1  }
0x415: {  	s25 =	simm.s32 $0x100;
	[tilespmem:s22+$0x10020] =	vst.add.f32.msk $0xffff, v2  }
.LBB2_58:
0x416: {  	s23 =	sadd.s32 $0x40, s23;
	v1 =	vld [tilespmem:s24+$0x8010];
	v2 =	vmov v0  }
0x417: {  	s26 =	sand.u32 $0x1FC0, s23;
	p0 =	slt.u32 s23, $0x1FC0;
	v3 =	vld [tilespmem:s24+$0x8020]  }
0x418: {  	v4 =	vld [tilespmem:s26+$0x8000]  }
.Ltmp28:
0x419: {  	v0 =	vld [tilespmem:s24+$0x8030];
	(pc) =	sbr.rel @p0 .LBB2_58-.Ltmp28, $4  }
0x41a: {  	[tilespmem:s22+$0x10030] =	vst.add.f32.msk $0xffff, v2;
	s22 =	smov.u32 s24  }
0x41b: {  	s25 =	sadd.s32 $0x100, s25;
	[tilespmem:s22+$0x10010] =	vst.add.f32.msk $0xffff, v1  }
0x41c: {  	s24 =	sshra.s32 s25, $0x2;
	[tilespmem:s22+$0x10020] =	vst.add.f32.msk $0xffff, v3  }
0x41d: {  	[tilespmem:s24+$0x10000] =	vst.add.f32.msk $0xffff, v4  }
0x41e: {  	v1 =	vld [tilespmem:s24+$0x8010]  }
0x41f: {  	v2 =	vld [tilespmem:s24+$0x8020]  }
0x420: {  	v3 =	vld [tilespmem:s24+$0x8030];
	_ =	sdelay $0x1  }
0x421: {  	[tilespmem:s22+$0x10030] =	vst.add.f32.msk $0xffff, v0  }
0x422: {  	[tilespmem:s24+$0x10010] =	vst.add.f32.msk $0xffff, v1  }
0x423: {  	[tilespmem:s24+$0x10020] =	vst.add.f32.msk $0xffff, v2  }
0x424: {  	[tilespmem:s24+$0x10030] =	vst.add.f32.msk $0xffff, v3;
	s24 =	simm.s32 $0x0  }
0x425: {  	[hbm4b:s28+s24] =	stream.linear.scatter [tilespmem:s9], [sflag:$0x5], $0x2000, $0x38;
	[tilespmem:$0x18000] =	vst v63  }
0x426: {  	_ =	swait.ge [sflag:s20], $0x2000  }
0x427: {  	[sflag:s20] =	ssyncset.done $0x0  }
0x428: {  	[sflag:s20] =	ssyncadd.s32 $0xFFFFE000  }
0x429: {  	[tilespmem:s13], [sflag:$0x4] =	stream.linear.gather [hbm4b:s2+s24], $0x2000, $0x38;
	[tilespmem:$0x18000] =	vst v63  }
0x42a: {  	_ =	swait.ge [sflag:s14], $0x2000  }
0x42b: {  	s25 =	simm.s32 $0x0;
	[sflag:s14] =	ssyncset.done $0x0  }
0x42c: {  	s22 =	sand.u32 $0x1FC0, s25;
	[sflag:s14] =	ssyncadd.s32 $0xFFFFE000  }
0x42d: {  	s23 =	simm.s32 $0x40;
	v0 =	vld [tilespmem:s22+$0xA000]  }
0x42e: {  	s26 =	sand.u32 $0x1FC0, s23  }
0x42f: {  	s22 =	simm.s32 $0x0;
	v3 =	vld [tilespmem:s26+$0xA000]  }
0x430: {  	v1 =	vld [tilespmem:s22+$0xA010]  }
0x431: {  	v2 =	vld [tilespmem:s22+$0xA020]  }
0x432: {  	[tilespmem:s22+$0x12000] =	vst.add.f32.msk $0xffff, v0  }
0x433: {  	v0 =	vld [tilespmem:s22+$0xA030]  }
0x434: {  	s24 =	simm.s32 $0x40  }
0x435: {  	[tilespmem:s24+$0x12000] =	vst.add.f32.msk $0xffff, v3  }
0x436: {  	[tilespmem:s22+$0x12010] =	vst.add.f32.msk $0xffff, v1  }
0x437: {  	s25 =	simm.s32 $0x100;
	[tilespmem:s22+$0x12020] =	vst.add.f32.msk $0xffff, v2  }
.LBB2_60:
0x438: {  	s23 =	sadd.s32 $0x40, s23;
	v1 =	vld [tilespmem:s24+$0xA010];
	v2 =	vmov v0  }
0x439: {  	s26 =	sand.u32 $0x1FC0, s23;
	p0 =	slt.u32 s23, $0x1FC0;
	v3 =	vld [tilespmem:s24+$0xA020]  }
0x43a: {  	v4 =	vld [tilespmem:s26+$0xA000]  }
.Ltmp29:
0x43b: {  	v0 =	vld [tilespmem:s24+$0xA030];
	(pc) =	sbr.rel @p0 .LBB2_60-.Ltmp29, $4  }
0x43c: {  	[tilespmem:s22+$0x12030] =	vst.add.f32.msk $0xffff, v2;
	s22 =	smov.u32 s24  }
0x43d: {  	s25 =	sadd.s32 $0x100, s25;
	[tilespmem:s22+$0x12010] =	vst.add.f32.msk $0xffff, v1  }
0x43e: {  	s24 =	sshra.s32 s25, $0x2;
	[tilespmem:s22+$0x12020] =	vst.add.f32.msk $0xffff, v3  }
0x43f: {  	[tilespmem:s24+$0x12000] =	vst.add.f32.msk $0xffff, v4  }
0x440: {  	v1 =	vld [tilespmem:s24+$0xA010]  }
0x441: {  	v2 =	vld [tilespmem:s24+$0xA020]  }
0x442: {  	v3 =	vld [tilespmem:s24+$0xA030];
	_ =	sdelay $0x1  }
0x443: {  	[tilespmem:s22+$0x12030] =	vst.add.f32.msk $0xffff, v0  }
0x444: {  	[tilespmem:s24+$0x12010] =	vst.add.f32.msk $0xffff, v1  }
0x445: {  	[tilespmem:s24+$0x12020] =	vst.add.f32.msk $0xffff, v2  }
0x446: {  	[tilespmem:s24+$0x12030] =	vst.add.f32.msk $0xffff, v3;
	s24 =	simm.s32 $0x0  }
0x447: {  	[hbm4b:s3+s24] =	stream.linear.scatter [tilespmem:s10], [sflag:$0x6], $0x2000, $0x38;
	[tilespmem:$0x18000] =	vst v63  }
0x448: {  	_ =	swait.ge [sflag:s16], $0x2000  }
0x449: {  	s25 =	simm.s32 $0x0;
	[sflag:s16] =	ssyncset.done $0x0  }
0x44a: {  	s22 =	sand.u32 $0x1FC0, s25;
	[sflag:s16] =	ssyncadd.s32 $0xFFFFE000  }
0x44b: {  	s23 =	simm.s32 $0x40;
	v0 =	vld [tilespmem:s22+$0xC000]  }
0x44c: {  	s26 =	sand.u32 $0x1FC0, s23  }
0x44d: {  	s22 =	simm.s32 $0x0;
	v3 =	vld [tilespmem:s26+$0xC000]  }
0x44e: {  	v1 =	vld [tilespmem:s22+$0xC010]  }
0x44f: {  	v2 =	vld [tilespmem:s22+$0xC020]  }
0x450: {  	[tilespmem:s22+$0x14000] =	vst.add.f32.msk $0xffff, v0  }
0x451: {  	v0 =	vld [tilespmem:s22+$0xC030]  }
0x452: {  	s24 =	simm.s32 $0x40  }
0x453: {  	[tilespmem:s24+$0x14000] =	vst.add.f32.msk $0xffff, v3  }
0x454: {  	[tilespmem:s22+$0x14010] =	vst.add.f32.msk $0xffff, v1  }
0x455: {  	s25 =	simm.s32 $0x100;
	[tilespmem:s22+$0x14020] =	vst.add.f32.msk $0xffff, v2  }
.LBB2_62:
0x456: {  	s23 =	sadd.s32 $0x40, s23;
	v1 =	vld [tilespmem:s24+$0xC010];
	v2 =	vmov v0  }
0x457: {  	s26 =	sand.u32 $0x1FC0, s23;
	p0 =	slt.u32 s23, $0x1FC0;
	v3 =	vld [tilespmem:s24+$0xC020]  }
0x458: {  	v4 =	vld [tilespmem:s26+$0xC000]  }
.Ltmp30:
0x459: {  	v0 =	vld [tilespmem:s24+$0xC030];
	(pc) =	sbr.rel @p0 .LBB2_62-.Ltmp30, $4  }
0x45a: {  	[tilespmem:s22+$0x14030] =	vst.add.f32.msk $0xffff, v2;
	s22 =	smov.u32 s24  }
0x45b: {  	s25 =	sadd.s32 $0x100, s25;
	[tilespmem:s22+$0x14010] =	vst.add.f32.msk $0xffff, v1  }
0x45c: {  	s24 =	sshra.s32 s25, $0x2;
	[tilespmem:s22+$0x14020] =	vst.add.f32.msk $0xffff, v3  }
0x45d: {  	[tilespmem:s24+$0x14000] =	vst.add.f32.msk $0xffff, v4  }
0x45e: {  	v1 =	vld [tilespmem:s24+$0xC010]  }
0x45f: {  	v2 =	vld [tilespmem:s24+$0xC020]  }
0x460: {  	v3 =	vld [tilespmem:s24+$0xC030];
	_ =	sdelay $0x1  }
0x461: {  	[tilespmem:s22+$0x14030] =	vst.add.f32.msk $0xffff, v0  }
0x462: {  	[tilespmem:s24+$0x14010] =	vst.add.f32.msk $0xffff, v1  }
0x463: {  	[tilespmem:s24+$0x14020] =	vst.add.f32.msk $0xffff, v2  }
0x464: {  	[tilespmem:s24+$0x14030] =	vst.add.f32.msk $0xffff, v3;
	s24 =	simm.s32 $0x0  }
0x465: {  	[hbm4b:s4+s24] =	stream.linear.scatter [tilespmem:s11], [sflag:$0x7], $0x2000, $0x38;
	[tilespmem:$0x18000] =	vst v63  }
0x466: {  	_ =	swait.ge [sflag:s18], $0x2000  }
0x467: {  	s25 =	simm.s32 $0x0;
	[sflag:s18] =	ssyncset.done $0x0  }
0x468: {  	s22 =	sand.u32 $0x1FC0, s25;
	[sflag:s18] =	ssyncadd.s32 $0xFFFFE000  }
0x469: {  	s23 =	simm.s32 $0x40;
	v0 =	vld [tilespmem:s22+$0xE000]  }
0x46a: {  	s26 =	sand.u32 $0x1FC0, s23  }
0x46b: {  	s22 =	simm.s32 $0x0;
	v3 =	vld [tilespmem:s26+$0xE000]  }
0x46c: {  	v1 =	vld [tilespmem:s22+$0xE010]  }
0x46d: {  	v2 =	vld [tilespmem:s22+$0xE020]  }
0x46e: {  	[tilespmem:s22+$0x16000] =	vst.add.f32.msk $0xffff, v0  }
0x46f: {  	v0 =	vld [tilespmem:s22+$0xE030]  }
0x470: {  	s24 =	simm.s32 $0x40  }
0x471: {  	[tilespmem:s24+$0x16000] =	vst.add.f32.msk $0xffff, v3  }
0x472: {  	[tilespmem:s22+$0x16010] =	vst.add.f32.msk $0xffff, v1  }
0x473: {  	s25 =	simm.s32 $0x100;
	[tilespmem:s22+$0x16020] =	vst.add.f32.msk $0xffff, v2  }
.LBB2_64:
0x474: {  	s23 =	sadd.s32 $0x40, s23;
	v1 =	vld [tilespmem:s24+$0xE010];
	v2 =	vmov v0  }
0x475: {  	s26 =	sand.u32 $0x1FC0, s23;
	p0 =	slt.u32 s23, $0x1FC0;
	v3 =	vld [tilespmem:s24+$0xE020]  }
0x476: {  	v4 =	vld [tilespmem:s26+$0xE000]  }
.Ltmp31:
0x477: {  	v0 =	vld [tilespmem:s24+$0xE030];
	(pc) =	sbr.rel @p0 .LBB2_64-.Ltmp31, $4  }
0x478: {  	[tilespmem:s22+$0x16030] =	vst.add.f32.msk $0xffff, v2;
	s22 =	smov.u32 s24  }
0x479: {  	s25 =	sadd.s32 $0x100, s25;
	[tilespmem:s22+$0x16010] =	vst.add.f32.msk $0xffff, v1  }
0x47a: {  	s24 =	sshra.s32 s25, $0x2;
	[tilespmem:s22+$0x16020] =	vst.add.f32.msk $0xffff, v3  }
0x47b: {  	[tilespmem:s24+$0x16000] =	vst.add.f32.msk $0xffff, v4  }
0x47c: {  	v1 =	vld [tilespmem:s24+$0xE010]  }
0x47d: {  	v2 =	vld [tilespmem:s24+$0xE020]  }
0x47e: {  	v3 =	vld [tilespmem:s24+$0xE030];
	_ =	sdelay $0x1  }
0x47f: {  	[tilespmem:s22+$0x16030] =	vst.add.f32.msk $0xffff, v0  }
0x480: {  	[tilespmem:s24+$0x16010] =	vst.add.f32.msk $0xffff, v1  }
0x481: {  	[tilespmem:s24+$0x16020] =	vst.add.f32.msk $0xffff, v2  }
0x482: {  	[tilespmem:s24+$0x16030] =	vst.add.f32.msk $0xffff, v3  }
0x483: {  	[hbm4b:s5+s1] =	stream.linear.scatter [tilespmem:s13], [sflag:$0x8], $0x2000, $0x38;
	[tilespmem:$0x18000] =	vst v63  }
0x484: {  	_ =	swait.ge [sflag:s15], $0x2000  }
0x485: {  	[sflag:s15] =	ssyncset.done $0x0  }
0x486: {  	[sflag:s15] =	ssyncadd.s32 $0xFFFFE000  }
0x487: {  	_ =	swait.ge [sflag:s17], $0x2000  }
0x488: {  	[sflag:s17] =	ssyncset.done $0x0  }
0x489: {  	s21 =	sadd.s32 $0x1, s21;
	[sflag:s17] =	ssyncadd.s32 $0xFFFFE000  }
0x48a: {  	p0 =	sne.s32 s21, s7;
	_ =	swait.ge [sflag:s19], $0x2000  }
.Ltmp32:
0x48b: {  	[sflag:s19] =	ssyncset.done $0x0;
	(pc) =	sbr.rel @p0 .LBB2_1-.Ltmp32, $4  }
0x48c: {  	[sflag:s19] =	ssyncadd.s32 $0xFFFFE000  }
0x48d: {  	_ =	swait.ge [sflag:s20], $0x2000  }
0x48e: {  	[sflag:s20] =	ssyncset.done $0x0  }
0x48f: {  	[sflag:s20] =	ssyncadd.s32 $0xFFFFE000  }
0x490: {  	_ =	sfence.sel $0x180000  }
0x491: {  	[bflag:$0x0] =	sbarrier.arrive $0xFFFF  }
0x492: {  	_ =	strace $0x9000004A  }
0x493: {  	s0 =	stileid.u32;
	[bflag:$0x2] =	sbarrier.arrive $0xFFFF  }
0x494: {  	p0 =	sne.s32 s0, $0x0;
	s0 =	rddreg [dreg:$0x2]  }
0x495: {  	s0 =	sadd.s32 @!p0 $0x100000, s0  }
0x496: {  	[sflag:s0] =	ssyncadd.tile.s32 @!p0 $0x1;
	_ =	shalt  }
.Lfunc_end2:
_tile_overlayer_lowered:
.L_overlay_start_2:
0x497: {  	(tag) =	ssettag $0x2  }
0x498: {  	s0 =	rddreg [dreg:$0x0];
	s2 =	stileid.u32  }
0x499: {  	s1 =	rddreg [dreg:$0x1];
	p0 =	sne.s32 s2, $0x0  }
0x49a: {  	s3 =	rddreg [dreg:$0x2];
	[bflag:$0x3] =	sbarrier.arrive $0xFFFF;
	s2 =	simm.s32 @!p0 $0x1C09  }
0x49b: {  	[timem:s3], [sflag:s2] =	dma.local @!p0 [hbm:s0], s1  }
0x49c: {  	s0 =	simm.s32 @!p0 $0x9  }
0x49d: {  	_ =	swait.ge @!p0 [sflag:s0], s1  }
0x49e: {  	s1 =	ssub.s32 @!p0 $0x0, s1;
	[sflag:s0] =	ssyncset.done @!p0 $0x0  }
0x49f: {  	[sflag:s0] =	ssyncadd.s32 @!p0 s1  }
0x4a0: {  	[bflag:$0x3] =	sbarrier.arrive $0xFFFF  }
0x4a1: {  	_ =	shalt  }

// kernel: sparse-core-data-format-call.cloned.1.call-start
scs
called_computation_lowered:
.L_overlay_start_0:
0x0: {  	s2 =	sld [smem:$0x3FD9]  }
0x1: {  	s3 =	sld [smem:$0x3FFE];
	_ =	sdelay $0x1  }
0x2: {  	s1 =	srdreg.scid  }
0x3: {  	s0 =	sand.u32 $0x1, s1  }
0x4: {  	s19 =	sshll.u32 s0, $0xA;
	s2 =	sadd.s32 s3, s2  }
0x5: {  	s2 =	sadd.s32 s2, s19  }
0x6: {  	[smem:$0x3FC6] =	sst s2  }
0x7: {  	_ = 	snop  }
0x8: {  	s2 =	sld [smem:$0x3FC9]  }
0x9: {  	s20 =	sld [smem:$0x3FD0];
	(tm) =	ssettm $0x1  }
0xa: {  	s4 =	sld [smem:$0x3FFB];
	_ =	sdelay $0x3  }
0xb: {  	_ =	strace s4  }
0xc: {  	s4 =	sld [smem:$0x3FFC];
	_ =	sdelay $0x3  }
0xd: {  	_ =	strace s4  }
0xe: {  	s4 =	sld [smem:$0x3FFD];
	_ =	sdelay $0x3  }
0xf: {  	_ =	strace s4  }
0x10: {  	_ =	strace $0x8FFFFFFF  }
0x11: {  	s21 =	sld [smem:$0x3FDB];
	_ =	sdelay $0x1  }
0x12: {  	s5 =	simm.s32 $_scs_section_size  }
0x13: {  	s6 =	simm.s32 $_size__tile_overlayer_lowered;
	s7 =	simm.s32 $_tile_overlayer_lowered  }
0x14: {  	s24 =	simm.s32 $0x1BFF;
	s23 =	sshll.u32 s7, $0x1;
	s4 =	sadd.s32 s5, s21  }
0x15: {  	s8 =	simm.s32 $0x0;
	s22 =	sshll.u32 s6, $0x1;
	s6 =	sadd.s32 s23, s4  }
0x16: {  	[timem:s8], [sflag:s24] =	dma.local [hbm:s6], s22  }
0x17: {  	_ =	swait.ge [sflag:s24], s22  }
0x18: {  	s5 =	ssub.s32 $0x0, s22;
	[sflag:s24] =	ssyncset.done $0x0  }
0x19: {  	[sflag:s24] =	ssyncadd.s32 s5;
	_ =	sdelay $0x1  }
0x1a: {  	s25 =	simm.s32 $0x1B8B  }
0x1b: {  	_ =	swait.ge [sflag:s25], $0x1  }
0x1c: {  	[sflag:s25] =	ssyncset.done $0x0  }
0x1d: {  	s26 =	simm.s32 $0x1B8E;
	[sflag:s25] =	ssyncadd.s32 $0xFFFFFFFF  }
0x1e: {  	s27 =	simm.s32 $execute0_lowered;
	[smem:$0x3FD2] =	sst s26  }
0x1f: {  	s5 =	sshll.u32 s27, $0x1;
	_ =	strace $0x80000046;
	[dreg:$0x1] =	wrdreg $0xFFFFFFFF  }
0x20: {  	s28 =	simm.s32 $_size_execute0_lowered;
	s4 =	sadd.s32 s4, s5;
	[dreg:$0x0] =	wrdreg $0x0  }
0x21: {  	s5 =	sshll.u32 s28, $0x1;
	[dreg:$0x2] =	wrdreg s4  }
0x22: {  	[dreg:$0x3] =	wrdreg s5  }
0x23: {  	[dreg:$0x4] =	wrdreg $0xC0  }
0x24: {  	_ =	task [dreg:s8], $0x5FFFF  }
0x25: {  	[dreg:$0x1] =	wrdreg $0xFFFFFFFF  }
0x26: {  	[dreg:$0x0] =	wrdreg $0x60  }
0x27: {  	[dreg:$0x2] =	wrdreg s2  }
0x28: {  	[dreg:$0x3] =	wrdreg s20  }
0x29: {  	[dreg:$0x4] =	wrdreg $0x9  }
0x2a: {  	_ =	task.clear_ibuf [dreg:s8], $0x5FFFF;
	_ =	strace $0x90000046  }
0x2b: {  	s29 =	simm.s32 $0x9;
	_ =	strace $0x80000048  }
0x2c: {  	_ =	swait.ge [sflag:s29], $0x1  }
0x2d: {  	[sflag:s29] =	ssyncadd.s32 $0xFFFFFFFF  }
0x2e: {  	_ =	strace $0x90000048  }
0x2f: {  	_ =	sfence  }
0x30: {  	s30 =	sld [smem:$0x0];
	_ =	sdelay $0x2  }
0x31: {  	s31 =	sshll.u32 s1, $0xD;
	s1 =	sshrl.u32 s1, $0x2  }
0x32: {  	s3 =	sand.u32 $0x4000, s31;
	s1 =	sadd.s32 s1, s30  }
0x33: {  	s0 =	sor.u32 s3, s0;
	s1 =	sshll.u32 s1, $0x11  }
0x34: {  	s0 =	sor.u32 s1, s0  }
0x35: {  	s0 =	sadd.s32 $0x8F2B, s0  }
0x36: {  	[sflag:s0] =	ssyncadd.remote.s32 $0x1  }
0x37: {  	_ =	sfence.sel $0xFFFF  }
0x38: {  	[dreg:$0x0] =	wrdreg $0xFFFFFFFF;
	(pc) =	sbr.abs _section_cstart, $3  }
0x39: {  	[dreg:$0x1] =	wrdreg $0xFFFFFFFF  }
0x3a: {  	_ =	task.clear_ibuf [dreg:s8], $0x2FFFF;
	_ =	strace $0x9FFFFFFF  }
0x3b: {  	(tm) =	ssettm $0x7FFFFFFF  }
tec
execute0_lowered:
.L_overlay_start_1:
0x0: {  	(tag) =	ssettag $0x1  }
0x1: {  	s0 =	srdreg.scid  }
0x2: {  	s1 =	sshll.u32 s0, $0x4  }
0x3: {  	s2 =	rddreg [dreg:$0x0];
	s0 =	stileid.u32;
	s1 =	sand.u32 $0x10, s1  }
0x4: {  	s4 =	rddreg [dreg:$0x1];
	s1 =	sor.u32 s0, s1  }
0x5: {  	s7 =	simm.s32 $0x1;
	s8 =	simm.s32 $0x2;
	s3 =	sshll.u32 s1, $0x1  }
0x6: {  	s9 =	simm.s32 $0x0;
	s12 =	simm.s32 $0x0;
	s6 =	ssub.s32 $0x400, s3  }
.Ltmp0:
0x7: {  	s11 =	simm.s32 $0x0;
	s5 =	sand.u32 $0x3E, s6;
	(pc) =	sbr.rel .LBB1_1-.Ltmp0, $4  }
0x8: {  	s1 =	rddreg [dreg:$0x2];
	_ =	strace $0x80000047;
	p0 =	sne.s32 s5, $0x0  }
0x9: {  	s6 =	sshrl.u32 s6, $0x6;
	s5 =	simm.s32 $0x1;
	s7 =	simm.s32 @!p0 $0x0  }
0xa: {  	s10 =	smov.u32 s3;
	[sflag:s5] =	ssyncpa.u1 $0x0;
	s6 =	sadd.s32 s7, s6  }
0xb: {  	[sflag:s8] =	ssyncpa.u1 $0x0;
	s8 =	simm.s32 $0x0;
	s7 =	sadd.s32 $0x1, s6  }
.LBB1_9:
0xc: {  	s14 =	sadd.s32 $0x40, s10  }
0xd: {  	p1 =	sgt.s32 s14, $0x3FF  }
0xe: {  	s14 =	smov.u32 @p1 s3;
	p1 =	sne.s32 s11, s7  }
.Ltmp1:
0xf: {  	p0 =	slt.u32 s11, $0x2;
	(pc) =	sbr.rel @!p1 .LBB1_10-.Ltmp1, $4  }
0x10: {  	s13 =	simm.s32 @!p0 $0x2  }
0x11: {  	s15 =	sadd.s32 $0x1, s11;
	_ =	swait.ge @!p0 [sflag:s13], $0x4000  }
0x12: {  	s12 =	smov.u32 s10;
	s9 =	sadd.s32 $0x4000, s9;
	[sflag:s13] =	ssyncset.done @!p0 $0x0  }
0x13: {  	s11 =	smov.u32 s15;
	s10 =	smov.u32 s14;
	[sflag:s13] =	ssyncadd.s32 @!p0 $0xFFFFC000  }
.LBB1_1:
0x14: {  	p0 =	sge.u32 s11, s6  }
0x15: {  	s13 =	sxor.u32 @!p0 $0xFFFFFFFF, s11  }
0x16: {  	s31 =	sadd.s32 $0xFFFFFFFF, s11;
	s14 =	sshll.u32 @!p0 s10, $0xA;
	s13 =	sshll.u32 @!p0 s13, $0xE  }
0x17: {  	s15 =	simm.s32 @!p0 $0x0;
	s14 =	sadd.s32 @!p0 s2, s14;
	s13 =	sand.u32 @!p0 $0x4000, s13  }
0x18: {  	[tilespmem:s13], [sflag:$0x1] =	stream.linear.gather @!p0 [hbm4b:s14+s15], $0x4000, $0x38;
	[tilespmem:$0x10000] =	vst v63  }
0x19: {  	p0 =	sge.u32 s31, s6  }
.Ltmp2:
0x1a: {  	_ = 	snop;
	(pc) =	sbr.rel @p0 .LBB1_9-.Ltmp2, $1  }
0x1b: {  	_ =	sdelay $0x3  }
0x1c: {  	s13 =	sshll.u32 s9, $0x2  }
0x1d: {  	_ =	swait.ge [sflag:s5], $0x4000;
	s14 =	sshll.u32 s11, $0xE;
	s16 =	simm.s32 $0x0  }
0x1e: {  	p1 =	por $0x1, $0x1;
	s13 =	sand.u32 $0x10000, s13;
	[sflag:s5] =	ssyncset.done $0x0  }
0x1f: {  	s14 =	sand.u32 $0x4000, s14;
	s15 =	sshrl.u32 s13, $0x2;
	[sflag:s5] =	ssyncadd.s32 $0xFFFFC000  }
0x20: {  	s13 =	sor.u32 $0x8000, s14;
	s14 =	sadd.s32 $0x8040, s15;
	s15 =	sadd.s32 $0x40, s15  }
.LBB1_3:
0x21: {  	s16 =	sshll.u32 s16, $0x2  }
0x22: {  	p0 =	por p1, p1;
	s17 =	sshra.s32 s16, $0x2  }
0x23: {  	s18 =	simm.s32 $0x0;
	s16 =	sadd.s32 s17, s14;
	s17 =	sadd.s32 s17, s15  }
.LBB1_4:
0x24: {  	v0 =	vmov s17;
	_ =	sdelay $0x3  }
0x25: {  	s20 =	simm.s32 $0x0  }
0x26: {  	v6 =	vld.idx.msk [tilespmem:v0+s20+$0x30 ss:$0x1], $0xffff  }
0x27: {  	v7 =	vld.idx.msk [tilespmem:v0+s20+$0xFFFFFFC0 ss:$0x1], $0xffff  }
0x28: {  	v5 =	vld.idx.msk [tilespmem:v0+s20+$0xFFFFFFD0 ss:$0x1], $0xffff  }
0x29: {  	v4 =	vld.idx.msk [tilespmem:v0+s20+$0xFFFFFFE0 ss:$0x1], $0xffff  }
0x2a: {  	v3 =	vld.idx.msk [tilespmem:v0+s20+$0xFFFFFFF0 ss:$0x1], $0xffff  }
0x2b: {  	v1 =	vld.idx.msk [tilespmem:v0+s20+$0x0 ss:$0x1], $0xffff  }
0x2c: {  	v2 =	vld.idx.msk [tilespmem:v0+s20+$0x10 ss:$0x1], $0xffff;
	[tilespmem:s16+$0x30] =	vst v6  }
0x2d: {  	s19 =	simm.s32 $0x80;
	s21 =	simm.s32 $0x400;
	[tilespmem:s16+$0xFFFFFFC0] =	vst v7;
	v6 =	vld.idx.msk [tilespmem:v0+s20+$0x20 ss:$0x1], $0xffff;
	s20 =	smov.u32 s16  }
.LBB1_5:
0x2e: {  	p1 =	sne.s32 s21, $0xE00;
	v7 =	vld.idx.msk [tilespmem:v0+s19+$0x30 ss:$0x1], $0xffff;
	[tilespmem:s20+$0xFFFFFFD0] =	vst v5  }
0x2f: {  	v8 =	vld.idx.msk [tilespmem:v0+s19+$0xFFFFFFC0 ss:$0x1], $0xffff;
	[tilespmem:s20+$0xFFFFFFE0] =	vst v4  }
0x30: {  	v5 =	vld.idx.msk [tilespmem:v0+s19+$0xFFFFFFD0 ss:$0x1], $0xffff;
	[tilespmem:s20+$0xFFFFFFF0] =	vst v3  }
.Ltmp3:
0x31: {  	v4 =	vld.idx.msk [tilespmem:v0+s19+$0xFFFFFFE0 ss:$0x1], $0xffff;
	[tilespmem:s20+$0x0] =	vst v1;
	(pc) =	sbr.rel @p1 .LBB1_5-.Ltmp3, $4  }
0x32: {  	v3 =	vld.idx.msk [tilespmem:v0+s19+$0xFFFFFFF0 ss:$0x1], $0xffff;
	[tilespmem:s20+$0x10] =	vst v2  }
0x33: {  	v1 =	vld.idx.msk [tilespmem:v0+s19+$0x0 ss:$0x1], $0xffff;
	[tilespmem:s20+$0x20] =	vst v6;
	s20 =	sadd.s32 $0x400, s20  }
0x34: {  	v2 =	vld.idx.msk [tilespmem:v0+s19+$0x10 ss:$0x1], $0xffff;
	[tilespmem:s20+$0x30] =	vst v7  }
0x35: {  	[tilespmem:s20+$0xFFFFFFC0] =	vst v8;
	v6 =	vld.idx.msk [tilespmem:v0+s19+$0x20 ss:$0x1], $0xffff;
	s19 =	sshra.s32 s21, $0x2;
	s21 =	sadd.s32 $0x200, s21  }
0x36: {  	_ =	sdelay $0x2  }
0x37: {  	[tilespmem:s20+$0xFFFFFFD0] =	vst v5  }
0x38: {  	v56 =	vld.idx.msk [tilespmem:v0+s19+$0x30 ss:$0x1], $0xffff;
	[tilespmem:s20+$0xFFFFFFE0] =	vst v4  }
0x39: {  	v57 =	vld.idx.msk [tilespmem:v0+s19+$0xFFFFFFC0 ss:$0x1], $0xffff;
	[tilespmem:s20+$0xFFFFFFF0] =	vst v3  }
0x3a: {  	v58 =	vld.idx.msk [tilespmem:v0+s19+$0xFFFFFFD0 ss:$0x1], $0xffff;
	[tilespmem:s20+$0x0] =	vst v1  }
0x3b: {  	v59 =	vld.idx.msk [tilespmem:v0+s19+$0xFFFFFFE0 ss:$0x1], $0xffff;
	[tilespmem:s20+$0x10] =	vst v2  }
0x3c: {  	v60 =	vld.idx.msk [tilespmem:v0+s19+$0xFFFFFFF0 ss:$0x1], $0xffff;
	s31 =	sadd.s32 $0x400, s20;
	[tilespmem:s20+$0x20] =	vst v6  }
0x3d: {  	v61 =	vld.idx.msk [tilespmem:v0+s19+$0x0 ss:$0x1], $0xffff;
	[tilespmem:s31+$0x30] =	vst v56  }
0x3e: {  	v62 =	vld.idx.msk [tilespmem:v0+s19+$0x10 ss:$0x1], $0xffff;
	s18 =	sadd.s32 $0x1, s18;
	[tilespmem:s31+$0xFFFFFFC0] =	vst v57  }
0x3f: {  	v63 =	vld.idx.msk [tilespmem:v0+s19+$0x20 ss:$0x1], $0xffff;
	p1 =	sne.s32 s18, $0x8;
	[tilespmem:s31+$0xFFFFFFD0] =	vst v58  }
.Ltmp4:
0x40: {  	[tilespmem:s31+$0xFFFFFFE0] =	vst v59;
	(pc) =	sbr.rel @p1 .LBB1_4-.Ltmp4, $4  }
0x41: {  	[tilespmem:s31+$0xFFFFFFF0] =	vst v60  }
0x42: {  	[tilespmem:s31+$0x0] =	vst v61  }
0x43: {  	[tilespmem:s31+$0x10] =	vst v62  }
0x44: {  	s16 =	sadd.s32 $0x80, s16;
	s17 =	sadd.s32 $0x400, s17;
	[tilespmem:s31+$0x20] =	vst v63  }
.Ltmp5:
0x45: {  	(pc) =	sbr.rel @p0 .LBB1_3-.Ltmp5, $2  }
0x46: {  	_ =	sdelay $0x2  }
0x47: {  	s16 =	simm.s32 $0x2000;
	p1 =	por $0x0, $0x0  }
.Ltmp6:
0x48: {  	(pc) =	sbr.rel .LBB1_9-.Ltmp6, $4  }
0x49: {  	_ = 	snop  }
0x4a: {  	s12 =	sshll.u32 s12, $0xA  }
0x4b: {  	s12 =	sadd.s32 s4, s12  }
0x4c: {  	[hbm4b:s12+s8] =	stream.linear.scatter [tilespmem:s13], [sflag:$0x2], $0x4000, $0x38;
	[tilespmem:$0x10000] =	vst v63  }
.LBB1_10:
0x4d: {  	_ =	sfence.sel $0x180000  }
0x4e: {  	s2 =	simm.s32 $0x1;
	[bflag:$0x0] =	sbarrier.arrive $0xFFFF  }
0x4f: {  	s31 =	simm.s32 $0x2;
	[sflag:s2] =	ssyncpa.u1 $0x1  }
0x50: {  	[sflag:s31] =	ssyncpa.u1 $0x1  }
0x51: {  	p0 =	sne.s32 s0, $0x0;
	_ =	strace $0x90000047  }
0x52: {  	s0 =	sadd.s32 @!p0 $0x100000, s1;
	[bflag:$0x2] =	sbarrier.arrive $0xFFFF  }
0x53: {  	[sflag:s0] =	ssyncadd.tile.s32 @!p0 $0x1;
	_ =	shalt  }
.Lfunc_end1:
_tile_overlayer_lowered:
.L_overlay_start_2:
0x54: {  	(tag) =	ssettag $0x2  }
0x55: {  	s0 =	rddreg [dreg:$0x0];
	s2 =	stileid.u32  }
0x56: {  	s1 =	rddreg [dreg:$0x1];
	p0 =	sne.s32 s2, $0x0  }
0x57: {  	s3 =	rddreg [dreg:$0x2];
	[bflag:$0x3] =	sbarrier.arrive $0xFFFF;
	s2 =	simm.s32 @!p0 $0x1C01  }
0x58: {  	[timem:s3], [sflag:s2] =	dma.local @!p0 [hbm:s0], s1  }
0x59: {  	s0 =	simm.s32 @!p0 $0x1  }
0x5a: {  	_ =	swait.ge @!p0 [sflag:s0], s1  }
0x5b: {  	s1 =	ssub.s32 @!p0 $0x0, s1;
	[sflag:s0] =	ssyncset.done @!p0 $0x0  }
0x5c: {  	[sflag:s0] =	ssyncadd.s32 @!p0 s1  }
0x5d: {  	[bflag:$0x3] =	sbarrier.arrive $0xFFFF  }
0x5e: {  	_ =	shalt  }

</sc_bundles>
